<compile_context>
chip_gen: v7x
topology: tpu7x:2x2x1
jax: 0.10.2.dev20260603
libtpu: 0.0.44.dev20260713+nightly
codegen_flags: <defaults>
</compile_context>

<pallas_src>
import functools

import jax
import jax.numpy as jnp
from jax import lax
from jax.experimental import pallas as pl
from jax.experimental.pallas import tpu as pltpu
from jax.experimental.pallas import tpu_sc as plsc

NC, NS = 2, 16
NW = NC * NS
B = 128
ZR = 64


def _cdiv(a, b):
    return -(-a // b)


def _mesh():
    return plsc.VectorSubcoreMesh(core_axis_name="c", subcore_axis_name="s")


def _sc_degrees(src_idx, dst_idx, zeros, acc_rows, nb):
    out_t = [jax.ShapeDtypeStruct((NW, acc_rows), jnp.float32)] * 2

    @functools.partial(
        pl.kernel,
        out_type=out_t,
        mesh=_mesh(),
        scratch_types=[
            pltpu.VMEM((nb, B), jnp.int32),
            pltpu.VMEM((nb, B), jnp.int32),
            pltpu.VMEM((acc_rows,), jnp.float32),
            pltpu.VMEM((acc_rows,), jnp.float32),
        ],
        compiler_params=pltpu.CompilerParams(use_tc_tiling_on_sc=False,
                                             needs_layout_passes=False),
    )
    def k(src_hbm, dst_hbm, zeros_hbm, osrc_hbm, odst_hbm,
          isv, idv, dsrc_v, ddst_v):
        c = lax.axis_index("c")
        s = lax.axis_index("s")
        w = s * NC + c
        pltpu.sync_copy(src_hbm.at[w], isv)
        pltpu.sync_copy(dst_hbm.at[w], idv)
        pltpu.sync_copy(zeros_hbm, dsrc_v)
        pltpu.sync_copy(zeros_hbm, ddst_v)

        ones = jnp.ones((16,), jnp.float32)

        @pl.loop(0, nb)
        def _(j):
            for t in range(B // 16):
                plsc.addupdate_scatter(dsrc_v, [isv[j, pl.ds(t * 16, 16)]],
                                       ones)
                plsc.addupdate_scatter(ddst_v, [idv[j, pl.ds(t * 16, 16)]],
                                       ones)

        pltpu.sync_copy(dsrc_v, osrc_hbm.at[w])
        pltpu.sync_copy(ddst_v, odst_hbm.at[w])

    return k(src_idx, dst_idx, zeros)


def _sc_segment_sum(h_r, src0, src1, dst_idx, zeros, acc_rows, nb):
    dh = h_r.shape[1]
    rows_per_sub = acc_rows // NS
    n_zcopy = rows_per_sub // ZR

    @functools.partial(
        pl.kernel,
        out_type=jax.ShapeDtypeStruct((NC, 2, acc_rows, dh), jnp.float32),
        mesh=_mesh(),
        scratch_types=[
            pltpu.VMEM((nb, B), jnp.int32),
            pltpu.VMEM((nb, B), jnp.int32),
            pltpu.VMEM((nb, B), jnp.int32),
            pltpu.VMEM((B, dh), jnp.float32),
            pltpu.VMEM((B, dh), jnp.float32),
            pltpu.VMEM((ZR, dh), jnp.float32),
            pltpu.VMEM_SHARED((acc_rows, dh), jnp.float32),
            pltpu.SemaphoreType.DMA,
            pltpu.SemaphoreType.DMA,
            pltpu.SemaphoreType.DMA,
            pltpu.SemaphoreType.DMA,
        ],
        compiler_params=pltpu.CompilerParams(use_tc_tiling_on_sc=False),
    )
    def k(h_hbm, s0_hbm, s1_hbm, dst_hbm, zeros_hbm, out_hbm, isv0, isv1,
          idblk, buf0, buf1, zb, acc_sh, sem0, sem1, sem2, sem3):
        c = lax.axis_index("c")
        s = lax.axis_index("s")
        w = s * NC + c
        pltpu.sync_copy(s0_hbm.at[w], isv0)
        pltpu.sync_copy(s1_hbm.at[w], isv1)
        pltpu.sync_copy(dst_hbm.at[w], idblk)
        pltpu.sync_copy(zeros_hbm, zb)

        for half, isv in ((0, isv0), (1, isv1)):
            @pl.loop(0, n_zcopy)
            def _(i):
                r = s * rows_per_sub + i * ZR
                pltpu.sync_copy(zb, acc_sh.at[pl.ds(r, ZR)])

            plsc.subcore_barrier()

            pltpu.async_copy(h_hbm.at[isv.at[0]], buf0, sem0)

            @pl.loop(0, nb // 2)
            def _(jj):
                j0 = 2 * jj
                j1 = j0 + 1
                pltpu.async_copy(h_hbm.at[isv.at[j1]], buf1, sem1)
                pltpu.make_async_copy(h_hbm.at[isv.at[j0]], buf0, sem0).wait()
                pltpu.sync_copy(buf0, acc_sh.at[idblk.at[j0]], add=True)

                @pl.when(jj < nb // 2 - 1)
                def _():
                    pltpu.async_copy(h_hbm.at[isv.at[j0 + 2]], buf0, sem0)

                pltpu.make_async_copy(h_hbm.at[isv.at[j1]], buf1, sem1).wait()
                pltpu.sync_copy(buf1, acc_sh.at[idblk.at[j1]], add=True)

            plsc.subcore_barrier()

            @pl.loop(0, n_zcopy)
            def _(i):
                r = s * rows_per_sub + i * ZR
                pltpu.sync_copy(acc_sh.at[pl.ds(r, ZR)],
                                out_hbm.at[c, half, pl.ds(r, ZR)])

    return k(h_r, src0, src1, dst_idx, zeros)


def _tc_prep(dsrc_p, ddst_p, x, w1, n):
    acc_rows = dsrc_p.shape[1]
    d_h = w1.shape[1]

    def body(ds_ref, dd_ref, x_ref, w_ref, h_ref, nrm_ref):
        deg_out = jnp.sum(ds_ref[...], axis=0)
        deg_in = jnp.sum(dd_ref[...], axis=0)
        norm_src = jnp.where(deg_out > 0,
                             lax.rsqrt(jnp.maximum(deg_out, 1e-12)), 0.0)
        norm_dst = jnp.where(deg_in > 0,
                             lax.rsqrt(jnp.maximum(deg_in, 1e-12)), 0.0)
        nrm_ref[0, :] = norm_src
        nrm_ref[1, :] = norm_dst
        h = x_ref[...] * norm_src[:n][:, None]
        h_ref[...] = jnp.dot(h, w_ref[...], preferred_element_type=jnp.float32)

    return pl.pallas_call(
        body,
        out_shape=[
            jax.ShapeDtypeStruct((n, d_h), jnp.float32),
            jax.ShapeDtypeStruct((2, acc_rows), jnp.float32),
        ],
    )(dsrc_p, ddst_p, x, w1)


def _tc_mid(m_parts, nrm, b1, w2, n):

    def body(m_ref, nrm_ref, b_ref, w_ref, z_ref, h2_ref):
        mp = m_ref[0] + m_ref[1]
        m = jnp.concatenate([mp[0, :n, :], mp[1, :n, :]], axis=1)
        z = jnp.maximum(m * nrm_ref[1, :n][:, None] + b_ref[...], 0.0)
        z_ref[...] = z
        h2 = z * nrm_ref[0, :n][:, None]
        h2_ref[...] = jnp.dot(h2, w_ref[...], preferred_element_type=jnp.float32)

    d = 2 * m_parts.shape[3]
    return pl.pallas_call(
        body,
        out_shape=[
            jax.ShapeDtypeStruct((n, d), jnp.float32),
            jax.ShapeDtypeStruct((n, w2.shape[1]), jnp.float32),
        ],
    )(m_parts, nrm, b1, w2)


def _tc_final(m_parts, nrm, b2, n):

    def body(m_ref, nrm_ref, b_ref, o_ref):
        mp = m_ref[0] + m_ref[1]
        m = jnp.concatenate([mp[0, :n, :], mp[1, :n, :]], axis=1)
        o_ref[...] = m * nrm_ref[1, :n][:, None] + b_ref[...]

    d = 2 * m_parts.shape[3]
    return pl.pallas_call(
        body,
        out_shape=jax.ShapeDtypeStruct((n, d), jnp.float32),
    )(m_parts, nrm, b2)


def kernel(in_feat, edge_index, W1, b1, W2, b2):
    n, d_in = in_feat.shape
    e = edge_index.shape[1]
    dh = d_in // 2

    nb = _cdiv(e, NW * B)
    nb += nb % 2
    e_pad = NW * nb * B
    acc_rows = _cdiv(n + 1, NS * ZR) * (NS * ZR)

    src = edge_index[0].astype(jnp.int32)
    dst = edge_index[1].astype(jnp.int32)
    pad = e_pad - e
    src_g = jnp.pad(src, (0, pad)).reshape(NW, nb, B)
    src0 = src_g * 2
    src1 = src_g * 2 + 1
    src_d = jnp.pad(src, (0, pad), constant_values=n).reshape(NW, nb, B)
    dst_d = jnp.pad(dst, (0, pad), constant_values=n).reshape(NW, nb, B)

    zeros_acc = jnp.zeros((acc_rows,), jnp.float32)
    zeros_dh = jnp.zeros((ZR, dh), jnp.float32)

    b1r = b1.reshape(1, -1)
    b2r = b2.reshape(1, -1)

    dsrc_p, ddst_p = _sc_degrees(src_d, dst_d, zeros_acc, acc_rows, nb)
    h1in, nrm = _tc_prep(dsrc_p, ddst_p, in_feat, W1, n)
    m1 = _sc_segment_sum(h1in.reshape(2 * n, dh), src0, src1, dst_d,
                         zeros_dh, acc_rows, nb)
    z, h2in = _tc_mid(m1, nrm, b1r, W2, n)
    m2 = _sc_segment_sum(h2in.reshape(2 * n, dh), src0, src1, dst_d,
                         zeros_dh, acc_rows, nb)
    h2 = _tc_final(m2, nrm, b2r, n)
    return (h2, z)

# --- scband reference (transcript-rebuilt; emitter-appended) ---
"""Pipeline reference for scband-gcn-8727373545893 (READ-ONLY COPY).

The authoritative reference and input builder live on the scoring server;
editing this copy changes nothing except your own understanding.
"""

import jax, jax.numpy as jnp
import numpy as np

N_NODES = 10000
N_EDGES = 320000
D_IN = 128
D_H = 128
D_OUT = 128


def _graph_conv(x, src, dst, W, b, n_nodes):
    # DGL GraphConv with norm='both', allow_zero_in_degree=True
    deg_out = jnp.bincount(src, length=n_nodes).astype(x.dtype)
    deg_in = jnp.bincount(dst, length=n_nodes).astype(x.dtype)
    norm_src = jnp.where(deg_out > 0, jax.lax.rsqrt(jnp.maximum(deg_out, 1e-12)), 0.0)
    norm_dst = jnp.where(deg_in > 0, jax.lax.rsqrt(jnp.maximum(deg_in, 1e-12)), 0.0)
    h = x * norm_src[:, None]
    # message passing: gather from src, scatter-add into dst
    m = jax.ops.segment_sum(h[src], dst, num_segments=n_nodes)
    rst = m * norm_dst[:, None]
    return rst @ W + b


def setup_inputs(seed: int = 0) -> dict:
    key = jax.random.key(seed)
    k1, k2, k3, k4, k5, k6 = jax.random.split(key, 6)
    in_feat = jax.random.normal(k1, (N_NODES, D_IN), dtype=jnp.float32)
    edge_index = jax.random.randint(k2, (2, N_EDGES), 0, N_NODES, dtype=jnp.int64)
    # Glorot-style init like dgl GraphConv
    W1 = jax.random.normal(k3, (D_IN, D_H), dtype=jnp.float32) * (1.0 / np.sqrt(D_IN))
    b1 = jnp.zeros((D_H,), dtype=jnp.float32)
    W2 = jax.random.normal(k4, (D_H, D_OUT), dtype=jnp.float32) * (1.0 / np.sqrt(D_H))
    b2 = jnp.zeros((D_OUT,), dtype=jnp.float32)
    return {"in_feat": in_feat, "edge_index": edge_index, "W1": W1, "b1": b1, "W2": W2, "b2": b2}


def reference(in_feat, edge_index, W1, b1, W2, b2):
    src = edge_index[0]
    dst = edge_index[1]
    h1 = _graph_conv(in_feat, src, dst, W1, b1, N_NODES)
    z = jax.nn.relu(h1)
    h2 = _graph_conv(z, src, dst, W2, b2, N_NODES)
    return (h2, z)

if __name__ == "__main__":
    import jax
    _d = setup_inputs()
    print(jax.jit(kernel)(*tuple(_d.values())))

</pallas_src>

<mosaic_0001>
#map = affine_map<(d0, d1) -> (0, 0, 0)>
#map1 = affine_map<(d0, d1) -> (0)>
#map2 = affine_map<(d0, d1) -> (0, 0)>
module attributes {stable_mosaic.version = 14 : i64} {
  func.func @k(%arg0: i32, %arg1: i32, %arg2: memref<32x80x128xi32, #tpu.memory_space<hbm>>, %arg3: memref<32x80x128xi32, #tpu.memory_space<hbm>>, %arg4: memref<10240xf32, #tpu.memory_space<hbm>>, %arg5: memref<32x10240xf32, #tpu.memory_space<hbm>>, %arg6: memref<32x10240xf32, #tpu.memory_space<hbm>>, %arg7: memref<80x128xi32, #tpu.memory_space<vmem>>, %arg8: memref<80x128xi32, #tpu.memory_space<vmem>>, %arg9: memref<10240xf32, #tpu.memory_space<vmem>>, %arg10: memref<10240xf32, #tpu.memory_space<vmem>>) attributes {dimension_semantics = [#tpu.dimension_semantics<core_parallel>, #tpu.dimension_semantics<subcore_parallel>], iteration_bounds = array<i64: 2, 16>, scalar_prefetch = 0 : i64, scratch_operands = 4 : i64, tpu.core_type = #tpu.core_type<sc_vector_subcore>, window_params = [{transform_indices = #map}, {transform_indices = #map}, {transform_indices = #map1}, {transform_indices = #map2}, {transform_indices = #map2}]} {
    %mul3A = arith.constant 2 : i32
    %mul3A_0 = arith.muli %arg1, %mul3A : i32
    %add3A = arith.addi %mul3A_0, %arg0 : i32
    "tpu.region"() ({
      %run_scoped3A = tpu.sem_alloc : memref<!tpu.dma_semaphore, #tpu.memory_space<semaphore_mem>>
      %dma_start3A = arith.constant 0 : i32
      %dma_start3A_6 = arith.constant 0 : i32
      %dma_start3A_7 = tpu.memref_slice %arg2[%add3A, %dma_start3A, %dma_start3A_6] : memref<32x80x128xi32, #tpu.memory_space<hbm>> -> memref<1x80x128xi32, #tpu.memory_space<hbm>>
      %dma_start3A_8 = tpu.memref_squeeze %dma_start3A_7 : memref<1x80x128xi32, #tpu.memory_space<hbm>> -> memref<80x128xi32, #tpu.memory_space<hbm>>
      %dma_start3A_9 = arith.constant 0 : i32
      %dma_start3A_10 = arith.constant 0 : i32
      %dma_start3A_11 = tpu.memref_slice %arg2[%add3A, %dma_start3A_9, %dma_start3A_10] : memref<32x80x128xi32, #tpu.memory_space<hbm>> -> memref<1x80x128xi32, #tpu.memory_space<hbm>>
      %dma_start3A_12 = tpu.memref_squeeze %dma_start3A_11 : memref<1x80x128xi32, #tpu.memory_space<hbm>> -> memref<80x128xi32, #tpu.memory_space<hbm>>
      tpu.enqueue_dma source(%dma_start3A_12 : memref<80x128xi32, #tpu.memory_space<hbm>>) target(%arg7 : memref<80x128xi32, #tpu.memory_space<vmem>>) target_semaphore(%run_scoped3A : memref<!tpu.dma_semaphore, #tpu.memory_space<semaphore_mem>>)
      %dma_wait3A = arith.constant 0 : i32
      %dma_wait3A_13 = arith.constant 0 : i32
      %dma_wait3A_14 = tpu.memref_slice %arg2[%add3A, %dma_wait3A, %dma_wait3A_13] : memref<32x80x128xi32, #tpu.memory_space<hbm>> -> memref<1x80x128xi32, #tpu.memory_space<hbm>>
      %dma_wait3A_15 = tpu.memref_squeeze %dma_wait3A_14 : memref<1x80x128xi32, #tpu.memory_space<hbm>> -> memref<80x128xi32, #tpu.memory_space<hbm>>
      %dma_wait3A_16 = arith.constant 0 : i32
      %dma_wait3A_17 = arith.constant 0 : i32
      %dma_wait3A_18 = tpu.memref_slice %arg2[%add3A, %dma_wait3A_16, %dma_wait3A_17] : memref<32x80x128xi32, #tpu.memory_space<hbm>> -> memref<1x80x128xi32, #tpu.memory_space<hbm>>
      %dma_wait3A_19 = tpu.memref_squeeze %dma_wait3A_18 : memref<1x80x128xi32, #tpu.memory_space<hbm>> -> memref<80x128xi32, #tpu.memory_space<hbm>>
      tpu.wait_dma2 semaphore(%run_scoped3A : memref<!tpu.dma_semaphore, #tpu.memory_space<semaphore_mem>>) src(%dma_wait3A_19 : memref<80x128xi32, #tpu.memory_space<hbm>>) dst(%arg7 : memref<80x128xi32, #tpu.memory_space<vmem>>)
      tpu.yield
    }) : () -> ()
    "tpu.region"() ({
      %run_scoped3A = tpu.sem_alloc : memref<!tpu.dma_semaphore, #tpu.memory_space<semaphore_mem>>
      %dma_start3A = arith.constant 0 : i32
      %dma_start3A_6 = arith.constant 0 : i32
      %dma_start3A_7 = tpu.memref_slice %arg3[%add3A, %dma_start3A, %dma_start3A_6] : memref<32x80x128xi32, #tpu.memory_space<hbm>> -> memref<1x80x128xi32, #tpu.memory_space<hbm>>
      %dma_start3A_8 = tpu.memref_squeeze %dma_start3A_7 : memref<1x80x128xi32, #tpu.memory_space<hbm>> -> memref<80x128xi32, #tpu.memory_space<hbm>>
      %dma_start3A_9 = arith.constant 0 : i32
      %dma_start3A_10 = arith.constant 0 : i32
      %dma_start3A_11 = tpu.memref_slice %arg3[%add3A, %dma_start3A_9, %dma_start3A_10] : memref<32x80x128xi32, #tpu.memory_space<hbm>> -> memref<1x80x128xi32, #tpu.memory_space<hbm>>
      %dma_start3A_12 = tpu.memref_squeeze %dma_start3A_11 : memref<1x80x128xi32, #tpu.memory_space<hbm>> -> memref<80x128xi32, #tpu.memory_space<hbm>>
      tpu.enqueue_dma source(%dma_start3A_12 : memref<80x128xi32, #tpu.memory_space<hbm>>) target(%arg8 : memref<80x128xi32, #tpu.memory_space<vmem>>) target_semaphore(%run_scoped3A : memref<!tpu.dma_semaphore, #tpu.memory_space<semaphore_mem>>)
      %dma_wait3A = arith.constant 0 : i32
      %dma_wait3A_13 = arith.constant 0 : i32
      %dma_wait3A_14 = tpu.memref_slice %arg3[%add3A, %dma_wait3A, %dma_wait3A_13] : memref<32x80x128xi32, #tpu.memory_space<hbm>> -> memref<1x80x128xi32, #tpu.memory_space<hbm>>
      %dma_wait3A_15 = tpu.memref_squeeze %dma_wait3A_14 : memref<1x80x128xi32, #tpu.memory_space<hbm>> -> memref<80x128xi32, #tpu.memory_space<hbm>>
      %dma_wait3A_16 = arith.constant 0 : i32
      %dma_wait3A_17 = arith.constant 0 : i32
      %dma_wait3A_18 = tpu.memref_slice %arg3[%add3A, %dma_wait3A_16, %dma_wait3A_17] : memref<32x80x128xi32, #tpu.memory_space<hbm>> -> memref<1x80x128xi32, #tpu.memory_space<hbm>>
      %dma_wait3A_19 = tpu.memref_squeeze %dma_wait3A_18 : memref<1x80x128xi32, #tpu.memory_space<hbm>> -> memref<80x128xi32, #tpu.memory_space<hbm>>
      tpu.wait_dma2 semaphore(%run_scoped3A : memref<!tpu.dma_semaphore, #tpu.memory_space<semaphore_mem>>) src(%dma_wait3A_19 : memref<80x128xi32, #tpu.memory_space<hbm>>) dst(%arg8 : memref<80x128xi32, #tpu.memory_space<vmem>>)
      tpu.yield
    }) : () -> ()
    "tpu.region"() ({
      %run_scoped3A = tpu.sem_alloc : memref<!tpu.dma_semaphore, #tpu.memory_space<semaphore_mem>>
      tpu.enqueue_dma source(%arg4 : memref<10240xf32, #tpu.memory_space<hbm>>) target(%arg9 : memref<10240xf32, #tpu.memory_space<vmem>>) target_semaphore(%run_scoped3A : memref<!tpu.dma_semaphore, #tpu.memory_space<semaphore_mem>>)
      tpu.wait_dma2 semaphore(%run_scoped3A : memref<!tpu.dma_semaphore, #tpu.memory_space<semaphore_mem>>) src(%arg4 : memref<10240xf32, #tpu.memory_space<hbm>>) dst(%arg9 : memref<10240xf32, #tpu.memory_space<vmem>>)
      tpu.yield
    }) : () -> ()
    "tpu.region"() ({
      %run_scoped3A = tpu.sem_alloc : memref<!tpu.dma_semaphore, #tpu.memory_space<semaphore_mem>>
      tpu.enqueue_dma source(%arg4 : memref<10240xf32, #tpu.memory_space<hbm>>) target(%arg10 : memref<10240xf32, #tpu.memory_space<vmem>>) target_semaphore(%run_scoped3A : memref<!tpu.dma_semaphore, #tpu.memory_space<semaphore_mem>>)
      tpu.wait_dma2 semaphore(%run_scoped3A : memref<!tpu.dma_semaphore, #tpu.memory_space<semaphore_mem>>) src(%arg4 : memref<10240xf32, #tpu.memory_space<hbm>>) dst(%arg10 : memref<10240xf32, #tpu.memory_space<vmem>>)
      tpu.yield
    }) : () -> ()
    %broadcast_in_dim3A = arith.constant 1.000000e+00 : f32
    %broadcast_in_dim3A_1 = vector.broadcast %broadcast_in_dim3A : f32 to vector<16xf32>
    %scan3A = arith.constant 0 : i32
    %scan3A_2 = arith.constant 80 : i32
    %scan3A_3 = arith.addi %scan3A, %scan3A_2 : i32
    %scan3A_4 = arith.constant 1 : i32
    scf.for %scan3A_6 = %scan3A to %scan3A_3 step %scan3A_4  : i32 {
      %mul3A_7 = arith.constant 1 : i32
      %mul3A_8 = arith.muli %scan3A_6, %mul3A_7 : i32
      %add3A_9 = arith.constant 0 : i32
      %add3A_10 = arith.addi %add3A_9, %mul3A_8 : i32
      %get3A = arith.index_cast %add3A_10 : i32 to index
      %get3A_11 = arith.constant 0 : index
      %get3A_12 = tpu.vector_load %arg7[%get3A, %get3A_11] {strides = array<i32>} : memref<80x128xi32, #tpu.memory_space<vmem>>, vector<16xi32>,
      tpu.vector_store_idx %arg9[%get3A_12], %broadcast_in_dim3A_1 {add = true} : memref<10240xf32, #tpu.memory_space<vmem>>[vector<16xi32>], vector<16xf32>,
      %get3A_13 = arith.index_cast %add3A_10 : i32 to index
      %get3A_14 = arith.constant 0 : index
      %get3A_15 = tpu.vector_load %arg8[%get3A_13, %get3A_14] {strides = array<i32>} : memref<80x128xi32, #tpu.memory_space<vmem>>, vector<16xi32>,
      tpu.vector_store_idx %arg10[%get3A_15], %broadcast_in_dim3A_1 {add = true} : memref<10240xf32, #tpu.memory_space<vmem>>[vector<16xi32>], vector<16xf32>,
      %get3A_16 = arith.index_cast %add3A_10 : i32 to index
      %get3A_17 = arith.constant 16 : index
      %get3A_18 = tpu.vector_load %arg7[%get3A_16, %get3A_17] {strides = array<i32>} : memref<80x128xi32, #tpu.memory_space<vmem>>, vector<16xi32>,
      tpu.vector_store_idx %arg9[%get3A_18], %broadcast_in_dim3A_1 {add = true} : memref<10240xf32, #tpu.memory_space<vmem>>[vector<16xi32>], vector<16xf32>,
      %get3A_19 = arith.index_cast %add3A_10 : i32 to index
      %get3A_20 = arith.constant 16 : index
      %get3A_21 = tpu.vector_load %arg8[%get3A_19, %get3A_20] {strides = array<i32>} : memref<80x128xi32, #tpu.memory_space<vmem>>, vector<16xi32>,
      tpu.vector_store_idx %arg10[%get3A_21], %broadcast_in_dim3A_1 {add = true} : memref<10240xf32, #tpu.memory_space<vmem>>[vector<16xi32>], vector<16xf32>,
      %get3A_22 = arith.index_cast %add3A_10 : i32 to index
      %get3A_23 = arith.constant 32 : index
      %get3A_24 = tpu.vector_load %arg7[%get3A_22, %get3A_23] {strides = array<i32>} : memref<80x128xi32, #tpu.memory_space<vmem>>, vector<16xi32>,
      tpu.vector_store_idx %arg9[%get3A_24], %broadcast_in_dim3A_1 {add = true} : memref<10240xf32, #tpu.memory_space<vmem>>[vector<16xi32>], vector<16xf32>,
      %get3A_25 = arith.index_cast %add3A_10 : i32 to index
      %get3A_26 = arith.constant 32 : index
      %get3A_27 = tpu.vector_load %arg8[%get3A_25, %get3A_26] {strides = array<i32>} : memref<80x128xi32, #tpu.memory_space<vmem>>, vector<16xi32>,
      tpu.vector_store_idx %arg10[%get3A_27], %broadcast_in_dim3A_1 {add = true} : memref<10240xf32, #tpu.memory_space<vmem>>[vector<16xi32>], vector<16xf32>,
      %get3A_28 = arith.index_cast %add3A_10 : i32 to index
      %get3A_29 = arith.constant 48 : index
      %get3A_30 = tpu.vector_load %arg7[%get3A_28, %get3A_29] {strides = array<i32>} : memref<80x128xi32, #tpu.memory_space<vmem>>, vector<16xi32>,
      tpu.vector_store_idx %arg9[%get3A_30], %broadcast_in_dim3A_1 {add = true} : memref<10240xf32, #tpu.memory_space<vmem>>[vector<16xi32>], vector<16xf32>,
      %get3A_31 = arith.index_cast %add3A_10 : i32 to index
      %get3A_32 = arith.constant 48 : index
      %get3A_33 = tpu.vector_load %arg8[%get3A_31, %get3A_32] {strides = array<i32>} : memref<80x128xi32, #tpu.memory_space<vmem>>, vector<16xi32>,
      tpu.vector_store_idx %arg10[%get3A_33], %broadcast_in_dim3A_1 {add = true} : memref<10240xf32, #tpu.memory_space<vmem>>[vector<16xi32>], vector<16xf32>,
      %get3A_34 = arith.index_cast %add3A_10 : i32 to index
      %get3A_35 = arith.constant 64 : index
      %get3A_36 = tpu.vector_load %arg7[%get3A_34, %get3A_35] {strides = array<i32>} : memref<80x128xi32, #tpu.memory_space<vmem>>, vector<16xi32>,
      tpu.vector_store_idx %arg9[%get3A_36], %broadcast_in_dim3A_1 {add = true} : memref<10240xf32, #tpu.memory_space<vmem>>[vector<16xi32>], vector<16xf32>,
      %get3A_37 = arith.index_cast %add3A_10 : i32 to index
      %get3A_38 = arith.constant 64 : index
      %get3A_39 = tpu.vector_load %arg8[%get3A_37, %get3A_38] {strides = array<i32>} : memref<80x128xi32, #tpu.memory_space<vmem>>, vector<16xi32>,
      tpu.vector_store_idx %arg10[%get3A_39], %broadcast_in_dim3A_1 {add = true} : memref<10240xf32, #tpu.memory_space<vmem>>[vector<16xi32>], vector<16xf32>,
      %get3A_40 = arith.index_cast %add3A_10 : i32 to index
      %get3A_41 = arith.constant 80 : index
      %get3A_42 = tpu.vector_load %arg7[%get3A_40, %get3A_41] {strides = array<i32>} : memref<80x128xi32, #tpu.memory_space<vmem>>, vector<16xi32>,
      tpu.vector_store_idx %arg9[%get3A_42], %broadcast_in_dim3A_1 {add = true} : memref<10240xf32, #tpu.memory_space<vmem>>[vector<16xi32>], vector<16xf32>,
      %get3A_43 = arith.index_cast %add3A_10 : i32 to index
      %get3A_44 = arith.constant 80 : index
      %get3A_45 = tpu.vector_load %arg8[%get3A_43, %get3A_44] {strides = array<i32>} : memref<80x128xi32, #tpu.memory_space<vmem>>, vector<16xi32>,
      tpu.vector_store_idx %arg10[%get3A_45], %broadcast_in_dim3A_1 {add = true} : memref<10240xf32, #tpu.memory_space<vmem>>[vector<16xi32>], vector<16xf32>,
      %get3A_46 = arith.index_cast %add3A_10 : i32 to index
      %get3A_47 = arith.constant 96 : index
      %get3A_48 = tpu.vector_load %arg7[%get3A_46, %get3A_47] {strides = array<i32>} : memref<80x128xi32, #tpu.memory_space<vmem>>, vector<16xi32>,
      tpu.vector_store_idx %arg9[%get3A_48], %broadcast_in_dim3A_1 {add = true} : memref<10240xf32, #tpu.memory_space<vmem>>[vector<16xi32>], vector<16xf32>,
      %get3A_49 = arith.index_cast %add3A_10 : i32 to index
      %get3A_50 = arith.constant 96 : index
      %get3A_51 = tpu.vector_load %arg8[%get3A_49, %get3A_50] {strides = array<i32>} : memref<80x128xi32, #tpu.memory_space<vmem>>, vector<16xi32>,
      tpu.vector_store_idx %arg10[%get3A_51], %broadcast_in_dim3A_1 {add = true} : memref<10240xf32, #tpu.memory_space<vmem>>[vector<16xi32>], vector<16xf32>,
      %get3A_52 = arith.index_cast %add3A_10 : i32 to index
      %get3A_53 = arith.constant 112 : index
      %get3A_54 = tpu.vector_load %arg7[%get3A_52, %get3A_53] {strides = array<i32>} : memref<80x128xi32, #tpu.memory_space<vmem>>, vector<16xi32>,
      tpu.vector_store_idx %arg9[%get3A_54], %broadcast_in_dim3A_1 {add = true} : memref<10240xf32, #tpu.memory_space<vmem>>[vector<16xi32>], vector<16xf32>,
      %get3A_55 = arith.index_cast %add3A_10 : i32 to index
      %get3A_56 = arith.constant 112 : index
      %get3A_57 = tpu.vector_load %arg8[%get3A_55, %get3A_56] {strides = array<i32>} : memref<80x128xi32, #tpu.memory_space<vmem>>, vector<16xi32>,
      tpu.vector_store_idx %arg10[%get3A_57], %broadcast_in_dim3A_1 {add = true} : memref<10240xf32, #tpu.memory_space<vmem>>[vector<16xi32>], vector<16xf32>,
    }
    %scan3A_5 = arith.constant 80 : i32
    "tpu.region"() ({
      %run_scoped3A = tpu.sem_alloc : memref<!tpu.dma_semaphore, #tpu.memory_space<semaphore_mem>>
      %dma_start3A = arith.constant 0 : i32
      %dma_start3A_6 = tpu.memref_slice %arg5[%add3A, %dma_start3A] : memref<32x10240xf32, #tpu.memory_space<hbm>> -> memref<1x10240xf32, #tpu.memory_space<hbm>>
      %dma_start3A_7 = tpu.memref_squeeze %dma_start3A_6 : memref<1x10240xf32, #tpu.memory_space<hbm>> -> memref<10240xf32, #tpu.memory_space<hbm>>
      %dma_start3A_8 = arith.constant 0 : i32
      %dma_start3A_9 = tpu.memref_slice %arg5[%add3A, %dma_start3A_8] : memref<32x10240xf32, #tpu.memory_space<hbm>> -> memref<1x10240xf32, #tpu.memory_space<hbm>>
      %dma_start3A_10 = tpu.memref_squeeze %dma_start3A_9 : memref<1x10240xf32, #tpu.memory_space<hbm>> -> memref<10240xf32, #tpu.memory_space<hbm>>
      tpu.enqueue_dma source(%arg9 : memref<10240xf32, #tpu.memory_space<vmem>>) target(%dma_start3A_10 : memref<10240xf32, #tpu.memory_space<hbm>>) target_semaphore(%run_scoped3A : memref<!tpu.dma_semaphore, #tpu.memory_space<semaphore_mem>>)
      %dma_wait3A = arith.constant 0 : i32
      %dma_wait3A_11 = tpu.memref_slice %arg5[%add3A, %dma_wait3A] : memref<32x10240xf32, #tpu.memory_space<hbm>> -> memref<1x10240xf32, #tpu.memory_space<hbm>>
      %dma_wait3A_12 = tpu.memref_squeeze %dma_wait3A_11 : memref<1x10240xf32, #tpu.memory_space<hbm>> -> memref<10240xf32, #tpu.memory_space<hbm>>
      %dma_wait3A_13 = arith.constant 0 : i32
      %dma_wait3A_14 = tpu.memref_slice %arg5[%add3A, %dma_wait3A_13] : memref<32x10240xf32, #tpu.memory_space<hbm>> -> memref<1x10240xf32, #tpu.memory_space<hbm>>
      %dma_wait3A_15 = tpu.memref_squeeze %dma_wait3A_14 : memref<1x10240xf32, #tpu.memory_space<hbm>> -> memref<10240xf32, #tpu.memory_space<hbm>>
      tpu.wait_dma2 semaphore(%run_scoped3A : memref<!tpu.dma_semaphore, #tpu.memory_space<semaphore_mem>>) src(%arg9 : memref<10240xf32, #tpu.memory_space<vmem>>) dst(%dma_wait3A_15 : memref<10240xf32, #tpu.memory_space<hbm>>)
      tpu.yield
    }) : () -> ()
    "tpu.region"() ({
      %run_scoped3A = tpu.sem_alloc : memref<!tpu.dma_semaphore, #tpu.memory_space<semaphore_mem>>
      %dma_start3A = arith.constant 0 : i32
      %dma_start3A_6 = tpu.memref_slice %arg6[%add3A, %dma_start3A] : memref<32x10240xf32, #tpu.memory_space<hbm>> -> memref<1x10240xf32, #tpu.memory_space<hbm>>
      %dma_start3A_7 = tpu.memref_squeeze %dma_start3A_6 : memref<1x10240xf32, #tpu.memory_space<hbm>> -> memref<10240xf32, #tpu.memory_space<hbm>>
      %dma_start3A_8 = arith.constant 0 : i32
      %dma_start3A_9 = tpu.memref_slice %arg6[%add3A, %dma_start3A_8] : memref<32x10240xf32, #tpu.memory_space<hbm>> -> memref<1x10240xf32, #tpu.memory_space<hbm>>
      %dma_start3A_10 = tpu.memref_squeeze %dma_start3A_9 : memref<1x10240xf32, #tpu.memory_space<hbm>> -> memref<10240xf32, #tpu.memory_space<hbm>>
      tpu.enqueue_dma source(%arg10 : memref<10240xf32, #tpu.memory_space<vmem>>) target(%dma_start3A_10 : memref<10240xf32, #tpu.memory_space<hbm>>) target_semaphore(%run_scoped3A : memref<!tpu.dma_semaphore, #tpu.memory_space<semaphore_mem>>)
      %dma_wait3A = arith.constant 0 : i32
      %dma_wait3A_11 = tpu.memref_slice %arg6[%add3A, %dma_wait3A] : memref<32x10240xf32, #tpu.memory_space<hbm>> -> memref<1x10240xf32, #tpu.memory_space<hbm>>
      %dma_wait3A_12 = tpu.memref_squeeze %dma_wait3A_11 : memref<1x10240xf32, #tpu.memory_space<hbm>> -> memref<10240xf32, #tpu.memory_space<hbm>>
      %dma_wait3A_13 = arith.constant 0 : i32
      %dma_wait3A_14 = tpu.memref_slice %arg6[%add3A, %dma_wait3A_13] : memref<32x10240xf32, #tpu.memory_space<hbm>> -> memref<1x10240xf32, #tpu.memory_space<hbm>>
      %dma_wait3A_15 = tpu.memref_squeeze %dma_wait3A_14 : memref<1x10240xf32, #tpu.memory_space<hbm>> -> memref<10240xf32, #tpu.memory_space<hbm>>
      tpu.wait_dma2 semaphore(%run_scoped3A : memref<!tpu.dma_semaphore, #tpu.memory_space<semaphore_mem>>) src(%arg10 : memref<10240xf32, #tpu.memory_space<vmem>>) dst(%dma_wait3A_15 : memref<10240xf32, #tpu.memory_space<hbm>>)
      tpu.yield
    }) : () -> ()
    return
  }
}

#map = affine_map<(d0, d1) -> (0, 0)>
#map1 = affine_map<(d0, d1) -> (0, 0, 0)>
#map2 = affine_map<(d0, d1) -> (0, 0, 0, 0)>
module attributes {stable_mosaic.version = 14 : i64} {
  func.func @k(%arg0: i32, %arg1: i32, %arg2: memref<20000x64xf32, #tpu.memory_space<hbm>>, %arg3: memref<32x80x128xi32, #tpu.memory_space<hbm>>, %arg4: memref<32x80x128xi32, #tpu.memory_space<hbm>>, %arg5: memref<32x80x128xi32, #tpu.memory_space<hbm>>, %arg6: memref<64x64xf32, #tpu.memory_space<hbm>>, %arg7: memref<2x2x10240x64xf32, #tpu.memory_space<hbm>>, %arg8: memref<80x128xi32, #tpu.memory_space<vmem>>, %arg9: memref<80x128xi32, #tpu.memory_space<vmem>>, %arg10: memref<80x128xi32, #tpu.memory_space<vmem>>, %arg11: memref<128x64xf32, #tpu.memory_space<vmem>>, %arg12: memref<128x64xf32, #tpu.memory_space<vmem>>, %arg13: memref<64x64xf32, #tpu.memory_space<vmem>>, %arg14: memref<10240x64xf32, #tpu.memory_space<vmem_shared>>, %arg15: memref<!tpu.dma_semaphore, #tpu.memory_space<semaphore_mem>>, %arg16: memref<!tpu.dma_semaphore, #tpu.memory_space<semaphore_mem>>, %arg17: memref<!tpu.dma_semaphore, #tpu.memory_space<semaphore_mem>>, %arg18: memref<!tpu.dma_semaphore, #tpu.memory_space<semaphore_mem>>) attributes {dimension_semantics = [#tpu.dimension_semantics<core_parallel>, #tpu.dimension_semantics<subcore_parallel>], iteration_bounds = array<i64: 2, 16>, scalar_prefetch = 0 : i64, scratch_operands = 11 : i64, tpu.core_type = #tpu.core_type<sc_vector_subcore>, window_params = [{transform_indices = #map}, {transform_indices = #map1}, {transform_indices = #map1}, {transform_indices = #map1}, {transform_indices = #map}, {transform_indices = #map2}]} {
    %mul3A = arith.constant 2 : i32
    %mul3A_0 = arith.muli %arg1, %mul3A : i32
    %add3A = arith.addi %mul3A_0, %arg0 : i32
    "tpu.region"() ({
      %run_scoped3A = tpu.sem_alloc : memref<!tpu.dma_semaphore, #tpu.memory_space<semaphore_mem>>
      %dma_start3A_46 = arith.constant 0 : i32
      %dma_start3A_47 = arith.constant 0 : i32
      %dma_start3A_48 = tpu.memref_slice %arg3[%add3A, %dma_start3A_46, %dma_start3A_47] : memref<32x80x128xi32, #tpu.memory_space<hbm>> -> memref<1x80x128xi32, #tpu.memory_space<hbm>>
      %dma_start3A_49 = tpu.memref_squeeze %dma_start3A_48 : memref<1x80x128xi32, #tpu.memory_space<hbm>> -> memref<80x128xi32, #tpu.memory_space<hbm>>
      %dma_start3A_50 = arith.constant 0 : i32
      %dma_start3A_51 = arith.constant 0 : i32
      %dma_start3A_52 = tpu.memref_slice %arg3[%add3A, %dma_start3A_50, %dma_start3A_51] : memref<32x80x128xi32, #tpu.memory_space<hbm>> -> memref<1x80x128xi32, #tpu.memory_space<hbm>>
      %dma_start3A_53 = tpu.memref_squeeze %dma_start3A_52 : memref<1x80x128xi32, #tpu.memory_space<hbm>> -> memref<80x128xi32, #tpu.memory_space<hbm>>
      tpu.enqueue_dma source(%dma_start3A_53 : memref<80x128xi32, #tpu.memory_space<hbm>>) target(%arg8 : memref<80x128xi32, #tpu.memory_space<vmem>>) target_semaphore(%run_scoped3A : memref<!tpu.dma_semaphore, #tpu.memory_space<semaphore_mem>>)
      %dma_wait3A = arith.constant 0 : i32
      %dma_wait3A_54 = arith.constant 0 : i32
      %dma_wait3A_55 = tpu.memref_slice %arg3[%add3A, %dma_wait3A, %dma_wait3A_54] : memref<32x80x128xi32, #tpu.memory_space<hbm>> -> memref<1x80x128xi32, #tpu.memory_space<hbm>>
      %dma_wait3A_56 = tpu.memref_squeeze %dma_wait3A_55 : memref<1x80x128xi32, #tpu.memory_space<hbm>> -> memref<80x128xi32, #tpu.memory_space<hbm>>
      %dma_wait3A_57 = arith.constant 0 : i32
      %dma_wait3A_58 = arith.constant 0 : i32
      %dma_wait3A_59 = tpu.memref_slice %arg3[%add3A, %dma_wait3A_57, %dma_wait3A_58] : memref<32x80x128xi32, #tpu.memory_space<hbm>> -> memref<1x80x128xi32, #tpu.memory_space<hbm>>
      %dma_wait3A_60 = tpu.memref_squeeze %dma_wait3A_59 : memref<1x80x128xi32, #tpu.memory_space<hbm>> -> memref<80x128xi32, #tpu.memory_space<hbm>>
      tpu.wait_dma2 semaphore(%run_scoped3A : memref<!tpu.dma_semaphore, #tpu.memory_space<semaphore_mem>>) src(%dma_wait3A_60 : memref<80x128xi32, #tpu.memory_space<hbm>>) dst(%arg8 : memref<80x128xi32, #tpu.memory_space<vmem>>)
      tpu.yield
    }) : () -> ()
    "tpu.region"() ({
      %run_scoped3A = tpu.sem_alloc : memref<!tpu.dma_semaphore, #tpu.memory_space<semaphore_mem>>
      %dma_start3A_46 = arith.constant 0 : i32
      %dma_start3A_47 = arith.constant 0 : i32
      %dma_start3A_48 = tpu.memref_slice %arg4[%add3A, %dma_start3A_46, %dma_start3A_47] : memref<32x80x128xi32, #tpu.memory_space<hbm>> -> memref<1x80x128xi32, #tpu.memory_space<hbm>>
      %dma_start3A_49 = tpu.memref_squeeze %dma_start3A_48 : memref<1x80x128xi32, #tpu.memory_space<hbm>> -> memref<80x128xi32, #tpu.memory_space<hbm>>
      %dma_start3A_50 = arith.constant 0 : i32
      %dma_start3A_51 = arith.constant 0 : i32
      %dma_start3A_52 = tpu.memref_slice %arg4[%add3A, %dma_start3A_50, %dma_start3A_51] : memref<32x80x128xi32, #tpu.memory_space<hbm>> -> memref<1x80x128xi32, #tpu.memory_space<hbm>>
      %dma_start3A_53 = tpu.memref_squeeze %dma_start3A_52 : memref<1x80x128xi32, #tpu.memory_space<hbm>> -> memref<80x128xi32, #tpu.memory_space<hbm>>
      tpu.enqueue_dma source(%dma_start3A_53 : memref<80x128xi32, #tpu.memory_space<hbm>>) target(%arg9 : memref<80x128xi32, #tpu.memory_space<vmem>>) target_semaphore(%run_scoped3A : memref<!tpu.dma_semaphore, #tpu.memory_space<semaphore_mem>>)
      %dma_wait3A = arith.constant 0 : i32
      %dma_wait3A_54 = arith.constant 0 : i32
      %dma_wait3A_55 = tpu.memref_slice %arg4[%add3A, %dma_wait3A, %dma_wait3A_54] : memref<32x80x128xi32, #tpu.memory_space<hbm>> -> memref<1x80x128xi32, #tpu.memory_space<hbm>>
      %dma_wait3A_56 = tpu.memref_squeeze %dma_wait3A_55 : memref<1x80x128xi32, #tpu.memory_space<hbm>> -> memref<80x128xi32, #tpu.memory_space<hbm>>
      %dma_wait3A_57 = arith.constant 0 : i32
      %dma_wait3A_58 = arith.constant 0 : i32
      %dma_wait3A_59 = tpu.memref_slice %arg4[%add3A, %dma_wait3A_57, %dma_wait3A_58] : memref<32x80x128xi32, #tpu.memory_space<hbm>> -> memref<1x80x128xi32, #tpu.memory_space<hbm>>
      %dma_wait3A_60 = tpu.memref_squeeze %dma_wait3A_59 : memref<1x80x128xi32, #tpu.memory_space<hbm>> -> memref<80x128xi32, #tpu.memory_space<hbm>>
      tpu.wait_dma2 semaphore(%run_scoped3A : memref<!tpu.dma_semaphore, #tpu.memory_space<semaphore_mem>>) src(%dma_wait3A_60 : memref<80x128xi32, #tpu.memory_space<hbm>>) dst(%arg9 : memref<80x128xi32, #tpu.memory_space<vmem>>)
      tpu.yield
    }) : () -> ()
    "tpu.region"() ({
      %run_scoped3A = tpu.sem_alloc : memref<!tpu.dma_semaphore, #tpu.memory_space<semaphore_mem>>
      %dma_start3A_46 = arith.constant 0 : i32
      %dma_start3A_47 = arith.constant 0 : i32
      %dma_start3A_48 = tpu.memref_slice %arg5[%add3A, %dma_start3A_46, %dma_start3A_47] : memref<32x80x128xi32, #tpu.memory_space<hbm>> -> memref<1x80x128xi32, #tpu.memory_space<hbm>>
      %dma_start3A_49 = tpu.memref_squeeze %dma_start3A_48 : memref<1x80x128xi32, #tpu.memory_space<hbm>> -> memref<80x128xi32, #tpu.memory_space<hbm>>
      %dma_start3A_50 = arith.constant 0 : i32
      %dma_start3A_51 = arith.constant 0 : i32
      %dma_start3A_52 = tpu.memref_slice %arg5[%add3A, %dma_start3A_50, %dma_start3A_51] : memref<32x80x128xi32, #tpu.memory_space<hbm>> -> memref<1x80x128xi32, #tpu.memory_space<hbm>>
      %dma_start3A_53 = tpu.memref_squeeze %dma_start3A_52 : memref<1x80x128xi32, #tpu.memory_space<hbm>> -> memref<80x128xi32, #tpu.memory_space<hbm>>
      tpu.enqueue_dma source(%dma_start3A_53 : memref<80x128xi32, #tpu.memory_space<hbm>>) target(%arg10 : memref<80x128xi32, #tpu.memory_space<vmem>>) target_semaphore(%run_scoped3A : memref<!tpu.dma_semaphore, #tpu.memory_space<semaphore_mem>>)
      %dma_wait3A = arith.constant 0 : i32
      %dma_wait3A_54 = arith.constant 0 : i32
      %dma_wait3A_55 = tpu.memref_slice %arg5[%add3A, %dma_wait3A, %dma_wait3A_54] : memref<32x80x128xi32, #tpu.memory_space<hbm>> -> memref<1x80x128xi32, #tpu.memory_space<hbm>>
      %dma_wait3A_56 = tpu.memref_squeeze %dma_wait3A_55 : memref<1x80x128xi32, #tpu.memory_space<hbm>> -> memref<80x128xi32, #tpu.memory_space<hbm>>
      %dma_wait3A_57 = arith.constant 0 : i32
      %dma_wait3A_58 = arith.constant 0 : i32
      %dma_wait3A_59 = tpu.memref_slice %arg5[%add3A, %dma_wait3A_57, %dma_wait3A_58] : memref<32x80x128xi32, #tpu.memory_space<hbm>> -> memref<1x80x128xi32, #tpu.memory_space<hbm>>
      %dma_wait3A_60 = tpu.memref_squeeze %dma_wait3A_59 : memref<1x80x128xi32, #tpu.memory_space<hbm>> -> memref<80x128xi32, #tpu.memory_space<hbm>>
      tpu.wait_dma2 semaphore(%run_scoped3A : memref<!tpu.dma_semaphore, #tpu.memory_space<semaphore_mem>>) src(%dma_wait3A_60 : memref<80x128xi32, #tpu.memory_space<hbm>>) dst(%arg10 : memref<80x128xi32, #tpu.memory_space<vmem>>)
      tpu.yield
    }) : () -> ()
    "tpu.region"() ({
      %run_scoped3A = tpu.sem_alloc : memref<!tpu.dma_semaphore, #tpu.memory_space<semaphore_mem>>
      tpu.enqueue_dma source(%arg6 : memref<64x64xf32, #tpu.memory_space<hbm>>) target(%arg13 : memref<64x64xf32, #tpu.memory_space<vmem>>) target_semaphore(%run_scoped3A : memref<!tpu.dma_semaphore, #tpu.memory_space<semaphore_mem>>)
      tpu.wait_dma2 semaphore(%run_scoped3A : memref<!tpu.dma_semaphore, #tpu.memory_space<semaphore_mem>>) src(%arg6 : memref<64x64xf32, #tpu.memory_space<hbm>>) dst(%arg13 : memref<64x64xf32, #tpu.memory_space<vmem>>)
      tpu.yield
    }) : () -> ()
    %scan3A = arith.constant 0 : i32
    %scan3A_1 = arith.constant 10 : i32
    %scan3A_2 = arith.addi %scan3A, %scan3A_1 : i32
    %scan3A_3 = arith.constant 1 : i32
    scf.for %scan3A_46 = %scan3A to %scan3A_2 step %scan3A_3  : i32 {
      %mul3A_47 = arith.constant 1 : i32
      %mul3A_48 = arith.muli %scan3A_46, %mul3A_47 : i32
      %add3A_49 = arith.constant 0 : i32
      %add3A_50 = arith.addi %add3A_49, %mul3A_48 : i32
      %mul3A_51 = arith.constant 640 : i32
      %mul3A_52 = arith.muli %arg1, %mul3A_51 : i32
      %mul3A_53 = arith.constant 64 : i32
      %mul3A_54 = arith.muli %add3A_50, %mul3A_53 : i32
      %add3A_55 = arith.addi %mul3A_52, %mul3A_54 : i32
      "tpu.region"() ({
        %run_scoped3A = tpu.sem_alloc : memref<!tpu.dma_semaphore, #tpu.memory_space<semaphore_mem>>
        %dma_start3A_56 = arith.constant 0 : i32
        %dma_start3A_57 = tpu.memref_slice %arg14[%add3A_55, %dma_start3A_56] : memref<10240x64xf32, #tpu.memory_space<vmem_shared>> -> memref<64x64xf32, #tpu.memory_space<vmem_shared>>
        %dma_start3A_58 = arith.constant 0 : i32
        %dma_start3A_59 = tpu.memref_slice %arg14[%add3A_55, %dma_start3A_58] : memref<10240x64xf32, #tpu.memory_space<vmem_shared>> -> memref<64x64xf32, #tpu.memory_space<vmem_shared>>
        tpu.enqueue_dma source(%arg13 : memref<64x64xf32, #tpu.memory_space<vmem>>) target(%dma_start3A_59 : memref<64x64xf32, #tpu.memory_space<vmem_shared>>) target_semaphore(%run_scoped3A : memref<!tpu.dma_semaphore, #tpu.memory_space<semaphore_mem>>)
        %dma_wait3A = arith.constant 0 : i32
        %dma_wait3A_60 = tpu.memref_slice %arg14[%add3A_55, %dma_wait3A] : memref<10240x64xf32, #tpu.memory_space<vmem_shared>> -> memref<64x64xf32, #tpu.memory_space<vmem_shared>>
        %dma_wait3A_61 = arith.constant 0 : i32
        %dma_wait3A_62 = tpu.memref_slice %arg14[%add3A_55, %dma_wait3A_61] : memref<10240x64xf32, #tpu.memory_space<vmem_shared>> -> memref<64x64xf32, #tpu.memory_space<vmem_shared>>
        tpu.wait_dma2 semaphore(%run_scoped3A : memref<!tpu.dma_semaphore, #tpu.memory_space<semaphore_mem>>) src(%arg13 : memref<64x64xf32, #tpu.memory_space<vmem>>) dst(%dma_wait3A_62 : memref<64x64xf32, #tpu.memory_space<vmem_shared>>)
        tpu.yield
      }) : () -> ()
    }
    %scan3A_4 = arith.constant 10 : i32
    %barrier3A = arith.constant 0 : index
    tpu.barrier barrier_id(%barrier3A)
    %dma_start3A = arith.constant 0 : i32
    %dma_start3A_5 = arith.constant 0 : i32
    %dma_start3A_6 = tpu.memref_slice %arg8[%dma_start3A, %dma_start3A_5] : memref<80x128xi32, #tpu.memory_space<vmem>> -> memref<1x128xi32, #tpu.memory_space<vmem>>
    %dma_start3A_7 = tpu.memref_squeeze %dma_start3A_6 : memref<1x128xi32, #tpu.memory_space<vmem>> -> memref<128xi32, #tpu.memory_space<vmem>>
    %dma_start3A_8 = arith.constant 0 : i32
    %dma_start3A_9 = arith.constant 0 : i32
    %dma_start3A_10 = tpu.memref_slice %arg2[%dma_start3A_8, %dma_start3A_9] : memref<20000x64xf32, #tpu.memory_space<hbm>> -> memref<20000x64xf32, #tpu.memory_space<hbm>>
    tpu.enqueue_indirect_dma source(%dma_start3A_10 : memref<20000x64xf32, #tpu.memory_space<hbm>>) target(%arg11 : memref<128x64xf32, #tpu.memory_space<vmem>>) offsets(%dma_start3A_7 : memref<128xi32, #tpu.memory_space<vmem>>) semaphore(%arg15 : memref<!tpu.dma_semaphore, #tpu.memory_space<semaphore_mem>>)
    %scan3A_11 = arith.constant 0 : i32
    %scan3A_12 = arith.constant 40 : i32
    %scan3A_13 = arith.addi %scan3A_11, %scan3A_12 : i32
    %scan3A_14 = arith.constant 1 : i32
    scf.for %scan3A_46 = %scan3A_11 to %scan3A_13 step %scan3A_14  : i32 {
      %mul3A_47 = arith.constant 1 : i32
      %mul3A_48 = arith.muli %scan3A_46, %mul3A_47 : i32
      %add3A_49 = arith.constant 0 : i32
      %add3A_50 = arith.addi %add3A_49, %mul3A_48 : i32
      %mul3A_51 = arith.constant 2 : i32
      %mul3A_52 = arith.muli %mul3A_51, %add3A_50 : i32
      %add3A_53 = arith.constant 1 : i32
      %add3A_54 = arith.addi %mul3A_52, %add3A_53 : i32
      %dma_start3A_55 = arith.constant 0 : i32
      %dma_start3A_56 = tpu.memref_slice %arg8[%add3A_54, %dma_start3A_55] : memref<80x128xi32, #tpu.memory_space<vmem>> -> memref<1x128xi32, #tpu.memory_space<vmem>>
      %dma_start3A_57 = tpu.memref_squeeze %dma_start3A_56 : memref<1x128xi32, #tpu.memory_space<vmem>> -> memref<128xi32, #tpu.memory_space<vmem>>
      %dma_start3A_58 = arith.constant 0 : i32
      %dma_start3A_59 = arith.constant 0 : i32
      %dma_start3A_60 = tpu.memref_slice %arg2[%dma_start3A_58, %dma_start3A_59] : memref<20000x64xf32, #tpu.memory_space<hbm>> -> memref<20000x64xf32, #tpu.memory_space<hbm>>
      tpu.enqueue_indirect_dma source(%dma_start3A_60 : memref<20000x64xf32, #tpu.memory_space<hbm>>) target(%arg12 : memref<128x64xf32, #tpu.memory_space<vmem>>) offsets(%dma_start3A_57 : memref<128xi32, #tpu.memory_space<vmem>>) semaphore(%arg16 : memref<!tpu.dma_semaphore, #tpu.memory_space<semaphore_mem>>)
      %dma_wait3A = arith.constant 0 : i32
      %dma_wait3A_61 = tpu.memref_slice %arg8[%mul3A_52, %dma_wait3A] : memref<80x128xi32, #tpu.memory_space<vmem>> -> memref<1x128xi32, #tpu.memory_space<vmem>>
      %dma_wait3A_62 = tpu.memref_squeeze %dma_wait3A_61 : memref<1x128xi32, #tpu.memory_space<vmem>> -> memref<128xi32, #tpu.memory_space<vmem>>
      %dma_wait3A_63 = arith.constant 0 : i32
      %dma_wait3A_64 = arith.constant 0 : i32
      %dma_wait3A_65 = tpu.memref_slice %arg2[%dma_wait3A_63, %dma_wait3A_64] : memref<20000x64xf32, #tpu.memory_space<hbm>> -> memref<20000x64xf32, #tpu.memory_space<hbm>>
      tpu.wait_indirect_dma semaphore(%arg15 : memref<!tpu.dma_semaphore, #tpu.memory_space<semaphore_mem>>) src(%dma_wait3A_65 : memref<20000x64xf32, #tpu.memory_space<hbm>>) dst(%arg11 : memref<128x64xf32, #tpu.memory_space<vmem>>)
      "tpu.region"() ({
        %run_scoped3A = tpu.sem_alloc : memref<!tpu.dma_semaphore, #tpu.memory_space<semaphore_mem>>
        %dma_start3A_74 = arith.constant 0 : i32
        %dma_start3A_75 = tpu.memref_slice %arg10[%mul3A_52, %dma_start3A_74] : memref<80x128xi32, #tpu.memory_space<vmem>> -> memref<1x128xi32, #tpu.memory_space<vmem>>
        %dma_start3A_76 = tpu.memref_squeeze %dma_start3A_75 : memref<1x128xi32, #tpu.memory_space<vmem>> -> memref<128xi32, #tpu.memory_space<vmem>>
        %dma_start3A_77 = arith.constant 0 : i32
        %dma_start3A_78 = arith.constant 0 : i32
        %dma_start3A_79 = tpu.memref_slice %arg14[%dma_start3A_77, %dma_start3A_78] : memref<10240x64xf32, #tpu.memory_space<vmem_shared>> -> memref<10240x64xf32, #tpu.memory_space<vmem_shared>>
        tpu.enqueue_indirect_dma source(%arg11 : memref<128x64xf32, #tpu.memory_space<vmem>>) target(%dma_start3A_79 : memref<10240x64xf32, #tpu.memory_space<vmem_shared>>) offsets(%dma_start3A_76 : memref<128xi32, #tpu.memory_space<vmem>>) semaphore(%run_scoped3A : memref<!tpu.dma_semaphore, #tpu.memory_space<semaphore_mem>>) {add = true}
        %dma_wait3A_80 = arith.constant 0 : i32
        %dma_wait3A_81 = tpu.memref_slice %arg10[%mul3A_52, %dma_wait3A_80] : memref<80x128xi32, #tpu.memory_space<vmem>> -> memref<1x128xi32, #tpu.memory_space<vmem>>
        %dma_wait3A_82 = tpu.memref_squeeze %dma_wait3A_81 : memref<1x128xi32, #tpu.memory_space<vmem>> -> memref<128xi32, #tpu.memory_space<vmem>>
        %dma_wait3A_83 = arith.constant 0 : i32
        %dma_wait3A_84 = arith.constant 0 : i32
        %dma_wait3A_85 = tpu.memref_slice %arg14[%dma_wait3A_83, %dma_wait3A_84] : memref<10240x64xf32, #tpu.memory_space<vmem_shared>> -> memref<10240x64xf32, #tpu.memory_space<vmem_shared>>
        tpu.wait_indirect_dma semaphore(%run_scoped3A : memref<!tpu.dma_semaphore, #tpu.memory_space<semaphore_mem>>) src(%arg11 : memref<128x64xf32, #tpu.memory_space<vmem>>) dst(%dma_wait3A_85 : memref<10240x64xf32, #tpu.memory_space<vmem_shared>>)
        tpu.yield
      }) : () -> ()
      %lt3A = arith.constant 39 : i32
      %lt3A_66 = arith.cmpi slt, %add3A_50, %lt3A : i32
      %convert_element_type3A = arith.extui %lt3A_66 : i1 to i32
      %cond3A = arith.constant 0 : i32
      %cond3A_67 = arith.cmpi ne, %convert_element_type3A, %cond3A : i32
      scf.if %cond3A_67 {
        %add3A_74 = arith.constant 2 : i32
        %add3A_75 = arith.addi %mul3A_52, %add3A_74 : i32
        %dma_start3A_76 = arith.constant 0 : i32
        %dma_start3A_77 = tpu.memref_slice %arg8[%add3A_75, %dma_start3A_76] : memref<80x128xi32, #tpu.memory_space<vmem>> -> memref<1x128xi32, #tpu.memory_space<vmem>>
        %dma_start3A_78 = tpu.memref_squeeze %dma_start3A_77 : memref<1x128xi32, #tpu.memory_space<vmem>> -> memref<128xi32, #tpu.memory_space<vmem>>
        %dma_start3A_79 = arith.constant 0 : i32
        %dma_start3A_80 = arith.constant 0 : i32
        %dma_start3A_81 = tpu.memref_slice %arg2[%dma_start3A_79, %dma_start3A_80] : memref<20000x64xf32, #tpu.memory_space<hbm>> -> memref<20000x64xf32, #tpu.memory_space<hbm>>
        tpu.enqueue_indirect_dma source(%dma_start3A_81 : memref<20000x64xf32, #tpu.memory_space<hbm>>) target(%arg11 : memref<128x64xf32, #tpu.memory_space<vmem>>) offsets(%dma_start3A_78 : memref<128xi32, #tpu.memory_space<vmem>>) semaphore(%arg15 : memref<!tpu.dma_semaphore, #tpu.memory_space<semaphore_mem>>)
      } else {
      }
      %dma_wait3A_68 = arith.constant 0 : i32
      %dma_wait3A_69 = tpu.memref_slice %arg8[%add3A_54, %dma_wait3A_68] : memref<80x128xi32, #tpu.memory_space<vmem>> -> memref<1x128xi32, #tpu.memory_space<vmem>>
      %dma_wait3A_70 = tpu.memref_squeeze %dma_wait3A_69 : memref<1x128xi32, #tpu.memory_space<vmem>> -> memref<128xi32, #tpu.memory_space<vmem>>
      %dma_wait3A_71 = arith.constant 0 : i32
      %dma_wait3A_72 = arith.constant 0 : i32
      %dma_wait3A_73 = tpu.memref_slice %arg2[%dma_wait3A_71, %dma_wait3A_72] : memref<20000x64xf32, #tpu.memory_space<hbm>> -> memref<20000x64xf32, #tpu.memory_space<hbm>>
      tpu.wait_indirect_dma semaphore(%arg16 : memref<!tpu.dma_semaphore, #tpu.memory_space<semaphore_mem>>) src(%dma_wait3A_73 : memref<20000x64xf32, #tpu.memory_space<hbm>>) dst(%arg12 : memref<128x64xf32, #tpu.memory_space<vmem>>)
      "tpu.region"() ({
        %run_scoped3A = tpu.sem_alloc : memref<!tpu.dma_semaphore, #tpu.memory_space<semaphore_mem>>
        %dma_start3A_74 = arith.constant 0 : i32
        %dma_start3A_75 = tpu.memref_slice %arg10[%add3A_54, %dma_start3A_74] : memref<80x128xi32, #tpu.memory_space<vmem>> -> memref<1x128xi32, #tpu.memory_space<vmem>>
        %dma_start3A_76 = tpu.memref_squeeze %dma_start3A_75 : memref<1x128xi32, #tpu.memory_space<vmem>> -> memref<128xi32, #tpu.memory_space<vmem>>
        %dma_start3A_77 = arith.constant 0 : i32
        %dma_start3A_78 = arith.constant 0 : i32
        %dma_start3A_79 = tpu.memref_slice %arg14[%dma_start3A_77, %dma_start3A_78] : memref<10240x64xf32, #tpu.memory_space<vmem_shared>> -> memref<10240x64xf32, #tpu.memory_space<vmem_shared>>
        tpu.enqueue_indirect_dma source(%arg12 : memref<128x64xf32, #tpu.memory_space<vmem>>) target(%dma_start3A_79 : memref<10240x64xf32, #tpu.memory_space<vmem_shared>>) offsets(%dma_start3A_76 : memref<128xi32, #tpu.memory_space<vmem>>) semaphore(%run_scoped3A : memref<!tpu.dma_semaphore, #tpu.memory_space<semaphore_mem>>) {add = true}
        %dma_wait3A_80 = arith.constant 0 : i32
        %dma_wait3A_81 = tpu.memref_slice %arg10[%add3A_54, %dma_wait3A_80] : memref<80x128xi32, #tpu.memory_space<vmem>> -> memref<1x128xi32, #tpu.memory_space<vmem>>
        %dma_wait3A_82 = tpu.memref_squeeze %dma_wait3A_81 : memref<1x128xi32, #tpu.memory_space<vmem>> -> memref<128xi32, #tpu.memory_space<vmem>>
        %dma_wait3A_83 = arith.constant 0 : i32
        %dma_wait3A_84 = arith.constant 0 : i32
        %dma_wait3A_85 = tpu.memref_slice %arg14[%dma_wait3A_83, %dma_wait3A_84] : memref<10240x64xf32, #tpu.memory_space<vmem_shared>> -> memref<10240x64xf32, #tpu.memory_space<vmem_shared>>
        tpu.wait_indirect_dma semaphore(%run_scoped3A : memref<!tpu.dma_semaphore, #tpu.memory_space<semaphore_mem>>) src(%arg12 : memref<128x64xf32, #tpu.memory_space<vmem>>) dst(%dma_wait3A_85 : memref<10240x64xf32, #tpu.memory_space<vmem_shared>>)
        tpu.yield
      }) : () -> ()
    }
    %scan3A_15 = arith.constant 40 : i32
    %barrier3A_16 = arith.constant 0 : index
    tpu.barrier barrier_id(%barrier3A_16)
    %scan3A_17 = arith.constant 0 : i32
    %scan3A_18 = arith.constant 10 : i32
    %scan3A_19 = arith.addi %scan3A_17, %scan3A_18 : i32
    %scan3A_20 = arith.constant 1 : i32
    scf.for %scan3A_46 = %scan3A_17 to %scan3A_19 step %scan3A_20  : i32 {
      %mul3A_47 = arith.constant 1 : i32
      %mul3A_48 = arith.muli %scan3A_46, %mul3A_47 : i32
      %add3A_49 = arith.constant 0 : i32
      %add3A_50 = arith.addi %add3A_49, %mul3A_48 : i32
      %mul3A_51 = arith.constant 640 : i32
      %mul3A_52 = arith.muli %arg1, %mul3A_51 : i32
      %mul3A_53 = arith.constant 64 : i32
      %mul3A_54 = arith.muli %add3A_50, %mul3A_53 : i32
      %add3A_55 = arith.addi %mul3A_52, %mul3A_54 : i32
      %run_scoped3A = arith.constant 0 : i32
      "tpu.region"() ({
        %run_scoped3A_56 = tpu.sem_alloc : memref<!tpu.dma_semaphore, #tpu.memory_space<semaphore_mem>>
        %dma_start3A_57 = arith.constant 0 : i32
        %dma_start3A_58 = tpu.memref_slice %arg7[%arg0, %run_scoped3A, %add3A_55, %dma_start3A_57] : memref<2x2x10240x64xf32, #tpu.memory_space<hbm>> -> memref<1x1x64x64xf32, #tpu.memory_space<hbm>>
        %dma_start3A_59 = tpu.memref_squeeze %dma_start3A_58 : memref<1x1x64x64xf32, #tpu.memory_space<hbm>> -> memref<64x64xf32, #tpu.memory_space<hbm>>
        %dma_start3A_60 = arith.constant 0 : i32
        %dma_start3A_61 = tpu.memref_slice %arg14[%add3A_55, %dma_start3A_60] : memref<10240x64xf32, #tpu.memory_space<vmem_shared>> -> memref<64x64xf32, #tpu.memory_space<vmem_shared>>
        tpu.enqueue_dma source(%dma_start3A_61 : memref<64x64xf32, #tpu.memory_space<vmem_shared>>) target(%dma_start3A_59 : memref<64x64xf32, #tpu.memory_space<hbm>>) target_semaphore(%run_scoped3A_56 : memref<!tpu.dma_semaphore, #tpu.memory_space<semaphore_mem>>)
        %dma_wait3A = arith.constant 0 : i32
        %dma_wait3A_62 = tpu.memref_slice %arg7[%arg0, %run_scoped3A, %add3A_55, %dma_wait3A] : memref<2x2x10240x64xf32, #tpu.memory_space<hbm>> -> memref<1x1x64x64xf32, #tpu.memory_space<hbm>>
        %dma_wait3A_63 = tpu.memref_squeeze %dma_wait3A_62 : memref<1x1x64x64xf32, #tpu.memory_space<hbm>> -> memref<64x64xf32, #tpu.memory_space<hbm>>
        %dma_wait3A_64 = arith.constant 0 : i32
        %dma_wait3A_65 = tpu.memref_slice %arg14[%add3A_55, %dma_wait3A_64] : memref<10240x64xf32, #tpu.memory_space<vmem_shared>> -> memref<64x64xf32, #tpu.memory_space<vmem_shared>>
        tpu.wait_dma2 semaphore(%run_scoped3A_56 : memref<!tpu.dma_semaphore, #tpu.memory_space<semaphore_mem>>) src(%dma_wait3A_65 : memref<64x64xf32, #tpu.memory_space<vmem_shared>>) dst(%dma_wait3A_63 : memref<64x64xf32, #tpu.memory_space<hbm>>)
        tpu.yield
      }) : () -> ()
    }
    %scan3A_21 = arith.constant 10 : i32
    %scan3A_22 = arith.constant 0 : i32
    %scan3A_23 = arith.constant 10 : i32
    %scan3A_24 = arith.addi %scan3A_22, %scan3A_23 : i32
    %scan3A_25 = arith.constant 1 : i32
    scf.for %scan3A_46 = %scan3A_22 to %scan3A_24 step %scan3A_25  : i32 {
      %mul3A_47 = arith.constant 1 : i32
      %mul3A_48 = arith.muli %scan3A_46, %mul3A_47 : i32
      %add3A_49 = arith.constant 0 : i32
      %add3A_50 = arith.addi %add3A_49, %mul3A_48 : i32
      %mul3A_51 = arith.constant 640 : i32
      %mul3A_52 = arith.muli %arg1, %mul3A_51 : i32
      %mul3A_53 = arith.constant 64 : i32
      %mul3A_54 = arith.muli %add3A_50, %mul3A_53 : i32
      %add3A_55 = arith.addi %mul3A_52, %mul3A_54 : i32
      "tpu.region"() ({
        %run_scoped3A = tpu.sem_alloc : memref<!tpu.dma_semaphore, #tpu.memory_space<semaphore_mem>>
        %dma_start3A_56 = arith.constant 0 : i32
        %dma_start3A_57 = tpu.memref_slice %arg14[%add3A_55, %dma_start3A_56] : memref<10240x64xf32, #tpu.memory_space<vmem_shared>> -> memref<64x64xf32, #tpu.memory_space<vmem_shared>>
        %dma_start3A_58 = arith.constant 0 : i32
        %dma_start3A_59 = tpu.memref_slice %arg14[%add3A_55, %dma_start3A_58] : memref<10240x64xf32, #tpu.memory_space<vmem_shared>> -> memref<64x64xf32, #tpu.memory_space<vmem_shared>>
        tpu.enqueue_dma source(%arg13 : memref<64x64xf32, #tpu.memory_space<vmem>>) target(%dma_start3A_59 : memref<64x64xf32, #tpu.memory_space<vmem_shared>>) target_semaphore(%run_scoped3A : memref<!tpu.dma_semaphore, #tpu.memory_space<semaphore_mem>>)
        %dma_wait3A = arith.constant 0 : i32
        %dma_wait3A_60 = tpu.memref_slice %arg14[%add3A_55, %dma_wait3A] : memref<10240x64xf32, #tpu.memory_space<vmem_shared>> -> memref<64x64xf32, #tpu.memory_space<vmem_shared>>
        %dma_wait3A_61 = arith.constant 0 : i32
        %dma_wait3A_62 = tpu.memref_slice %arg14[%add3A_55, %dma_wait3A_61] : memref<10240x64xf32, #tpu.memory_space<vmem_shared>> -> memref<64x64xf32, #tpu.memory_space<vmem_shared>>
        tpu.wait_dma2 semaphore(%run_scoped3A : memref<!tpu.dma_semaphore, #tpu.memory_space<semaphore_mem>>) src(%arg13 : memref<64x64xf32, #tpu.memory_space<vmem>>) dst(%dma_wait3A_62 : memref<64x64xf32, #tpu.memory_space<vmem_shared>>)
        tpu.yield
      }) : () -> ()
    }
    %scan3A_26 = arith.constant 10 : i32
    %barrier3A_27 = arith.constant 0 : index
    tpu.barrier barrier_id(%barrier3A_27)
    %dma_start3A_28 = arith.constant 0 : i32
    %dma_start3A_29 = arith.constant 0 : i32
    %dma_start3A_30 = tpu.memref_slice %arg9[%dma_start3A_28, %dma_start3A_29] : memref<80x128xi32, #tpu.memory_space<vmem>> -> memref<1x128xi32, #tpu.memory_space<vmem>>
    %dma_start3A_31 = tpu.memref_squeeze %dma_start3A_30 : memref<1x128xi32, #tpu.memory_space<vmem>> -> memref<128xi32, #tpu.memory_space<vmem>>
    %dma_start3A_32 = arith.constant 0 : i32
    %dma_start3A_33 = arith.constant 0 : i32
    %dma_start3A_34 = tpu.memref_slice %arg2[%dma_start3A_32, %dma_start3A_33] : memref<20000x64xf32, #tpu.memory_space<hbm>> -> memref<20000x64xf32, #tpu.memory_space<hbm>>
    tpu.enqueue_indirect_dma source(%dma_start3A_34 : memref<20000x64xf32, #tpu.memory_space<hbm>>) target(%arg11 : memref<128x64xf32, #tpu.memory_space<vmem>>) offsets(%dma_start3A_31 : memref<128xi32, #tpu.memory_space<vmem>>) semaphore(%arg15 : memref<!tpu.dma_semaphore, #tpu.memory_space<semaphore_mem>>)
    %scan3A_35 = arith.constant 0 : i32
    %scan3A_36 = arith.constant 40 : i32
    %scan3A_37 = arith.addi %scan3A_35, %scan3A_36 : i32
    %scan3A_38 = arith.constant 1 : i32
    scf.for %scan3A_46 = %scan3A_35 to %scan3A_37 step %scan3A_38  : i32 {
      %mul3A_47 = arith.constant 1 : i32
      %mul3A_48 = arith.muli %scan3A_46, %mul3A_47 : i32
      %add3A_49 = arith.constant 0 : i32
      %add3A_50 = arith.addi %add3A_49, %mul3A_48 : i32
      %mul3A_51 = arith.constant 2 : i32
      %mul3A_52 = arith.muli %mul3A_51, %add3A_50 : i32
      %add3A_53 = arith.constant 1 : i32
      %add3A_54 = arith.addi %mul3A_52, %add3A_53 : i32
      %dma_start3A_55 = arith.constant 0 : i32
      %dma_start3A_56 = tpu.memref_slice %arg9[%add3A_54, %dma_start3A_55] : memref<80x128xi32, #tpu.memory_space<vmem>> -> memref<1x128xi32, #tpu.memory_space<vmem>>
      %dma_start3A_57 = tpu.memref_squeeze %dma_start3A_56 : memref<1x128xi32, #tpu.memory_space<vmem>> -> memref<128xi32, #tpu.memory_space<vmem>>
      %dma_start3A_58 = arith.constant 0 : i32
      %dma_start3A_59 = arith.constant 0 : i32
      %dma_start3A_60 = tpu.memref_slice %arg2[%dma_start3A_58, %dma_start3A_59] : memref<20000x64xf32, #tpu.memory_space<hbm>> -> memref<20000x64xf32, #tpu.memory_space<hbm>>
      tpu.enqueue_indirect_dma source(%dma_start3A_60 : memref<20000x64xf32, #tpu.memory_space<hbm>>) target(%arg12 : memref<128x64xf32, #tpu.memory_space<vmem>>) offsets(%dma_start3A_57 : memref<128xi32, #tpu.memory_space<vmem>>) semaphore(%arg16 : memref<!tpu.dma_semaphore, #tpu.memory_space<semaphore_mem>>)
      %dma_wait3A = arith.constant 0 : i32
      %dma_wait3A_61 = tpu.memref_slice %arg9[%mul3A_52, %dma_wait3A] : memref<80x128xi32, #tpu.memory_space<vmem>> -> memref<1x128xi32, #tpu.memory_space<vmem>>
      %dma_wait3A_62 = tpu.memref_squeeze %dma_wait3A_61 : memref<1x128xi32, #tpu.memory_space<vmem>> -> memref<128xi32, #tpu.memory_space<vmem>>
      %dma_wait3A_63 = arith.constant 0 : i32
      %dma_wait3A_64 = arith.constant 0 : i32
      %dma_wait3A_65 = tpu.memref_slice %arg2[%dma_wait3A_63, %dma_wait3A_64] : memref<20000x64xf32, #tpu.memory_space<hbm>> -> memref<20000x64xf32, #tpu.memory_space<hbm>>
      tpu.wait_indirect_dma semaphore(%arg15 : memref<!tpu.dma_semaphore, #tpu.memory_space<semaphore_mem>>) src(%dma_wait3A_65 : memref<20000x64xf32, #tpu.memory_space<hbm>>) dst(%arg11 : memref<128x64xf32, #tpu.memory_space<vmem>>)
      "tpu.region"() ({
        %run_scoped3A = tpu.sem_alloc : memref<!tpu.dma_semaphore, #tpu.memory_space<semaphore_mem>>
        %dma_start3A_74 = arith.constant 0 : i32
        %dma_start3A_75 = tpu.memref_slice %arg10[%mul3A_52, %dma_start3A_74] : memref<80x128xi32, #tpu.memory_space<vmem>> -> memref<1x128xi32, #tpu.memory_space<vmem>>
        %dma_start3A_76 = tpu.memref_squeeze %dma_start3A_75 : memref<1x128xi32, #tpu.memory_space<vmem>> -> memref<128xi32, #tpu.memory_space<vmem>>
        %dma_start3A_77 = arith.constant 0 : i32
        %dma_start3A_78 = arith.constant 0 : i32
        %dma_start3A_79 = tpu.memref_slice %arg14[%dma_start3A_77, %dma_start3A_78] : memref<10240x64xf32, #tpu.memory_space<vmem_shared>> -> memref<10240x64xf32, #tpu.memory_space<vmem_shared>>
        tpu.enqueue_indirect_dma source(%arg11 : memref<128x64xf32, #tpu.memory_space<vmem>>) target(%dma_start3A_79 : memref<10240x64xf32, #tpu.memory_space<vmem_shared>>) offsets(%dma_start3A_76 : memref<128xi32, #tpu.memory_space<vmem>>) semaphore(%run_scoped3A : memref<!tpu.dma_semaphore, #tpu.memory_space<semaphore_mem>>) {add = true}
        %dma_wait3A_80 = arith.constant 0 : i32
        %dma_wait3A_81 = tpu.memref_slice %arg10[%mul3A_52, %dma_wait3A_80] : memref<80x128xi32, #tpu.memory_space<vmem>> -> memref<1x128xi32, #tpu.memory_space<vmem>>
        %dma_wait3A_82 = tpu.memref_squeeze %dma_wait3A_81 : memref<1x128xi32, #tpu.memory_space<vmem>> -> memref<128xi32, #tpu.memory_space<vmem>>
        %dma_wait3A_83 = arith.constant 0 : i32
        %dma_wait3A_84 = arith.constant 0 : i32
        %dma_wait3A_85 = tpu.memref_slice %arg14[%dma_wait3A_83, %dma_wait3A_84] : memref<10240x64xf32, #tpu.memory_space<vmem_shared>> -> memref<10240x64xf32, #tpu.memory_space<vmem_shared>>
        tpu.wait_indirect_dma semaphore(%run_scoped3A : memref<!tpu.dma_semaphore, #tpu.memory_space<semaphore_mem>>) src(%arg11 : memref<128x64xf32, #tpu.memory_space<vmem>>) dst(%dma_wait3A_85 : memref<10240x64xf32, #tpu.memory_space<vmem_shared>>)
        tpu.yield
      }) : () -> ()
      %lt3A = arith.constant 39 : i32
      %lt3A_66 = arith.cmpi slt, %add3A_50, %lt3A : i32
      %convert_element_type3A = arith.extui %lt3A_66 : i1 to i32
      %cond3A = arith.constant 0 : i32
      %cond3A_67 = arith.cmpi ne, %convert_element_type3A, %cond3A : i32
      scf.if %cond3A_67 {
        %add3A_74 = arith.constant 2 : i32
        %add3A_75 = arith.addi %mul3A_52, %add3A_74 : i32
        %dma_start3A_76 = arith.constant 0 : i32
        %dma_start3A_77 = tpu.memref_slice %arg9[%add3A_75, %dma_start3A_76] : memref<80x128xi32, #tpu.memory_space<vmem>> -> memref<1x128xi32, #tpu.memory_space<vmem>>
        %dma_start3A_78 = tpu.memref_squeeze %dma_start3A_77 : memref<1x128xi32, #tpu.memory_space<vmem>> -> memref<128xi32, #tpu.memory_space<vmem>>
        %dma_start3A_79 = arith.constant 0 : i32
        %dma_start3A_80 = arith.constant 0 : i32
        %dma_start3A_81 = tpu.memref_slice %arg2[%dma_start3A_79, %dma_start3A_80] : memref<20000x64xf32, #tpu.memory_space<hbm>> -> memref<20000x64xf32, #tpu.memory_space<hbm>>
        tpu.enqueue_indirect_dma source(%dma_start3A_81 : memref<20000x64xf32, #tpu.memory_space<hbm>>) target(%arg11 : memref<128x64xf32, #tpu.memory_space<vmem>>) offsets(%dma_start3A_78 : memref<128xi32, #tpu.memory_space<vmem>>) semaphore(%arg15 : memref<!tpu.dma_semaphore, #tpu.memory_space<semaphore_mem>>)
      } else {
      }
      %dma_wait3A_68 = arith.constant 0 : i32
      %dma_wait3A_69 = tpu.memref_slice %arg9[%add3A_54, %dma_wait3A_68] : memref<80x128xi32, #tpu.memory_space<vmem>> -> memref<1x128xi32, #tpu.memory_space<vmem>>
      %dma_wait3A_70 = tpu.memref_squeeze %dma_wait3A_69 : memref<1x128xi32, #tpu.memory_space<vmem>> -> memref<128xi32, #tpu.memory_space<vmem>>
      %dma_wait3A_71 = arith.constant 0 : i32
      %dma_wait3A_72 = arith.constant 0 : i32
      %dma_wait3A_73 = tpu.memref_slice %arg2[%dma_wait3A_71, %dma_wait3A_72] : memref<20000x64xf32, #tpu.memory_space<hbm>> -> memref<20000x64xf32, #tpu.memory_space<hbm>>
      tpu.wait_indirect_dma semaphore(%arg16 : memref<!tpu.dma_semaphore, #tpu.memory_space<semaphore_mem>>) src(%dma_wait3A_73 : memref<20000x64xf32, #tpu.memory_space<hbm>>) dst(%arg12 : memref<128x64xf32, #tpu.memory_space<vmem>>)
      "tpu.region"() ({
        %run_scoped3A = tpu.sem_alloc : memref<!tpu.dma_semaphore, #tpu.memory_space<semaphore_mem>>
        %dma_start3A_74 = arith.constant 0 : i32
        %dma_start3A_75 = tpu.memref_slice %arg10[%add3A_54, %dma_start3A_74] : memref<80x128xi32, #tpu.memory_space<vmem>> -> memref<1x128xi32, #tpu.memory_space<vmem>>
        %dma_start3A_76 = tpu.memref_squeeze %dma_start3A_75 : memref<1x128xi32, #tpu.memory_space<vmem>> -> memref<128xi32, #tpu.memory_space<vmem>>
        %dma_start3A_77 = arith.constant 0 : i32
        %dma_start3A_78 = arith.constant 0 : i32
        %dma_start3A_79 = tpu.memref_slice %arg14[%dma_start3A_77, %dma_start3A_78] : memref<10240x64xf32, #tpu.memory_space<vmem_shared>> -> memref<10240x64xf32, #tpu.memory_space<vmem_shared>>
        tpu.enqueue_indirect_dma source(%arg12 : memref<128x64xf32, #tpu.memory_space<vmem>>) target(%dma_start3A_79 : memref<10240x64xf32, #tpu.memory_space<vmem_shared>>) offsets(%dma_start3A_76 : memref<128xi32, #tpu.memory_space<vmem>>) semaphore(%run_scoped3A : memref<!tpu.dma_semaphore, #tpu.memory_space<semaphore_mem>>) {add = true}
        %dma_wait3A_80 = arith.constant 0 : i32
        %dma_wait3A_81 = tpu.memref_slice %arg10[%add3A_54, %dma_wait3A_80] : memref<80x128xi32, #tpu.memory_space<vmem>> -> memref<1x128xi32, #tpu.memory_space<vmem>>
        %dma_wait3A_82 = tpu.memref_squeeze %dma_wait3A_81 : memref<1x128xi32, #tpu.memory_space<vmem>> -> memref<128xi32, #tpu.memory_space<vmem>>
        %dma_wait3A_83 = arith.constant 0 : i32
        %dma_wait3A_84 = arith.constant 0 : i32
        %dma_wait3A_85 = tpu.memref_slice %arg14[%dma_wait3A_83, %dma_wait3A_84] : memref<10240x64xf32, #tpu.memory_space<vmem_shared>> -> memref<10240x64xf32, #tpu.memory_space<vmem_shared>>
        tpu.wait_indirect_dma semaphore(%run_scoped3A : memref<!tpu.dma_semaphore, #tpu.memory_space<semaphore_mem>>) src(%arg12 : memref<128x64xf32, #tpu.memory_space<vmem>>) dst(%dma_wait3A_85 : memref<10240x64xf32, #tpu.memory_space<vmem_shared>>)
        tpu.yield
      }) : () -> ()
    }
    %scan3A_39 = arith.constant 40 : i32
    %barrier3A_40 = arith.constant 0 : index
    tpu.barrier barrier_id(%barrier3A_40)
    %scan3A_41 = arith.constant 0 : i32
    %scan3A_42 = arith.constant 10 : i32
    %scan3A_43 = arith.addi %scan3A_41, %scan3A_42 : i32
    %scan3A_44 = arith.constant 1 : i32
    scf.for %scan3A_46 = %scan3A_41 to %scan3A_43 step %scan3A_44  : i32 {
      %mul3A_47 = arith.constant 1 : i32
      %mul3A_48 = arith.muli %scan3A_46, %mul3A_47 : i32
      %add3A_49 = arith.constant 0 : i32
      %add3A_50 = arith.addi %add3A_49, %mul3A_48 : i32
      %mul3A_51 = arith.constant 640 : i32
      %mul3A_52 = arith.muli %arg1, %mul3A_51 : i32
      %mul3A_53 = arith.constant 64 : i32
      %mul3A_54 = arith.muli %add3A_50, %mul3A_53 : i32
      %add3A_55 = arith.addi %mul3A_52, %mul3A_54 : i32
      %run_scoped3A = arith.constant 1 : i32
      "tpu.region"() ({
        %run_scoped3A_56 = tpu.sem_alloc : memref<!tpu.dma_semaphore, #tpu.memory_space<semaphore_mem>>
        %dma_start3A_57 = arith.constant 0 : i32
        %dma_start3A_58 = tpu.memref_slice %arg7[%arg0, %run_scoped3A, %add3A_55, %dma_start3A_57] : memref<2x2x10240x64xf32, #tpu.memory_space<hbm>> -> memref<1x1x64x64xf32, #tpu.memory_space<hbm>>
        %dma_start3A_59 = tpu.memref_squeeze %dma_start3A_58 : memref<1x1x64x64xf32, #tpu.memory_space<hbm>> -> memref<64x64xf32, #tpu.memory_space<hbm>>
        %dma_start3A_60 = arith.constant 0 : i32
        %dma_start3A_61 = tpu.memref_slice %arg14[%add3A_55, %dma_start3A_60] : memref<10240x64xf32, #tpu.memory_space<vmem_shared>> -> memref<64x64xf32, #tpu.memory_space<vmem_shared>>
        tpu.enqueue_dma source(%dma_start3A_61 : memref<64x64xf32, #tpu.memory_space<vmem_shared>>) target(%dma_start3A_59 : memref<64x64xf32, #tpu.memory_space<hbm>>) target_semaphore(%run_scoped3A_56 : memref<!tpu.dma_semaphore, #tpu.memory_space<semaphore_mem>>)
        %dma_wait3A = arith.constant 0 : i32
        %dma_wait3A_62 = tpu.memref_slice %arg7[%arg0, %run_scoped3A, %add3A_55, %dma_wait3A] : memref<2x2x10240x64xf32, #tpu.memory_space<hbm>> -> memref<1x1x64x64xf32, #tpu.memory_space<hbm>>
        %dma_wait3A_63 = tpu.memref_squeeze %dma_wait3A_62 : memref<1x1x64x64xf32, #tpu.memory_space<hbm>> -> memref<64x64xf32, #tpu.memory_space<hbm>>
        %dma_wait3A_64 = arith.constant 0 : i32
        %dma_wait3A_65 = tpu.memref_slice %arg14[%add3A_55, %dma_wait3A_64] : memref<10240x64xf32, #tpu.memory_space<vmem_shared>> -> memref<64x64xf32, #tpu.memory_space<vmem_shared>>
        tpu.wait_dma2 semaphore(%run_scoped3A_56 : memref<!tpu.dma_semaphore, #tpu.memory_space<semaphore_mem>>) src(%dma_wait3A_65 : memref<64x64xf32, #tpu.memory_space<vmem_shared>>) dst(%dma_wait3A_63 : memref<64x64xf32, #tpu.memory_space<hbm>>)
        tpu.yield
      }) : () -> ()
    }
    %scan3A_45 = arith.constant 10 : i32
    return
  }
}

#map = affine_map<(d0, d1) -> (0, 0)>
#map1 = affine_map<(d0, d1) -> (0, 0, 0)>
#map2 = affine_map<(d0, d1) -> (0, 0, 0, 0)>
module attributes {stable_mosaic.version = 14 : i64} {
  func.func @k(%arg0: i32, %arg1: i32, %arg2: memref<20000x64xf32, #tpu.memory_space<hbm>>, %arg3: memref<32x80x128xi32, #tpu.memory_space<hbm>>, %arg4: memref<32x80x128xi32, #tpu.memory_space<hbm>>, %arg5: memref<32x80x128xi32, #tpu.memory_space<hbm>>, %arg6: memref<64x64xf32, #tpu.memory_space<hbm>>, %arg7: memref<2x2x10240x64xf32, #tpu.memory_space<hbm>>, %arg8: memref<80x128xi32, #tpu.memory_space<vmem>>, %arg9: memref<80x128xi32, #tpu.memory_space<vmem>>, %arg10: memref<80x128xi32, #tpu.memory_space<vmem>>, %arg11: memref<128x64xf32, #tpu.memory_space<vmem>>, %arg12: memref<128x64xf32, #tpu.memory_space<vmem>>, %arg13: memref<64x64xf32, #tpu.memory_space<vmem>>, %arg14: memref<10240x64xf32, #tpu.memory_space<vmem_shared>>, %arg15: memref<!tpu.dma_semaphore, #tpu.memory_space<semaphore_mem>>, %arg16: memref<!tpu.dma_semaphore, #tpu.memory_space<semaphore_mem>>, %arg17: memref<!tpu.dma_semaphore, #tpu.memory_space<semaphore_mem>>, %arg18: memref<!tpu.dma_semaphore, #tpu.memory_space<semaphore_mem>>) attributes {dimension_semantics = [#tpu.dimension_semantics<core_parallel>, #tpu.dimension_semantics<subcore_parallel>], iteration_bounds = array<i64: 2, 16>, scalar_prefetch = 0 : i64, scratch_operands = 11 : i64, tpu.core_type = #tpu.core_type<sc_vector_subcore>, window_params = [{transform_indices = #map}, {transform_indices = #map1}, {transform_indices = #map1}, {transform_indices = #map1}, {transform_indices = #map}, {transform_indices = #map2}]} {
    %mul3A = arith.constant 2 : i32
    %mul3A_0 = arith.muli %arg1, %mul3A : i32
    %add3A = arith.addi %mul3A_0, %arg0 : i32
    "tpu.region"() ({
      %run_scoped3A = tpu.sem_alloc : memref<!tpu.dma_semaphore, #tpu.memory_space<semaphore_mem>>
      %dma_start3A_46 = arith.constant 0 : i32
      %dma_start3A_47 = arith.constant 0 : i32
      %dma_start3A_48 = tpu.memref_slice %arg3[%add3A, %dma_start3A_46, %dma_start3A_47] : memref<32x80x128xi32, #tpu.memory_space<hbm>> -> memref<1x80x128xi32, #tpu.memory_space<hbm>>
      %dma_start3A_49 = tpu.memref_squeeze %dma_start3A_48 : memref<1x80x128xi32, #tpu.memory_space<hbm>> -> memref<80x128xi32, #tpu.memory_space<hbm>>
      %dma_start3A_50 = arith.constant 0 : i32
      %dma_start3A_51 = arith.constant 0 : i32
      %dma_start3A_52 = tpu.memref_slice %arg3[%add3A, %dma_start3A_50, %dma_start3A_51] : memref<32x80x128xi32, #tpu.memory_space<hbm>> -> memref<1x80x128xi32, #tpu.memory_space<hbm>>
      %dma_start3A_53 = tpu.memref_squeeze %dma_start3A_52 : memref<1x80x128xi32, #tpu.memory_space<hbm>> -> memref<80x128xi32, #tpu.memory_space<hbm>>
      tpu.enqueue_dma source(%dma_start3A_53 : memref<80x128xi32, #tpu.memory_space<hbm>>) target(%arg8 : memref<80x128xi32, #tpu.memory_space<vmem>>) target_semaphore(%run_scoped3A : memref<!tpu.dma_semaphore, #tpu.memory_space<semaphore_mem>>)
      %dma_wait3A = arith.constant 0 : i32
      %dma_wait3A_54 = arith.constant 0 : i32
      %dma_wait3A_55 = tpu.memref_slice %arg3[%add3A, %dma_wait3A, %dma_wait3A_54] : memref<32x80x128xi32, #tpu.memory_space<hbm>> -> memref<1x80x128xi32, #tpu.memory_space<hbm>>
      %dma_wait3A_56 = tpu.memref_squeeze %dma_wait3A_55 : memref<1x80x128xi32, #tpu.memory_space<hbm>> -> memref<80x128xi32, #tpu.memory_space<hbm>>
      %dma_wait3A_57 = arith.constant 0 : i32
      %dma_wait3A_58 = arith.constant 0 : i32
      %dma_wait3A_59 = tpu.memref_slice %arg3[%add3A, %dma_wait3A_57, %dma_wait3A_58] : memref<32x80x128xi32, #tpu.memory_space<hbm>> -> memref<1x80x128xi32, #tpu.memory_space<hbm>>
      %dma_wait3A_60 = tpu.memref_squeeze %dma_wait3A_59 : memref<1x80x128xi32, #tpu.memory_space<hbm>> -> memref<80x128xi32, #tpu.memory_space<hbm>>
      tpu.wait_dma2 semaphore(%run_scoped3A : memref<!tpu.dma_semaphore, #tpu.memory_space<semaphore_mem>>) src(%dma_wait3A_60 : memref<80x128xi32, #tpu.memory_space<hbm>>) dst(%arg8 : memref<80x128xi32, #tpu.memory_space<vmem>>)
      tpu.yield
    }) : () -> ()
    "tpu.region"() ({
      %run_scoped3A = tpu.sem_alloc : memref<!tpu.dma_semaphore, #tpu.memory_space<semaphore_mem>>
      %dma_start3A_46 = arith.constant 0 : i32
      %dma_start3A_47 = arith.constant 0 : i32
      %dma_start3A_48 = tpu.memref_slice %arg4[%add3A, %dma_start3A_46, %dma_start3A_47] : memref<32x80x128xi32, #tpu.memory_space<hbm>> -> memref<1x80x128xi32, #tpu.memory_space<hbm>>
      %dma_start3A_49 = tpu.memref_squeeze %dma_start3A_48 : memref<1x80x128xi32, #tpu.memory_space<hbm>> -> memref<80x128xi32, #tpu.memory_space<hbm>>
      %dma_start3A_50 = arith.constant 0 : i32
      %dma_start3A_51 = arith.constant 0 : i32
      %dma_start3A_52 = tpu.memref_slice %arg4[%add3A, %dma_start3A_50, %dma_start3A_51] : memref<32x80x128xi32, #tpu.memory_space<hbm>> -> memref<1x80x128xi32, #tpu.memory_space<hbm>>
      %dma_start3A_53 = tpu.memref_squeeze %dma_start3A_52 : memref<1x80x128xi32, #tpu.memory_space<hbm>> -> memref<80x128xi32, #tpu.memory_space<hbm>>
      tpu.enqueue_dma source(%dma_start3A_53 : memref<80x128xi32, #tpu.memory_space<hbm>>) target(%arg9 : memref<80x128xi32, #tpu.memory_space<vmem>>) target_semaphore(%run_scoped3A : memref<!tpu.dma_semaphore, #tpu.memory_space<semaphore_mem>>)
      %dma_wait3A = arith.constant 0 : i32
      %dma_wait3A_54 = arith.constant 0 : i32
      %dma_wait3A_55 = tpu.memref_slice %arg4[%add3A, %dma_wait3A, %dma_wait3A_54] : memref<32x80x128xi32, #tpu.memory_space<hbm>> -> memref<1x80x128xi32, #tpu.memory_space<hbm>>
      %dma_wait3A_56 = tpu.memref_squeeze %dma_wait3A_55 : memref<1x80x128xi32, #tpu.memory_space<hbm>> -> memref<80x128xi32, #tpu.memory_space<hbm>>
      %dma_wait3A_57 = arith.constant 0 : i32
      %dma_wait3A_58 = arith.constant 0 : i32
      %dma_wait3A_59 = tpu.memref_slice %arg4[%add3A, %dma_wait3A_57, %dma_wait3A_58] : memref<32x80x128xi32, #tpu.memory_space<hbm>> -> memref<1x80x128xi32, #tpu.memory_space<hbm>>
      %dma_wait3A_60 = tpu.memref_squeeze %dma_wait3A_59 : memref<1x80x128xi32, #tpu.memory_space<hbm>> -> memref<80x128xi32, #tpu.memory_space<hbm>>
      tpu.wait_dma2 semaphore(%run_scoped3A : memref<!tpu.dma_semaphore, #tpu.memory_space<semaphore_mem>>) src(%dma_wait3A_60 : memref<80x128xi32, #tpu.memory_space<hbm>>) dst(%arg9 : memref<80x128xi32, #tpu.memory_space<vmem>>)
      tpu.yield
    }) : () -> ()
    "tpu.region"() ({
      %run_scoped3A = tpu.sem_alloc : memref<!tpu.dma_semaphore, #tpu.memory_space<semaphore_mem>>
      %dma_start3A_46 = arith.constant 0 : i32
      %dma_start3A_47 = arith.constant 0 : i32
      %dma_start3A_48 = tpu.memref_slice %arg5[%add3A, %dma_start3A_46, %dma_start3A_47] : memref<32x80x128xi32, #tpu.memory_space<hbm>> -> memref<1x80x128xi32, #tpu.memory_space<hbm>>
      %dma_start3A_49 = tpu.memref_squeeze %dma_start3A_48 : memref<1x80x128xi32, #tpu.memory_space<hbm>> -> memref<80x128xi32, #tpu.memory_space<hbm>>
      %dma_start3A_50 = arith.constant 0 : i32
      %dma_start3A_51 = arith.constant 0 : i32
      %dma_start3A_52 = tpu.memref_slice %arg5[%add3A, %dma_start3A_50, %dma_start3A_51] : memref<32x80x128xi32, #tpu.memory_space<hbm>> -> memref<1x80x128xi32, #tpu.memory_space<hbm>>
      %dma_start3A_53 = tpu.memref_squeeze %dma_start3A_52 : memref<1x80x128xi32, #tpu.memory_space<hbm>> -> memref<80x128xi32, #tpu.memory_space<hbm>>
      tpu.enqueue_dma source(%dma_start3A_53 : memref<80x128xi32, #tpu.memory_space<hbm>>) target(%arg10 : memref<80x128xi32, #tpu.memory_space<vmem>>) target_semaphore(%run_scoped3A : memref<!tpu.dma_semaphore, #tpu.memory_space<semaphore_mem>>)
      %dma_wait3A = arith.constant 0 : i32
      %dma_wait3A_54 = arith.constant 0 : i32
      %dma_wait3A_55 = tpu.memref_slice %arg5[%add3A, %dma_wait3A, %dma_wait3A_54] : memref<32x80x128xi32, #tpu.memory_space<hbm>> -> memref<1x80x128xi32, #tpu.memory_space<hbm>>
      %dma_wait3A_56 = tpu.memref_squeeze %dma_wait3A_55 : memref<1x80x128xi32, #tpu.memory_space<hbm>> -> memref<80x128xi32, #tpu.memory_space<hbm>>
      %dma_wait3A_57 = arith.constant 0 : i32
      %dma_wait3A_58 = arith.constant 0 : i32
      %dma_wait3A_59 = tpu.memref_slice %arg5[%add3A, %dma_wait3A_57, %dma_wait3A_58] : memref<32x80x128xi32, #tpu.memory_space<hbm>> -> memref<1x80x128xi32, #tpu.memory_space<hbm>>
      %dma_wait3A_60 = tpu.memref_squeeze %dma_wait3A_59 : memref<1x80x128xi32, #tpu.memory_space<hbm>> -> memref<80x128xi32, #tpu.memory_space<hbm>>
      tpu.wait_dma2 semaphore(%run_scoped3A : memref<!tpu.dma_semaphore, #tpu.memory_space<semaphore_mem>>) src(%dma_wait3A_60 : memref<80x128xi32, #tpu.memory_space<hbm>>) dst(%arg10 : memref<80x128xi32, #tpu.memory_space<vmem>>)
      tpu.yield
    }) : () -> ()
    "tpu.region"() ({
      %run_scoped3A = tpu.sem_alloc : memref<!tpu.dma_semaphore, #tpu.memory_space<semaphore_mem>>
      tpu.enqueue_dma source(%arg6 : memref<64x64xf32, #tpu.memory_space<hbm>>) target(%arg13 : memref<64x64xf32, #tpu.memory_space<vmem>>) target_semaphore(%run_scoped3A : memref<!tpu.dma_semaphore, #tpu.memory_space<semaphore_mem>>)
      tpu.wait_dma2 semaphore(%run_scoped3A : memref<!tpu.dma_semaphore, #tpu.memory_space<semaphore_mem>>) src(%arg6 : memref<64x64xf32, #tpu.memory_space<hbm>>) dst(%arg13 : memref<64x64xf32, #tpu.memory_space<vmem>>)
      tpu.yield
    }) : () -> ()
    %scan3A = arith.constant 0 : i32
    %scan3A_1 = arith.constant 10 : i32
    %scan3A_2 = arith.addi %scan3A, %scan3A_1 : i32
    %scan3A_3 = arith.constant 1 : i32
    scf.for %scan3A_46 = %scan3A to %scan3A_2 step %scan3A_3  : i32 {
      %mul3A_47 = arith.constant 1 : i32
      %mul3A_48 = arith.muli %scan3A_46, %mul3A_47 : i32
      %add3A_49 = arith.constant 0 : i32
      %add3A_50 = arith.addi %add3A_49, %mul3A_48 : i32
      %mul3A_51 = arith.constant 640 : i32
      %mul3A_52 = arith.muli %arg1, %mul3A_51 : i32
      %mul3A_53 = arith.constant 64 : i32
      %mul3A_54 = arith.muli %add3A_50, %mul3A_53 : i32
      %add3A_55 = arith.addi %mul3A_52, %mul3A_54 : i32
      "tpu.region"() ({
        %run_scoped3A = tpu.sem_alloc : memref<!tpu.dma_semaphore, #tpu.memory_space<semaphore_mem>>
        %dma_start3A_56 = arith.constant 0 : i32
        %dma_start3A_57 = tpu.memref_slice %arg14[%add3A_55, %dma_start3A_56] : memref<10240x64xf32, #tpu.memory_space<vmem_shared>> -> memref<64x64xf32, #tpu.memory_space<vmem_shared>>
        %dma_start3A_58 = arith.constant 0 : i32
        %dma_start3A_59 = tpu.memref_slice %arg14[%add3A_55, %dma_start3A_58] : memref<10240x64xf32, #tpu.memory_space<vmem_shared>> -> memref<64x64xf32, #tpu.memory_space<vmem_shared>>
        tpu.enqueue_dma source(%arg13 : memref<64x64xf32, #tpu.memory_space<vmem>>) target(%dma_start3A_59 : memref<64x64xf32, #tpu.memory_space<vmem_shared>>) target_semaphore(%run_scoped3A : memref<!tpu.dma_semaphore, #tpu.memory_space<semaphore_mem>>)
        %dma_wait3A = arith.constant 0 : i32
        %dma_wait3A_60 = tpu.memref_slice %arg14[%add3A_55, %dma_wait3A] : memref<10240x64xf32, #tpu.memory_space<vmem_shared>> -> memref<64x64xf32, #tpu.memory_space<vmem_shared>>
        %dma_wait3A_61 = arith.constant 0 : i32
        %dma_wait3A_62 = tpu.memref_slice %arg14[%add3A_55, %dma_wait3A_61] : memref<10240x64xf32, #tpu.memory_space<vmem_shared>> -> memref<64x64xf32, #tpu.memory_space<vmem_shared>>
        tpu.wait_dma2 semaphore(%run_scoped3A : memref<!tpu.dma_semaphore, #tpu.memory_space<semaphore_mem>>) src(%arg13 : memref<64x64xf32, #tpu.memory_space<vmem>>) dst(%dma_wait3A_62 : memref<64x64xf32, #tpu.memory_space<vmem_shared>>)
        tpu.yield
      }) : () -> ()
    }
    %scan3A_4 = arith.constant 10 : i32
    %barrier3A = arith.constant 0 : index
    tpu.barrier barrier_id(%barrier3A)
    %dma_start3A = arith.constant 0 : i32
    %dma_start3A_5 = arith.constant 0 : i32
    %dma_start3A_6 = tpu.memref_slice %arg8[%dma_start3A, %dma_start3A_5] : memref<80x128xi32, #tpu.memory_space<vmem>> -> memref<1x128xi32, #tpu.memory_space<vmem>>
    %dma_start3A_7 = tpu.memref_squeeze %dma_start3A_6 : memref<1x128xi32, #tpu.memory_space<vmem>> -> memref<128xi32, #tpu.memory_space<vmem>>
    %dma_start3A_8 = arith.constant 0 : i32
    %dma_start3A_9 = arith.constant 0 : i32
    %dma_start3A_10 = tpu.memref_slice %arg2[%dma_start3A_8, %dma_start3A_9] : memref<20000x64xf32, #tpu.memory_space<hbm>> -> memref<20000x64xf32, #tpu.memory_space<hbm>>
    tpu.enqueue_indirect_dma source(%dma_start3A_10 : memref<20000x64xf32, #tpu.memory_space<hbm>>) target(%arg11 : memref<128x64xf32, #tpu.memory_space<vmem>>) offsets(%dma_start3A_7 : memref<128xi32, #tpu.memory_space<vmem>>) semaphore(%arg15 : memref<!tpu.dma_semaphore, #tpu.memory_space<semaphore_mem>>)
    %scan3A_11 = arith.constant 0 : i32
    %scan3A_12 = arith.constant 40 : i32
    %scan3A_13 = arith.addi %scan3A_11, %scan3A_12 : i32
    %scan3A_14 = arith.constant 1 : i32
    scf.for %scan3A_46 = %scan3A_11 to %scan3A_13 step %scan3A_14  : i32 {
      %mul3A_47 = arith.constant 1 : i32
      %mul3A_48 = arith.muli %scan3A_46, %mul3A_47 : i32
      %add3A_49 = arith.constant 0 : i32
      %add3A_50 = arith.addi %add3A_49, %mul3A_48 : i32
      %mul3A_51 = arith.constant 2 : i32
      %mul3A_52 = arith.muli %mul3A_51, %add3A_50 : i32
      %add3A_53 = arith.constant 1 : i32
      %add3A_54 = arith.addi %mul3A_52, %add3A_53 : i32
      %dma_start3A_55 = arith.constant 0 : i32
      %dma_start3A_56 = tpu.memref_slice %arg8[%add3A_54, %dma_start3A_55] : memref<80x128xi32, #tpu.memory_space<vmem>> -> memref<1x128xi32, #tpu.memory_space<vmem>>
      %dma_start3A_57 = tpu.memref_squeeze %dma_start3A_56 : memref<1x128xi32, #tpu.memory_space<vmem>> -> memref<128xi32, #tpu.memory_space<vmem>>
      %dma_start3A_58 = arith.constant 0 : i32
      %dma_start3A_59 = arith.constant 0 : i32
      %dma_start3A_60 = tpu.memref_slice %arg2[%dma_start3A_58, %dma_start3A_59] : memref<20000x64xf32, #tpu.memory_space<hbm>> -> memref<20000x64xf32, #tpu.memory_space<hbm>>
      tpu.enqueue_indirect_dma source(%dma_start3A_60 : memref<20000x64xf32, #tpu.memory_space<hbm>>) target(%arg12 : memref<128x64xf32, #tpu.memory_space<vmem>>) offsets(%dma_start3A_57 : memref<128xi32, #tpu.memory_space<vmem>>) semaphore(%arg16 : memref<!tpu.dma_semaphore, #tpu.memory_space<semaphore_mem>>)
      %dma_wait3A = arith.constant 0 : i32
      %dma_wait3A_61 = tpu.memref_slice %arg8[%mul3A_52, %dma_wait3A] : memref<80x128xi32, #tpu.memory_space<vmem>> -> memref<1x128xi32, #tpu.memory_space<vmem>>
      %dma_wait3A_62 = tpu.memref_squeeze %dma_wait3A_61 : memref<1x128xi32, #tpu.memory_space<vmem>> -> memref<128xi32, #tpu.memory_space<vmem>>
      %dma_wait3A_63 = arith.constant 0 : i32
      %dma_wait3A_64 = arith.constant 0 : i32
      %dma_wait3A_65 = tpu.memref_slice %arg2[%dma_wait3A_63, %dma_wait3A_64] : memref<20000x64xf32, #tpu.memory_space<hbm>> -> memref<20000x64xf32, #tpu.memory_space<hbm>>
      tpu.wait_indirect_dma semaphore(%arg15 : memref<!tpu.dma_semaphore, #tpu.memory_space<semaphore_mem>>) src(%dma_wait3A_65 : memref<20000x64xf32, #tpu.memory_space<hbm>>) dst(%arg11 : memref<128x64xf32, #tpu.memory_space<vmem>>)
      "tpu.region"() ({
        %run_scoped3A = tpu.sem_alloc : memref<!tpu.dma_semaphore, #tpu.memory_space<semaphore_mem>>
        %dma_start3A_74 = arith.constant 0 : i32
        %dma_start3A_75 = tpu.memref_slice %arg10[%mul3A_52, %dma_start3A_74] : memref<80x128xi32, #tpu.memory_space<vmem>> -> memref<1x128xi32, #tpu.memory_space<vmem>>
        %dma_start3A_76 = tpu.memref_squeeze %dma_start3A_75 : memref<1x128xi32, #tpu.memory_space<vmem>> -> memref<128xi32, #tpu.memory_space<vmem>>
        %dma_start3A_77 = arith.constant 0 : i32
        %dma_start3A_78 = arith.constant 0 : i32
        %dma_start3A_79 = tpu.memref_slice %arg14[%dma_start3A_77, %dma_start3A_78] : memref<10240x64xf32, #tpu.memory_space<vmem_shared>> -> memref<10240x64xf32, #tpu.memory_space<vmem_shared>>
        tpu.enqueue_indirect_dma source(%arg11 : memref<128x64xf32, #tpu.memory_space<vmem>>) target(%dma_start3A_79 : memref<10240x64xf32, #tpu.memory_space<vmem_shared>>) offsets(%dma_start3A_76 : memref<128xi32, #tpu.memory_space<vmem>>) semaphore(%run_scoped3A : memref<!tpu.dma_semaphore, #tpu.memory_space<semaphore_mem>>) {add = true}
        %dma_wait3A_80 = arith.constant 0 : i32
        %dma_wait3A_81 = tpu.memref_slice %arg10[%mul3A_52, %dma_wait3A_80] : memref<80x128xi32, #tpu.memory_space<vmem>> -> memref<1x128xi32, #tpu.memory_space<vmem>>
        %dma_wait3A_82 = tpu.memref_squeeze %dma_wait3A_81 : memref<1x128xi32, #tpu.memory_space<vmem>> -> memref<128xi32, #tpu.memory_space<vmem>>
        %dma_wait3A_83 = arith.constant 0 : i32
        %dma_wait3A_84 = arith.constant 0 : i32
        %dma_wait3A_85 = tpu.memref_slice %arg14[%dma_wait3A_83, %dma_wait3A_84] : memref<10240x64xf32, #tpu.memory_space<vmem_shared>> -> memref<10240x64xf32, #tpu.memory_space<vmem_shared>>
        tpu.wait_indirect_dma semaphore(%run_scoped3A : memref<!tpu.dma_semaphore, #tpu.memory_space<semaphore_mem>>) src(%arg11 : memref<128x64xf32, #tpu.memory_space<vmem>>) dst(%dma_wait3A_85 : memref<10240x64xf32, #tpu.memory_space<vmem_shared>>)
        tpu.yield
      }) : () -> ()
      %lt3A = arith.constant 39 : i32
      %lt3A_66 = arith.cmpi slt, %add3A_50, %lt3A : i32
      %convert_element_type3A = arith.extui %lt3A_66 : i1 to i32
      %cond3A = arith.constant 0 : i32
      %cond3A_67 = arith.cmpi ne, %convert_element_type3A, %cond3A : i32
      scf.if %cond3A_67 {
        %add3A_74 = arith.constant 2 : i32
        %add3A_75 = arith.addi %mul3A_52, %add3A_74 : i32
        %dma_start3A_76 = arith.constant 0 : i32
        %dma_start3A_77 = tpu.memref_slice %arg8[%add3A_75, %dma_start3A_76] : memref<80x128xi32, #tpu.memory_space<vmem>> -> memref<1x128xi32, #tpu.memory_space<vmem>>
        %dma_start3A_78 = tpu.memref_squeeze %dma_start3A_77 : memref<1x128xi32, #tpu.memory_space<vmem>> -> memref<128xi32, #tpu.memory_space<vmem>>
        %dma_start3A_79 = arith.constant 0 : i32
        %dma_start3A_80 = arith.constant 0 : i32
        %dma_start3A_81 = tpu.memref_slice %arg2[%dma_start3A_79, %dma_start3A_80] : memref<20000x64xf32, #tpu.memory_space<hbm>> -> memref<20000x64xf32, #tpu.memory_space<hbm>>
        tpu.enqueue_indirect_dma source(%dma_start3A_81 : memref<20000x64xf32, #tpu.memory_space<hbm>>) target(%arg11 : memref<128x64xf32, #tpu.memory_space<vmem>>) offsets(%dma_start3A_78 : memref<128xi32, #tpu.memory_space<vmem>>) semaphore(%arg15 : memref<!tpu.dma_semaphore, #tpu.memory_space<semaphore_mem>>)
      } else {
      }
      %dma_wait3A_68 = arith.constant 0 : i32
      %dma_wait3A_69 = tpu.memref_slice %arg8[%add3A_54, %dma_wait3A_68] : memref<80x128xi32, #tpu.memory_space<vmem>> -> memref<1x128xi32, #tpu.memory_space<vmem>>
      %dma_wait3A_70 = tpu.memref_squeeze %dma_wait3A_69 : memref<1x128xi32, #tpu.memory_space<vmem>> -> memref<128xi32, #tpu.memory_space<vmem>>
      %dma_wait3A_71 = arith.constant 0 : i32
      %dma_wait3A_72 = arith.constant 0 : i32
      %dma_wait3A_73 = tpu.memref_slice %arg2[%dma_wait3A_71, %dma_wait3A_72] : memref<20000x64xf32, #tpu.memory_space<hbm>> -> memref<20000x64xf32, #tpu.memory_space<hbm>>
      tpu.wait_indirect_dma semaphore(%arg16 : memref<!tpu.dma_semaphore, #tpu.memory_space<semaphore_mem>>) src(%dma_wait3A_73 : memref<20000x64xf32, #tpu.memory_space<hbm>>) dst(%arg12 : memref<128x64xf32, #tpu.memory_space<vmem>>)
      "tpu.region"() ({
        %run_scoped3A = tpu.sem_alloc : memref<!tpu.dma_semaphore, #tpu.memory_space<semaphore_mem>>
        %dma_start3A_74 = arith.constant 0 : i32
        %dma_start3A_75 = tpu.memref_slice %arg10[%add3A_54, %dma_start3A_74] : memref<80x128xi32, #tpu.memory_space<vmem>> -> memref<1x128xi32, #tpu.memory_space<vmem>>
        %dma_start3A_76 = tpu.memref_squeeze %dma_start3A_75 : memref<1x128xi32, #tpu.memory_space<vmem>> -> memref<128xi32, #tpu.memory_space<vmem>>
        %dma_start3A_77 = arith.constant 0 : i32
        %dma_start3A_78 = arith.constant 0 : i32
        %dma_start3A_79 = tpu.memref_slice %arg14[%dma_start3A_77, %dma_start3A_78] : memref<10240x64xf32, #tpu.memory_space<vmem_shared>> -> memref<10240x64xf32, #tpu.memory_space<vmem_shared>>
        tpu.enqueue_indirect_dma source(%arg12 : memref<128x64xf32, #tpu.memory_space<vmem>>) target(%dma_start3A_79 : memref<10240x64xf32, #tpu.memory_space<vmem_shared>>) offsets(%dma_start3A_76 : memref<128xi32, #tpu.memory_space<vmem>>) semaphore(%run_scoped3A : memref<!tpu.dma_semaphore, #tpu.memory_space<semaphore_mem>>) {add = true}
        %dma_wait3A_80 = arith.constant 0 : i32
        %dma_wait3A_81 = tpu.memref_slice %arg10[%add3A_54, %dma_wait3A_80] : memref<80x128xi32, #tpu.memory_space<vmem>> -> memref<1x128xi32, #tpu.memory_space<vmem>>
        %dma_wait3A_82 = tpu.memref_squeeze %dma_wait3A_81 : memref<1x128xi32, #tpu.memory_space<vmem>> -> memref<128xi32, #tpu.memory_space<vmem>>
        %dma_wait3A_83 = arith.constant 0 : i32
        %dma_wait3A_84 = arith.constant 0 : i32
        %dma_wait3A_85 = tpu.memref_slice %arg14[%dma_wait3A_83, %dma_wait3A_84] : memref<10240x64xf32, #tpu.memory_space<vmem_shared>> -> memref<10240x64xf32, #tpu.memory_space<vmem_shared>>
        tpu.wait_indirect_dma semaphore(%run_scoped3A : memref<!tpu.dma_semaphore, #tpu.memory_space<semaphore_mem>>) src(%arg12 : memref<128x64xf32, #tpu.memory_space<vmem>>) dst(%dma_wait3A_85 : memref<10240x64xf32, #tpu.memory_space<vmem_shared>>)
        tpu.yield
      }) : () -> ()
    }
    %scan3A_15 = arith.constant 40 : i32
    %barrier3A_16 = arith.constant 0 : index
    tpu.barrier barrier_id(%barrier3A_16)
    %scan3A_17 = arith.constant 0 : i32
    %scan3A_18 = arith.constant 10 : i32
    %scan3A_19 = arith.addi %scan3A_17, %scan3A_18 : i32
    %scan3A_20 = arith.constant 1 : i32
    scf.for %scan3A_46 = %scan3A_17 to %scan3A_19 step %scan3A_20  : i32 {
      %mul3A_47 = arith.constant 1 : i32
      %mul3A_48 = arith.muli %scan3A_46, %mul3A_47 : i32
      %add3A_49 = arith.constant 0 : i32
      %add3A_50 = arith.addi %add3A_49, %mul3A_48 : i32
      %mul3A_51 = arith.constant 640 : i32
      %mul3A_52 = arith.muli %arg1, %mul3A_51 : i32
      %mul3A_53 = arith.constant 64 : i32
      %mul3A_54 = arith.muli %add3A_50, %mul3A_53 : i32
      %add3A_55 = arith.addi %mul3A_52, %mul3A_54 : i32
      %run_scoped3A = arith.constant 0 : i32
      "tpu.region"() ({
        %run_scoped3A_56 = tpu.sem_alloc : memref<!tpu.dma_semaphore, #tpu.memory_space<semaphore_mem>>
        %dma_start3A_57 = arith.constant 0 : i32
        %dma_start3A_58 = tpu.memref_slice %arg7[%arg0, %run_scoped3A, %add3A_55, %dma_start3A_57] : memref<2x2x10240x64xf32, #tpu.memory_space<hbm>> -> memref<1x1x64x64xf32, #tpu.memory_space<hbm>>
        %dma_start3A_59 = tpu.memref_squeeze %dma_start3A_58 : memref<1x1x64x64xf32, #tpu.memory_space<hbm>> -> memref<64x64xf32, #tpu.memory_space<hbm>>
        %dma_start3A_60 = arith.constant 0 : i32
        %dma_start3A_61 = tpu.memref_slice %arg14[%add3A_55, %dma_start3A_60] : memref<10240x64xf32, #tpu.memory_space<vmem_shared>> -> memref<64x64xf32, #tpu.memory_space<vmem_shared>>
        tpu.enqueue_dma source(%dma_start3A_61 : memref<64x64xf32, #tpu.memory_space<vmem_shared>>) target(%dma_start3A_59 : memref<64x64xf32, #tpu.memory_space<hbm>>) target_semaphore(%run_scoped3A_56 : memref<!tpu.dma_semaphore, #tpu.memory_space<semaphore_mem>>)
        %dma_wait3A = arith.constant 0 : i32
        %dma_wait3A_62 = tpu.memref_slice %arg7[%arg0, %run_scoped3A, %add3A_55, %dma_wait3A] : memref<2x2x10240x64xf32, #tpu.memory_space<hbm>> -> memref<1x1x64x64xf32, #tpu.memory_space<hbm>>
        %dma_wait3A_63 = tpu.memref_squeeze %dma_wait3A_62 : memref<1x1x64x64xf32, #tpu.memory_space<hbm>> -> memref<64x64xf32, #tpu.memory_space<hbm>>
        %dma_wait3A_64 = arith.constant 0 : i32
        %dma_wait3A_65 = tpu.memref_slice %arg14[%add3A_55, %dma_wait3A_64] : memref<10240x64xf32, #tpu.memory_space<vmem_shared>> -> memref<64x64xf32, #tpu.memory_space<vmem_shared>>
        tpu.wait_dma2 semaphore(%run_scoped3A_56 : memref<!tpu.dma_semaphore, #tpu.memory_space<semaphore_mem>>) src(%dma_wait3A_65 : memref<64x64xf32, #tpu.memory_space<vmem_shared>>) dst(%dma_wait3A_63 : memref<64x64xf32, #tpu.memory_space<hbm>>)
        tpu.yield
      }) : () -> ()
    }
    %scan3A_21 = arith.constant 10 : i32
    %scan3A_22 = arith.constant 0 : i32
    %scan3A_23 = arith.constant 10 : i32
    %scan3A_24 = arith.addi %scan3A_22, %scan3A_23 : i32
    %scan3A_25 = arith.constant 1 : i32
    scf.for %scan3A_46 = %scan3A_22 to %scan3A_24 step %scan3A_25  : i32 {
      %mul3A_47 = arith.constant 1 : i32
      %mul3A_48 = arith.muli %scan3A_46, %mul3A_47 : i32
      %add3A_49 = arith.constant 0 : i32
      %add3A_50 = arith.addi %add3A_49, %mul3A_48 : i32
      %mul3A_51 = arith.constant 640 : i32
      %mul3A_52 = arith.muli %arg1, %mul3A_51 : i32
      %mul3A_53 = arith.constant 64 : i32
      %mul3A_54 = arith.muli %add3A_50, %mul3A_53 : i32
      %add3A_55 = arith.addi %mul3A_52, %mul3A_54 : i32
      "tpu.region"() ({
        %run_scoped3A = tpu.sem_alloc : memref<!tpu.dma_semaphore, #tpu.memory_space<semaphore_mem>>
        %dma_start3A_56 = arith.constant 0 : i32
        %dma_start3A_57 = tpu.memref_slice %arg14[%add3A_55, %dma_start3A_56] : memref<10240x64xf32, #tpu.memory_space<vmem_shared>> -> memref<64x64xf32, #tpu.memory_space<vmem_shared>>
        %dma_start3A_58 = arith.constant 0 : i32
        %dma_start3A_59 = tpu.memref_slice %arg14[%add3A_55, %dma_start3A_58] : memref<10240x64xf32, #tpu.memory_space<vmem_shared>> -> memref<64x64xf32, #tpu.memory_space<vmem_shared>>
        tpu.enqueue_dma source(%arg13 : memref<64x64xf32, #tpu.memory_space<vmem>>) target(%dma_start3A_59 : memref<64x64xf32, #tpu.memory_space<vmem_shared>>) target_semaphore(%run_scoped3A : memref<!tpu.dma_semaphore, #tpu.memory_space<semaphore_mem>>)
        %dma_wait3A = arith.constant 0 : i32
        %dma_wait3A_60 = tpu.memref_slice %arg14[%add3A_55, %dma_wait3A] : memref<10240x64xf32, #tpu.memory_space<vmem_shared>> -> memref<64x64xf32, #tpu.memory_space<vmem_shared>>
        %dma_wait3A_61 = arith.constant 0 : i32
        %dma_wait3A_62 = tpu.memref_slice %arg14[%add3A_55, %dma_wait3A_61] : memref<10240x64xf32, #tpu.memory_space<vmem_shared>> -> memref<64x64xf32, #tpu.memory_space<vmem_shared>>
        tpu.wait_dma2 semaphore(%run_scoped3A : memref<!tpu.dma_semaphore, #tpu.memory_space<semaphore_mem>>) src(%arg13 : memref<64x64xf32, #tpu.memory_space<vmem>>) dst(%dma_wait3A_62 : memref<64x64xf32, #tpu.memory_space<vmem_shared>>)
        tpu.yield
      }) : () -> ()
    }
    %scan3A_26 = arith.constant 10 : i32
    %barrier3A_27 = arith.constant 0 : index
    tpu.barrier barrier_id(%barrier3A_27)
    %dma_start3A_28 = arith.constant 0 : i32
    %dma_start3A_29 = arith.constant 0 : i32
    %dma_start3A_30 = tpu.memref_slice %arg9[%dma_start3A_28, %dma_start3A_29] : memref<80x128xi32, #tpu.memory_space<vmem>> -> memref<1x128xi32, #tpu.memory_space<vmem>>
    %dma_start3A_31 = tpu.memref_squeeze %dma_start3A_30 : memref<1x128xi32, #tpu.memory_space<vmem>> -> memref<128xi32, #tpu.memory_space<vmem>>
    %dma_start3A_32 = arith.constant 0 : i32
    %dma_start3A_33 = arith.constant 0 : i32
    %dma_start3A_34 = tpu.memref_slice %arg2[%dma_start3A_32, %dma_start3A_33] : memref<20000x64xf32, #tpu.memory_space<hbm>> -> memref<20000x64xf32, #tpu.memory_space<hbm>>
    tpu.enqueue_indirect_dma source(%dma_start3A_34 : memref<20000x64xf32, #tpu.memory_space<hbm>>) target(%arg11 : memref<128x64xf32, #tpu.memory_space<vmem>>) offsets(%dma_start3A_31 : memref<128xi32, #tpu.memory_space<vmem>>) semaphore(%arg15 : memref<!tpu.dma_semaphore, #tpu.memory_space<semaphore_mem>>)
    %scan3A_35 = arith.constant 0 : i32
    %scan3A_36 = arith.constant 40 : i32
    %scan3A_37 = arith.addi %scan3A_35, %scan3A_36 : i32
    %scan3A_38 = arith.constant 1 : i32
    scf.for %scan3A_46 = %scan3A_35 to %scan3A_37 step %scan3A_38  : i32 {
      %mul3A_47 = arith.constant 1 : i32
      %mul3A_48 = arith.muli %scan3A_46, %mul3A_47 : i32
      %add3A_49 = arith.constant 0 : i32
      %add3A_50 = arith.addi %add3A_49, %mul3A_48 : i32
      %mul3A_51 = arith.constant 2 : i32
      %mul3A_52 = arith.muli %mul3A_51, %add3A_50 : i32
      %add3A_53 = arith.constant 1 : i32
      %add3A_54 = arith.addi %mul3A_52, %add3A_53 : i32
      %dma_start3A_55 = arith.constant 0 : i32
      %dma_start3A_56 = tpu.memref_slice %arg9[%add3A_54, %dma_start3A_55] : memref<80x128xi32, #tpu.memory_space<vmem>> -> memref<1x128xi32, #tpu.memory_space<vmem>>
      %dma_start3A_57 = tpu.memref_squeeze %dma_start3A_56 : memref<1x128xi32, #tpu.memory_space<vmem>> -> memref<128xi32, #tpu.memory_space<vmem>>
      %dma_start3A_58 = arith.constant 0 : i32
      %dma_start3A_59 = arith.constant 0 : i32
      %dma_start3A_60 = tpu.memref_slice %arg2[%dma_start3A_58, %dma_start3A_59] : memref<20000x64xf32, #tpu.memory_space<hbm>> -> memref<20000x64xf32, #tpu.memory_space<hbm>>
      tpu.enqueue_indirect_dma source(%dma_start3A_60 : memref<20000x64xf32, #tpu.memory_space<hbm>>) target(%arg12 : memref<128x64xf32, #tpu.memory_space<vmem>>) offsets(%dma_start3A_57 : memref<128xi32, #tpu.memory_space<vmem>>) semaphore(%arg16 : memref<!tpu.dma_semaphore, #tpu.memory_space<semaphore_mem>>)
      %dma_wait3A = arith.constant 0 : i32
      %dma_wait3A_61 = tpu.memref_slice %arg9[%mul3A_52, %dma_wait3A] : memref<80x128xi32, #tpu.memory_space<vmem>> -> memref<1x128xi32, #tpu.memory_space<vmem>>
      %dma_wait3A_62 = tpu.memref_squeeze %dma_wait3A_61 : memref<1x128xi32, #tpu.memory_space<vmem>> -> memref<128xi32, #tpu.memory_space<vmem>>
      %dma_wait3A_63 = arith.constant 0 : i32
      %dma_wait3A_64 = arith.constant 0 : i32
      %dma_wait3A_65 = tpu.memref_slice %arg2[%dma_wait3A_63, %dma_wait3A_64] : memref<20000x64xf32, #tpu.memory_space<hbm>> -> memref<20000x64xf32, #tpu.memory_space<hbm>>
      tpu.wait_indirect_dma semaphore(%arg15 : memref<!tpu.dma_semaphore, #tpu.memory_space<semaphore_mem>>) src(%dma_wait3A_65 : memref<20000x64xf32, #tpu.memory_space<hbm>>) dst(%arg11 : memref<128x64xf32, #tpu.memory_space<vmem>>)
      "tpu.region"() ({
        %run_scoped3A = tpu.sem_alloc : memref<!tpu.dma_semaphore, #tpu.memory_space<semaphore_mem>>
        %dma_start3A_74 = arith.constant 0 : i32
        %dma_start3A_75 = tpu.memref_slice %arg10[%mul3A_52, %dma_start3A_74] : memref<80x128xi32, #tpu.memory_space<vmem>> -> memref<1x128xi32, #tpu.memory_space<vmem>>
        %dma_start3A_76 = tpu.memref_squeeze %dma_start3A_75 : memref<1x128xi32, #tpu.memory_space<vmem>> -> memref<128xi32, #tpu.memory_space<vmem>>
        %dma_start3A_77 = arith.constant 0 : i32
        %dma_start3A_78 = arith.constant 0 : i32
        %dma_start3A_79 = tpu.memref_slice %arg14[%dma_start3A_77, %dma_start3A_78] : memref<10240x64xf32, #tpu.memory_space<vmem_shared>> -> memref<10240x64xf32, #tpu.memory_space<vmem_shared>>
        tpu.enqueue_indirect_dma source(%arg11 : memref<128x64xf32, #tpu.memory_space<vmem>>) target(%dma_start3A_79 : memref<10240x64xf32, #tpu.memory_space<vmem_shared>>) offsets(%dma_start3A_76 : memref<128xi32, #tpu.memory_space<vmem>>) semaphore(%run_scoped3A : memref<!tpu.dma_semaphore, #tpu.memory_space<semaphore_mem>>) {add = true}
        %dma_wait3A_80 = arith.constant 0 : i32
        %dma_wait3A_81 = tpu.memref_slice %arg10[%mul3A_52, %dma_wait3A_80] : memref<80x128xi32, #tpu.memory_space<vmem>> -> memref<1x128xi32, #tpu.memory_space<vmem>>
        %dma_wait3A_82 = tpu.memref_squeeze %dma_wait3A_81 : memref<1x128xi32, #tpu.memory_space<vmem>> -> memref<128xi32, #tpu.memory_space<vmem>>
        %dma_wait3A_83 = arith.constant 0 : i32
        %dma_wait3A_84 = arith.constant 0 : i32
        %dma_wait3A_85 = tpu.memref_slice %arg14[%dma_wait3A_83, %dma_wait3A_84] : memref<10240x64xf32, #tpu.memory_space<vmem_shared>> -> memref<10240x64xf32, #tpu.memory_space<vmem_shared>>
        tpu.wait_indirect_dma semaphore(%run_scoped3A : memref<!tpu.dma_semaphore, #tpu.memory_space<semaphore_mem>>) src(%arg11 : memref<128x64xf32, #tpu.memory_space<vmem>>) dst(%dma_wait3A_85 : memref<10240x64xf32, #tpu.memory_space<vmem_shared>>)
        tpu.yield
      }) : () -> ()
      %lt3A = arith.constant 39 : i32
      %lt3A_66 = arith.cmpi slt, %add3A_50, %lt3A : i32
      %convert_element_type3A = arith.extui %lt3A_66 : i1 to i32
      %cond3A = arith.constant 0 : i32
      %cond3A_67 = arith.cmpi ne, %convert_element_type3A, %cond3A : i32
      scf.if %cond3A_67 {
        %add3A_74 = arith.constant 2 : i32
        %add3A_75 = arith.addi %mul3A_52, %add3A_74 : i32
        %dma_start3A_76 = arith.constant 0 : i32
        %dma_start3A_77 = tpu.memref_slice %arg9[%add3A_75, %dma_start3A_76] : memref<80x128xi32, #tpu.memory_space<vmem>> -> memref<1x128xi32, #tpu.memory_space<vmem>>
        %dma_start3A_78 = tpu.memref_squeeze %dma_start3A_77 : memref<1x128xi32, #tpu.memory_space<vmem>> -> memref<128xi32, #tpu.memory_space<vmem>>
        %dma_start3A_79 = arith.constant 0 : i32
        %dma_start3A_80 = arith.constant 0 : i32
        %dma_start3A_81 = tpu.memref_slice %arg2[%dma_start3A_79, %dma_start3A_80] : memref<20000x64xf32, #tpu.memory_space<hbm>> -> memref<20000x64xf32, #tpu.memory_space<hbm>>
        tpu.enqueue_indirect_dma source(%dma_start3A_81 : memref<20000x64xf32, #tpu.memory_space<hbm>>) target(%arg11 : memref<128x64xf32, #tpu.memory_space<vmem>>) offsets(%dma_start3A_78 : memref<128xi32, #tpu.memory_space<vmem>>) semaphore(%arg15 : memref<!tpu.dma_semaphore, #tpu.memory_space<semaphore_mem>>)
      } else {
      }
      %dma_wait3A_68 = arith.constant 0 : i32
      %dma_wait3A_69 = tpu.memref_slice %arg9[%add3A_54, %dma_wait3A_68] : memref<80x128xi32, #tpu.memory_space<vmem>> -> memref<1x128xi32, #tpu.memory_space<vmem>>
      %dma_wait3A_70 = tpu.memref_squeeze %dma_wait3A_69 : memref<1x128xi32, #tpu.memory_space<vmem>> -> memref<128xi32, #tpu.memory_space<vmem>>
      %dma_wait3A_71 = arith.constant 0 : i32
      %dma_wait3A_72 = arith.constant 0 : i32
      %dma_wait3A_73 = tpu.memref_slice %arg2[%dma_wait3A_71, %dma_wait3A_72] : memref<20000x64xf32, #tpu.memory_space<hbm>> -> memref<20000x64xf32, #tpu.memory_space<hbm>>
      tpu.wait_indirect_dma semaphore(%arg16 : memref<!tpu.dma_semaphore, #tpu.memory_space<semaphore_mem>>) src(%dma_wait3A_73 : memref<20000x64xf32, #tpu.memory_space<hbm>>) dst(%arg12 : memref<128x64xf32, #tpu.memory_space<vmem>>)
      "tpu.region"() ({
        %run_scoped3A = tpu.sem_alloc : memref<!tpu.dma_semaphore, #tpu.memory_space<semaphore_mem>>
        %dma_start3A_74 = arith.constant 0 : i32
        %dma_start3A_75 = tpu.memref_slice %arg10[%add3A_54, %dma_start3A_74] : memref<80x128xi32, #tpu.memory_space<vmem>> -> memref<1x128xi32, #tpu.memory_space<vmem>>
        %dma_start3A_76 = tpu.memref_squeeze %dma_start3A_75 : memref<1x128xi32, #tpu.memory_space<vmem>> -> memref<128xi32, #tpu.memory_space<vmem>>
        %dma_start3A_77 = arith.constant 0 : i32
        %dma_start3A_78 = arith.constant 0 : i32
        %dma_start3A_79 = tpu.memref_slice %arg14[%dma_start3A_77, %dma_start3A_78] : memref<10240x64xf32, #tpu.memory_space<vmem_shared>> -> memref<10240x64xf32, #tpu.memory_space<vmem_shared>>
        tpu.enqueue_indirect_dma source(%arg12 : memref<128x64xf32, #tpu.memory_space<vmem>>) target(%dma_start3A_79 : memref<10240x64xf32, #tpu.memory_space<vmem_shared>>) offsets(%dma_start3A_76 : memref<128xi32, #tpu.memory_space<vmem>>) semaphore(%run_scoped3A : memref<!tpu.dma_semaphore, #tpu.memory_space<semaphore_mem>>) {add = true}
        %dma_wait3A_80 = arith.constant 0 : i32
        %dma_wait3A_81 = tpu.memref_slice %arg10[%add3A_54, %dma_wait3A_80] : memref<80x128xi32, #tpu.memory_space<vmem>> -> memref<1x128xi32, #tpu.memory_space<vmem>>
        %dma_wait3A_82 = tpu.memref_squeeze %dma_wait3A_81 : memref<1x128xi32, #tpu.memory_space<vmem>> -> memref<128xi32, #tpu.memory_space<vmem>>
        %dma_wait3A_83 = arith.constant 0 : i32
        %dma_wait3A_84 = arith.constant 0 : i32
        %dma_wait3A_85 = tpu.memref_slice %arg14[%dma_wait3A_83, %dma_wait3A_84] : memref<10240x64xf32, #tpu.memory_space<vmem_shared>> -> memref<10240x64xf32, #tpu.memory_space<vmem_shared>>
        tpu.wait_indirect_dma semaphore(%run_scoped3A : memref<!tpu.dma_semaphore, #tpu.memory_space<semaphore_mem>>) src(%arg12 : memref<128x64xf32, #tpu.memory_space<vmem>>) dst(%dma_wait3A_85 : memref<10240x64xf32, #tpu.memory_space<vmem_shared>>)
        tpu.yield
      }) : () -> ()
    }
    %scan3A_39 = arith.constant 40 : i32
    %barrier3A_40 = arith.constant 0 : index
    tpu.barrier barrier_id(%barrier3A_40)
    %scan3A_41 = arith.constant 0 : i32
    %scan3A_42 = arith.constant 10 : i32
    %scan3A_43 = arith.addi %scan3A_41, %scan3A_42 : i32
    %scan3A_44 = arith.constant 1 : i32
    scf.for %scan3A_46 = %scan3A_41 to %scan3A_43 step %scan3A_44  : i32 {
      %mul3A_47 = arith.constant 1 : i32
      %mul3A_48 = arith.muli %scan3A_46, %mul3A_47 : i32
      %add3A_49 = arith.constant 0 : i32
      %add3A_50 = arith.addi %add3A_49, %mul3A_48 : i32
      %mul3A_51 = arith.constant 640 : i32
      %mul3A_52 = arith.muli %arg1, %mul3A_51 : i32
      %mul3A_53 = arith.constant 64 : i32
      %mul3A_54 = arith.muli %add3A_50, %mul3A_53 : i32
      %add3A_55 = arith.addi %mul3A_52, %mul3A_54 : i32
      %run_scoped3A = arith.constant 1 : i32
      "tpu.region"() ({
        %run_scoped3A_56 = tpu.sem_alloc : memref<!tpu.dma_semaphore, #tpu.memory_space<semaphore_mem>>
        %dma_start3A_57 = arith.constant 0 : i32
        %dma_start3A_58 = tpu.memref_slice %arg7[%arg0, %run_scoped3A, %add3A_55, %dma_start3A_57] : memref<2x2x10240x64xf32, #tpu.memory_space<hbm>> -> memref<1x1x64x64xf32, #tpu.memory_space<hbm>>
        %dma_start3A_59 = tpu.memref_squeeze %dma_start3A_58 : memref<1x1x64x64xf32, #tpu.memory_space<hbm>> -> memref<64x64xf32, #tpu.memory_space<hbm>>
        %dma_start3A_60 = arith.constant 0 : i32
        %dma_start3A_61 = tpu.memref_slice %arg14[%add3A_55, %dma_start3A_60] : memref<10240x64xf32, #tpu.memory_space<vmem_shared>> -> memref<64x64xf32, #tpu.memory_space<vmem_shared>>
        tpu.enqueue_dma source(%dma_start3A_61 : memref<64x64xf32, #tpu.memory_space<vmem_shared>>) target(%dma_start3A_59 : memref<64x64xf32, #tpu.memory_space<hbm>>) target_semaphore(%run_scoped3A_56 : memref<!tpu.dma_semaphore, #tpu.memory_space<semaphore_mem>>)
        %dma_wait3A = arith.constant 0 : i32
        %dma_wait3A_62 = tpu.memref_slice %arg7[%arg0, %run_scoped3A, %add3A_55, %dma_wait3A] : memref<2x2x10240x64xf32, #tpu.memory_space<hbm>> -> memref<1x1x64x64xf32, #tpu.memory_space<hbm>>
        %dma_wait3A_63 = tpu.memref_squeeze %dma_wait3A_62 : memref<1x1x64x64xf32, #tpu.memory_space<hbm>> -> memref<64x64xf32, #tpu.memory_space<hbm>>
        %dma_wait3A_64 = arith.constant 0 : i32
        %dma_wait3A_65 = tpu.memref_slice %arg14[%add3A_55, %dma_wait3A_64] : memref<10240x64xf32, #tpu.memory_space<vmem_shared>> -> memref<64x64xf32, #tpu.memory_space<vmem_shared>>
        tpu.wait_dma2 semaphore(%run_scoped3A_56 : memref<!tpu.dma_semaphore, #tpu.memory_space<semaphore_mem>>) src(%dma_wait3A_65 : memref<64x64xf32, #tpu.memory_space<vmem_shared>>) dst(%dma_wait3A_63 : memref<64x64xf32, #tpu.memory_space<hbm>>)
        tpu.yield
      }) : () -> ()
    }
    %scan3A_45 = arith.constant 10 : i32
    return
  }
}

module attributes {stable_mosaic.version = 14 : i64} {
  func.func @body(%arg0: memref<32x10240xf32, #tpu.memory_space<vmem>>, %arg1: memref<32x10240xf32, #tpu.memory_space<vmem>>, %arg2: memref<10000x128xf32, #tpu.memory_space<vmem>>, %arg3: memref<128x128xf32, #tpu.memory_space<vmem>>, %arg4: memref<10000x128xf32, #tpu.memory_space<vmem>>, %arg5: memref<2x10240xf32, #tpu.memory_space<vmem>>) attributes {dimension_semantics = [], scalar_prefetch = 0 : i64, scratch_operands = 0 : i64, tpu.core_type = #tpu.core_type<tc>} {
    %get3A = arith.constant 0 : index
    %get3A_0 = arith.constant 0 : index
    %get3A_1 = vector.load %arg0[%get3A, %get3A_0] : memref<32x10240xf32, #tpu.memory_space<vmem>>, vector<32x10240xf32>
    %reduce_sum3A = arith.constant dense<0.000000e+00> : vector<10240xf32>
    %reduce_sum3A_2 = vector.multi_reduction <add>, %get3A_1, %reduce_sum3A [0] : vector<32x10240xf32> to vector<10240xf32>
    %get3A_3 = arith.constant 0 : index
    %get3A_4 = arith.constant 0 : index
    %get3A_5 = vector.load %arg1[%get3A_3, %get3A_4] : memref<32x10240xf32, #tpu.memory_space<vmem>>, vector<32x10240xf32>
    %reduce_sum3A_6 = arith.constant dense<0.000000e+00> : vector<10240xf32>
    %reduce_sum3A_7 = vector.multi_reduction <add>, %get3A_5, %reduce_sum3A_6 [0] : vector<32x10240xf32> to vector<10240xf32>
    %gt3A = arith.constant 0.000000e+00 : f32
    %gt3A_8 = vector.broadcast %gt3A : f32 to vector<10240xf32>
    %gt3A_9 = arith.cmpf ogt, %reduce_sum3A_2, %gt3A_8 : vector<10240xf32>
    %max3A = arith.constant 9.99999996E-13 : f32
    %max3A_10 = vector.broadcast %max3A : f32 to vector<10240xf32>
    %max3A_11 = arith.maximumf %reduce_sum3A_2, %max3A_10 : vector<10240xf32>
    %rsqrt3A = math.rsqrt %max3A_11 : vector<10240xf32>
    %jit3A = arith.constant 0.000000e+00 : f32
    %broadcast_in_dim3A = vector.broadcast %jit3A : f32 to vector<10240xf32>
    %select_n3A = arith.select %gt3A_9, %rsqrt3A, %broadcast_in_dim3A : vector<10240xi1>, vector<10240xf32>
    %gt3A_12 = arith.constant 0.000000e+00 : f32
    %gt3A_13 = vector.broadcast %gt3A_12 : f32 to vector<10240xf32>
    %gt3A_14 = arith.cmpf ogt, %reduce_sum3A_7, %gt3A_13 : vector<10240xf32>
    %max3A_15 = arith.constant 9.99999996E-13 : f32
    %max3A_16 = vector.broadcast %max3A_15 : f32 to vector<10240xf32>
    %max3A_17 = arith.maximumf %reduce_sum3A_7, %max3A_16 : vector<10240xf32>
    %rsqrt3A_18 = math.rsqrt %max3A_17 : vector<10240xf32>
    %jit3A_19 = arith.constant 0.000000e+00 : f32
    %broadcast_in_dim3A_20 = vector.broadcast %jit3A_19 : f32 to vector<10240xf32>
    %select_n3A_21 = arith.select %gt3A_14, %rsqrt3A_18, %broadcast_in_dim3A_20 : vector<10240xi1>, vector<10240xf32>
    %swap3A = arith.constant 0 : index
    %swap3A_22 = arith.constant 0 : index
    %swap3A_23 = vector.load %arg5[%swap3A, %swap3A_22] : memref<2x10240xf32, #tpu.memory_space<vmem>>, vector<1x10240xf32>
    %swap3A_24 = vector.shape_cast %swap3A_23 : vector<1x10240xf32> to vector<10240xf32>
    %swap3A_25 = vector.shape_cast %select_n3A : vector<10240xf32> to vector<1x10240xf32>
    tpu.vector_store %arg5[%swap3A, %swap3A_22], %swap3A_25 {strides = array<i32>} : memref<2x10240xf32, #tpu.memory_space<vmem>>, vector<1x10240xf32>,
    %swap3A_26 = arith.constant 1 : index
    %swap3A_27 = arith.constant 0 : index
    %swap3A_28 = vector.load %arg5[%swap3A_26, %swap3A_27] : memref<2x10240xf32, #tpu.memory_space<vmem>>, vector<1x10240xf32>
    %swap3A_29 = vector.shape_cast %swap3A_28 : vector<1x10240xf32> to vector<10240xf32>
    %swap3A_30 = vector.shape_cast %select_n3A_21 : vector<10240xf32> to vector<1x10240xf32>
    tpu.vector_store %arg5[%swap3A_26, %swap3A_27], %swap3A_30 {strides = array<i32>} : memref<2x10240xf32, #tpu.memory_space<vmem>>, vector<1x10240xf32>,
    %get3A_31 = arith.constant 0 : index
    %get3A_32 = arith.constant 0 : index
    %get3A_33 = vector.load %arg2[%get3A_31, %get3A_32] : memref<10000x128xf32, #tpu.memory_space<vmem>>, vector<10000x128xf32>
    %slice3A = vector.extract_strided_slice %select_n3A {offsets = [0], sizes = [10000], strides = [1]} : vector<10240xf32> to vector<10000xf32>
    %broadcast_in_dim3A_34 = vector.shape_cast %slice3A : vector<10000xf32> to vector<10000x1xf32>
    %mul3A = vector.broadcast %broadcast_in_dim3A_34 : vector<10000x1xf32> to vector<10000x128xf32>
    %mul3A_35 = arith.mulf %get3A_33, %mul3A : vector<10000x128xf32>
    %get3A_36 = arith.constant 0 : index
    %get3A_37 = arith.constant 0 : index
    %get3A_38 = vector.load %arg3[%get3A_36, %get3A_37] : memref<128x128xf32, #tpu.memory_space<vmem>>, vector<128x128xf32>
    %dot_general3A = arith.constant dense<0.000000e+00> : vector<10000x128xf32>
    %dot_general3A_39 = tpu.matmul %mul3A_35, %get3A_38, %dot_general3A {dimension_numbers = #tpu.dot_dimension_numbers<[1], [0], [0], [1], [0, 0, 1, 1], [], []>, transpose_lhs_hint = false} : vector<10000x128xf32>, vector<128x128xf32>, vector<10000x128xf32> -> vector<10000x128xf32>
    %swap3A_40 = arith.constant 0 : index
    %swap3A_41 = arith.constant 0 : index
    %swap3A_42 = vector.load %arg4[%swap3A_40, %swap3A_41] : memref<10000x128xf32, #tpu.memory_space<vmem>>, vector<10000x128xf32>
    tpu.vector_store %arg4[%swap3A_40, %swap3A_41], %dot_general3A_39 {strides = array<i32>} : memref<10000x128xf32, #tpu.memory_space<vmem>>, vector<10000x128xf32>,
    return
  }
}

module attributes {stable_mosaic.version = 14 : i64} {
  func.func @body(%arg0: memref<2x2x10240x64xf32, #tpu.memory_space<vmem>>, %arg1: memref<2x10240xf32, #tpu.memory_space<vmem>>, %arg2: memref<1x128xf32, #tpu.memory_space<vmem>>, %arg3: memref<128x128xf32, #tpu.memory_space<vmem>>, %arg4: memref<10000x128xf32, #tpu.memory_space<vmem>>, %arg5: memref<10000x128xf32, #tpu.memory_space<vmem>>) attributes {dimension_semantics = [], scalar_prefetch = 0 : i64, scratch_operands = 0 : i64, tpu.core_type = #tpu.core_type<tc>} {
    %get3A = arith.constant 0 : index
    %get3A_0 = arith.constant 0 : index
    %get3A_1 = arith.constant 0 : index
    %get3A_2 = arith.constant 0 : index
    %get3A_3 = vector.load %arg0[%get3A, %get3A_0, %get3A_1, %get3A_2] : memref<2x2x10240x64xf32, #tpu.memory_space<vmem>>, vector<1x2x10240x64xf32>
    %get3A_4 = vector.shape_cast %get3A_3 : vector<1x2x10240x64xf32> to vector<2x10240x64xf32>
    %get3A_5 = arith.constant 1 : index
    %get3A_6 = arith.constant 0 : index
    %get3A_7 = arith.constant 0 : index
    %get3A_8 = arith.constant 0 : index
    %get3A_9 = vector.load %arg0[%get3A_5, %get3A_6, %get3A_7, %get3A_8] : memref<2x2x10240x64xf32, #tpu.memory_space<vmem>>, vector<1x2x10240x64xf32>
    %get3A_10 = vector.shape_cast %get3A_9 : vector<1x2x10240x64xf32> to vector<2x10240x64xf32>
    %add3A = arith.addf %get3A_4, %get3A_10 : vector<2x10240x64xf32>
    %slice3A = vector.extract_strided_slice %add3A {offsets = [0, 0, 0], sizes = [1, 10000, 64], strides = [1, 1, 1]} : vector<2x10240x64xf32> to vector<1x10000x64xf32>
    %squeeze3A = vector.shape_cast %slice3A : vector<1x10000x64xf32> to vector<10000x64xf32>
    %slice3A_11 = vector.extract_strided_slice %add3A {offsets = [1, 0, 0], sizes = [1, 10000, 64], strides = [1, 1, 1]} : vector<2x10240x64xf32> to vector<1x10000x64xf32>
    %squeeze3A_12 = vector.shape_cast %slice3A_11 : vector<1x10000x64xf32> to vector<10000x64xf32>
    %concatenate3A = tpu.concatenate %squeeze3A, %squeeze3A_12 in 1 : vector<10000x64xf32>, vector<10000x64xf32> -> vector<10000x128xf32>
    %get3A_13 = arith.constant 1 : index
    %get3A_14 = arith.constant 0 : index
    %get3A_15 = vector.load %arg1[%get3A_13, %get3A_14] : memref<2x10240xf32, #tpu.memory_space<vmem>>, vector<1x10000xf32>
    %get3A_16 = vector.shape_cast %get3A_15 : vector<1x10000xf32> to vector<10000xf32>
    %broadcast_in_dim3A = vector.shape_cast %get3A_16 : vector<10000xf32> to vector<10000x1xf32>
    %mul3A = vector.broadcast %broadcast_in_dim3A : vector<10000x1xf32> to vector<10000x128xf32>
    %mul3A_17 = arith.mulf %concatenate3A, %mul3A : vector<10000x128xf32>
    %get3A_18 = arith.constant 0 : index
    %get3A_19 = arith.constant 0 : index
    %get3A_20 = vector.load %arg2[%get3A_18, %get3A_19] : memref<1x128xf32, #tpu.memory_space<vmem>>, vector<1x128xf32>
    %add3A_21 = vector.broadcast %get3A_20 : vector<1x128xf32> to vector<10000x128xf32>
    %add3A_22 = arith.addf %mul3A_17, %add3A_21 : vector<10000x128xf32>
    %max3A = arith.constant 0.000000e+00 : f32
    %max3A_23 = vector.broadcast %max3A : f32 to vector<10000x128xf32>
    %max3A_24 = arith.maximumf %add3A_22, %max3A_23 : vector<10000x128xf32>
    %swap3A = arith.constant 0 : index
    %swap3A_25 = arith.constant 0 : index
    %swap3A_26 = vector.load %arg4[%swap3A, %swap3A_25] : memref<10000x128xf32, #tpu.memory_space<vmem>>, vector<10000x128xf32>
    tpu.vector_store %arg4[%swap3A, %swap3A_25], %max3A_24 {strides = array<i32>} : memref<10000x128xf32, #tpu.memory_space<vmem>>, vector<10000x128xf32>,
    %get3A_27 = arith.constant 0 : index
    %get3A_28 = arith.constant 0 : index
    %get3A_29 = vector.load %arg1[%get3A_27, %get3A_28] : memref<2x10240xf32, #tpu.memory_space<vmem>>, vector<1x10000xf32>
    %get3A_30 = vector.shape_cast %get3A_29 : vector<1x10000xf32> to vector<10000xf32>
    %broadcast_in_dim3A_31 = vector.shape_cast %get3A_30 : vector<10000xf32> to vector<10000x1xf32>
    %mul3A_32 = vector.broadcast %broadcast_in_dim3A_31 : vector<10000x1xf32> to vector<10000x128xf32>
    %mul3A_33 = arith.mulf %max3A_24, %mul3A_32 : vector<10000x128xf32>
    %get3A_34 = arith.constant 0 : index
    %get3A_35 = arith.constant 0 : index
    %get3A_36 = vector.load %arg3[%get3A_34, %get3A_35] : memref<128x128xf32, #tpu.memory_space<vmem>>, vector<128x128xf32>
    %dot_general3A = arith.constant dense<0.000000e+00> : vector<10000x128xf32>
    %dot_general3A_37 = tpu.matmul %mul3A_33, %get3A_36, %dot_general3A {dimension_numbers = #tpu.dot_dimension_numbers<[1], [0], [0], [1], [0, 0, 1, 1], [], []>, transpose_lhs_hint = false} : vector<10000x128xf32>, vector<128x128xf32>, vector<10000x128xf32> -> vector<10000x128xf32>
    %swap3A_38 = arith.constant 0 : index
    %swap3A_39 = arith.constant 0 : index
    %swap3A_40 = vector.load %arg5[%swap3A_38, %swap3A_39] : memref<10000x128xf32, #tpu.memory_space<vmem>>, vector<10000x128xf32>
    tpu.vector_store %arg5[%swap3A_38, %swap3A_39], %dot_general3A_37 {strides = array<i32>} : memref<10000x128xf32, #tpu.memory_space<vmem>>, vector<10000x128xf32>,
    return
  }
}

module attributes {stable_mosaic.version = 14 : i64} {
  func.func @body(%arg0: memref<2x2x10240x64xf32, #tpu.memory_space<vmem>>, %arg1: memref<2x10240xf32, #tpu.memory_space<vmem>>, %arg2: memref<1x128xf32, #tpu.memory_space<vmem>>, %arg3: memref<10000x128xf32, #tpu.memory_space<vmem>>) attributes {dimension_semantics = [], scalar_prefetch = 0 : i64, scratch_operands = 0 : i64, tpu.core_type = #tpu.core_type<tc>} {
    %get3A = arith.constant 0 : index
    %get3A_0 = arith.constant 0 : index
    %get3A_1 = arith.constant 0 : index
    %get3A_2 = arith.constant 0 : index
    %get3A_3 = vector.load %arg0[%get3A, %get3A_0, %get3A_1, %get3A_2] : memref<2x2x10240x64xf32, #tpu.memory_space<vmem>>, vector<1x2x10240x64xf32>
    %get3A_4 = vector.shape_cast %get3A_3 : vector<1x2x10240x64xf32> to vector<2x10240x64xf32>
    %get3A_5 = arith.constant 1 : index
    %get3A_6 = arith.constant 0 : index
    %get3A_7 = arith.constant 0 : index
    %get3A_8 = arith.constant 0 : index
    %get3A_9 = vector.load %arg0[%get3A_5, %get3A_6, %get3A_7, %get3A_8] : memref<2x2x10240x64xf32, #tpu.memory_space<vmem>>, vector<1x2x10240x64xf32>
    %get3A_10 = vector.shape_cast %get3A_9 : vector<1x2x10240x64xf32> to vector<2x10240x64xf32>
    %add3A = arith.addf %get3A_4, %get3A_10 : vector<2x10240x64xf32>
    %slice3A = vector.extract_strided_slice %add3A {offsets = [0, 0, 0], sizes = [1, 10000, 64], strides = [1, 1, 1]} : vector<2x10240x64xf32> to vector<1x10000x64xf32>
    %squeeze3A = vector.shape_cast %slice3A : vector<1x10000x64xf32> to vector<10000x64xf32>
    %slice3A_11 = vector.extract_strided_slice %add3A {offsets = [1, 0, 0], sizes = [1, 10000, 64], strides = [1, 1, 1]} : vector<2x10240x64xf32> to vector<1x10000x64xf32>
    %squeeze3A_12 = vector.shape_cast %slice3A_11 : vector<1x10000x64xf32> to vector<10000x64xf32>
    %concatenate3A = tpu.concatenate %squeeze3A, %squeeze3A_12 in 1 : vector<10000x64xf32>, vector<10000x64xf32> -> vector<10000x128xf32>
    %get3A_13 = arith.constant 1 : index
    %get3A_14 = arith.constant 0 : index
    %get3A_15 = vector.load %arg1[%get3A_13, %get3A_14] : memref<2x10240xf32, #tpu.memory_space<vmem>>, vector<1x10000xf32>
    %get3A_16 = vector.shape_cast %get3A_15 : vector<1x10000xf32> to vector<10000xf32>
    %broadcast_in_dim3A = vector.shape_cast %get3A_16 : vector<10000xf32> to vector<10000x1xf32>
    %mul3A = vector.broadcast %broadcast_in_dim3A : vector<10000x1xf32> to vector<10000x128xf32>
    %mul3A_17 = arith.mulf %concatenate3A, %mul3A : vector<10000x128xf32>
    %get3A_18 = arith.constant 0 : index
    %get3A_19 = arith.constant 0 : index
    %get3A_20 = vector.load %arg2[%get3A_18, %get3A_19] : memref<1x128xf32, #tpu.memory_space<vmem>>, vector<1x128xf32>
    %add3A_21 = vector.broadcast %get3A_20 : vector<1x128xf32> to vector<10000x128xf32>
    %add3A_22 = arith.addf %mul3A_17, %add3A_21 : vector<10000x128xf32>
    %swap3A = arith.constant 0 : index
    %swap3A_23 = arith.constant 0 : index
    %swap3A_24 = vector.load %arg3[%swap3A, %swap3A_23] : memref<10000x128xf32, #tpu.memory_space<vmem>>, vector<10000x128xf32>
    tpu.vector_store %arg3[%swap3A, %swap3A_23], %add3A_22 {strides = array<i32>} : memref<10000x128xf32, #tpu.memory_space<vmem>>, vector<10000x128xf32>,
    return
  }
}

</mosaic_0001>

<sc_bundles>
// kernel: kernel.11.cloned.1.call-start
scs
__scs_entry_jumppad:
0x0: {  	(pc) =	sbr.rel $0x88, $3  }
0x1: {  	(tag) =	ssettag $0x0;
	lr =	simm.s32 $0x1  }
0x2: {  	[smem:$0x3F9B] =	sst lr;
	_ =	strace $0xD0000000  }
0x3: {  	_ = 	snop  }
0x4: {  	_ = 	snop  }
0x5: {  	_ = 	snop  }
0x6: {  	_ = 	snop  }
0x7: {  	_ = 	snop  }
__scs_overlays_trampoline_lowered:
0x8: {  	[smem:$0x3FAA] =	sst s0  }
0x9: {  	[smem:$0x3FAB] =	sst s1  }
0xa: {  	[smem:$0x3FAC] =	sst s2  }
0xb: {  	[smem:$0x3FAD] =	sst s3  }
0xc: {  	[smem:$0x3FAE] =	sst s4  }
0xd: {  	[smem:$0x3FAF] =	sst s5  }
0xe: {  	[smem:$0x3FB0] =	sst s6  }
0xf: {  	[smem:$0x3FB1] =	sst s7  }
0x10: {  	[smem:$0x3FB2] =	sst s8  }
0x11: {  	[smem:$0x3FB3] =	sst s9;
	s0 =	simm.s32 @!p0 $0x0  }
0x12: {  	s1 =	sld [smem:$0x3F99];
	s0 =	simm.s32 @p0 $0x1  }
0x13: {  	[smem:$0x3FB4] =	sst s0;
	s0 =	simm.s32 @!p1 $0x0  }
0x14: {  	s2 =	sld [smem:$0x3F98];
	s0 =	simm.s32 @p1 $0x1  }
0x15: {  	[smem:$0x3FB5] =	sst s0;
	s0 =	simm.s32 @!p2 $0x0  }
0x16: {  	s3 =	sld [smem:$0x3FDB];
	s0 =	simm.s32 @p2 $0x1  }
0x17: {  	s4 =	simm.s32 $0x1BF5;
	[smem:$0x3FB7] =	sst s0  }
0x18: {  	s0 =	sld [smem:$0x3F9A];
	_ =	swait.ge [sflag:s4], $0x0  }
0x19: {  	s7 =	sld [smem:$0x3F9B]  }
0x1a: {  	s8 =	sadd.s32 $0xFFFFE003, lr  }
0x1b: {  	s9 =	sadd.s32 $0xFFFFFEF7, lr;
	s5 =	simm.s32 $0xFFFFFFFF;
	p2 =	slt.u32 s8, $0xFFFFF086  }
0x1c: {  	p1 =	slt.u32 s9, $0xF7A;
	s5 =	simm.s32 @!p2 $0x0  }
0x1d: {  	s5 =	simm.s32 @p1 $0x1;
	p0 =	seq.s32 s7, s2  }
0x1e: {  	s7 =	smul.u32 @!p0 $0xF7A, s2;
	p2 =	seq.s32 @!p0 s5, $0x0  }
0x1f: {  	s9 =	smul.u32 $0xF7A, s1;
	s8 =	simm.s32 @!p0 $0x1BF5;
	p2 =	por !p2, p0  }
0x20: {  	[sflag:s8] =	ssyncset.s32 @!p0 $0xFFFFF086;
	s6 =	sadd.s32 @!p0 s3, s7;
	s7 =	simm.s32 @!p0 $0x108  }
0x21: {  	s3 =	sadd.s32 s3, s9;
	s6 =	sadd.s32 @!p0 $0x88, s6;
	s7 =	simm.s32 @p2 $0x1082  }
0x22: {  	[simem:s7], [sflag:s8] =	dma.local @!p0 [hbm:s6], $0xF7A  }
0x23: {  	s9 =	sor.u32 $0xD0000000, s2;
	s6 =	simm.s32 $0x108;
	_ =	swait.ge @!p0 [sflag:s8], $0x0  }
0x24: {  	s3 =	sadd.s32 $0x88, s3;
	s6 =	simm.s32 @!p1 $0x1082;
	[sflag:s4] =	ssyncset.s32 $0xFFFFF086  }
0x25: {  	[simem:s6], [sflag:s4] =	dma.local [hbm:s3], $0xF7A  }
0x26: {  	[smem:$0x3F9B] =	sst s1;
	(tag) =	ssettag s2;
	_ =	strace s9  }
0x27: {  	s1 =	sld [smem:$0x3FAB]  }
0x28: {  	s2 =	sld [smem:$0x3FAC]  }
0x29: {  	s4 =	sld [smem:$0x3FAE]  }
0x2a: {  	p0 =	seq.s32 s5, $0x0;
	s5 =	sld [smem:$0x3FAF]  }
0x2b: {  	s6 =	sld [smem:$0x3FB0]  }
0x2c: {  	s7 =	sld [smem:$0x3FB1]  }
0x2d: {  	s3 =	simm.s32 $0x108;
	s8 =	sld [smem:$0x3FB2]  }
0x2e: {  	s3 =	simm.s32 @!p0 $0x1082;
	s9 =	sld [smem:$0x3FB3]  }
0x2f: {  	lr =	sadd.s32 s0, s3;
	s0 =	sld [smem:$0x3FAA]  }
0x30: {  	s3 =	sld [smem:$0x3FAD]  }
0x31: {  	[smem:$0x3FB6] =	sst s10  }
0x32: {  	s10 =	sld [smem:$0x3FB4];
	_ =	sdelay $0x3  }
0x33: {  	p0 =	seq.s32 s10, $0x1;
	s10 =	sld [smem:$0x3FB6];
	_ =	sdelay $0x3  }
0x34: {  	[smem:$0x3FB6] =	sst s10  }
0x35: {  	s10 =	sld [smem:$0x3FB5];
	_ =	sdelay $0x3  }
0x36: {  	p1 =	seq.s32 s10, $0x1;
	s10 =	sld [smem:$0x3FB6];
	_ =	sdelay $0x3  }
0x37: {  	[smem:$0x3FB6] =	sst s10  }
0x38: {  	s10 =	sld [smem:$0x3FB7]  }
0x39: {  	_ = 	snop;
	(pc) =	sbr.ind lr, $3  }
0x3a: {  	_ = 	snop  }
0x3b: {  	_ = 	snop  }
0x3c: {  	p2 =	seq.s32 s10, $0x1;
	s10 =	sld [smem:$0x3FB6]  }
0x3d: {  	_ =	shalt  }
0x3e: {  	_ =	shalt  }
0x3f: {  	_ =	shalt  }
0x40: {  	_ =	shalt  }
0x41: {  	_ =	shalt  }
0x42: {  	_ =	shalt  }
0x43: {  	_ =	shalt  }
0x44: {  	_ =	shalt  }
0x45: {  	_ =	shalt  }
0x46: {  	_ =	shalt  }
0x47: {  	_ =	shalt  }
0x48: {  	_ =	shalt  }
0x49: {  	_ =	shalt  }
0x4a: {  	_ =	shalt  }
0x4b: {  	_ =	shalt  }
0x4c: {  	_ =	shalt  }
0x4d: {  	_ =	shalt  }
0x4e: {  	_ =	shalt  }
0x4f: {  	_ =	shalt  }
0x50: {  	_ =	shalt  }
0x51: {  	_ =	shalt  }
0x52: {  	_ =	shalt  }
0x53: {  	_ =	shalt  }
0x54: {  	_ =	shalt  }
0x55: {  	_ =	shalt  }
0x56: {  	_ =	shalt  }
0x57: {  	_ =	shalt  }
0x58: {  	_ =	shalt  }
0x59: {  	_ =	shalt  }
0x5a: {  	_ =	shalt  }
0x5b: {  	_ =	shalt  }
0x5c: {  	_ =	shalt  }
0x5d: {  	_ =	shalt  }
0x5e: {  	_ =	shalt  }
0x5f: {  	_ =	shalt  }
0x60: {  	_ =	shalt  }
0x61: {  	_ =	shalt  }
0x62: {  	_ =	shalt  }
0x63: {  	_ =	shalt  }
0x64: {  	_ =	shalt  }
0x65: {  	_ =	shalt  }
0x66: {  	_ =	shalt  }
0x67: {  	_ =	shalt  }
0x68: {  	_ =	shalt  }
0x69: {  	_ =	shalt  }
0x6a: {  	_ =	shalt  }
0x6b: {  	_ =	shalt  }
0x6c: {  	_ =	shalt  }
0x6d: {  	_ =	shalt  }
0x6e: {  	_ =	shalt  }
0x6f: {  	_ =	shalt  }
0x70: {  	_ =	shalt  }
0x71: {  	_ =	shalt  }
0x72: {  	_ =	shalt  }
0x73: {  	_ =	shalt  }
0x74: {  	_ =	shalt  }
0x75: {  	_ =	shalt  }
0x76: {  	_ =	shalt  }
0x77: {  	_ =	shalt  }
0x78: {  	_ =	shalt  }
0x79: {  	_ =	shalt  }
0x7a: {  	_ =	shalt  }
0x7b: {  	_ =	shalt  }
0x7c: {  	_ =	shalt  }
0x7d: {  	_ =	shalt  }
0x7e: {  	_ =	shalt  }
0x7f: {  	_ =	shalt  }
0x80: {  	_ =	shalt  }
0x81: {  	_ =	shalt  }
0x82: {  	_ =	shalt  }
0x83: {  	_ =	shalt  }
0x84: {  	_ =	shalt  }
0x85: {  	_ =	shalt  }
0x86: {  	_ =	shalt  }
0x87: {  	_ =	shalt  }
.Lfunc_end0:
.L_simem_size_0:
called_computation.1_lowered:
.L_overlay_start_0:
0x88: {  	s2 =	sld [smem:$0x3FD9]  }
0x89: {  	s3 =	sld [smem:$0x3FFE];
	_ =	sdelay $0x1  }
0x8a: {  	s1 =	srdreg.scid  }
0x8b: {  	s0 =	sand.u32 $0x1, s1  }
0x8c: {  	s14 =	sshll.u32 s0, $0xA;
	s2 =	sadd.s32 s3, s2  }
0x8d: {  	s2 =	sadd.s32 s2, s14  }
0x8e: {  	[smem:$0x3FC2] =	sst s2  }
0x8f: {  	_ = 	snop  }
0x90: {  	s2 =	sld [smem:$0x3FD0];
	_ =	sdelay $0x2  }
0x91: {  	s15 =	simm.s32 $0xA;
	s4 =	simm.s32 $0x10  }
0x92: {  	[smem:s4], [sflag:s15] =	dma.local [hbm:s2], $0x1  }
0x93: {  	_ =	swait.eq [sflag:s15], $0x1  }
0x94: {  	[sflag:s15] =	ssyncset.done $0x0  }
0x95: {  	[sflag:s15] =	ssyncadd.s32 $0xFFFFFFFF  }
0x96: {  	s16 =	sld [smem:$0x10];
	(tm) =	ssettm $0x1  }
0x97: {  	s17 =	sld [smem:$0x3FFB];
	_ =	sdelay $0x3  }
0x98: {  	_ =	strace s17  }
0x99: {  	s3 =	sld [smem:$0x3FFC];
	_ =	sdelay $0x3  }
0x9a: {  	_ =	strace s3  }
0x9b: {  	s3 =	sld [smem:$0x3FFD];
	_ =	sdelay $0x3  }
0x9c: {  	_ =	strace s3  }
0x9d: {  	_ =	strace $0x8FFFFFFF  }
0x9e: {  	s18 =	sld [smem:$0x3FDB];
	_ =	sdelay $0x1  }
0x9f: {  	s19 =	simm.s32 $_scs_section_size  }
0xa0: {  	s5 =	simm.s32 $_size__tile_overlayer_lowered;
	s6 =	simm.s32 $_tile_overlayer_lowered  }
0xa1: {  	s22 =	simm.s32 $0x1BFF;
	s21 =	sshll.u32 s6, $0x1;
	s3 =	sadd.s32 s19, s18  }
0xa2: {  	s7 =	simm.s32 $0x0;
	s20 =	sshll.u32 s5, $0x1;
	s5 =	sadd.s32 s21, s3  }
0xa3: {  	[timem:s7], [sflag:s22] =	dma.local [hbm:s5], s20  }
0xa4: {  	_ =	swait.ge [sflag:s22], s20  }
0xa5: {  	s4 =	ssub.s32 $0x0, s20;
	[sflag:s22] =	ssyncset.done $0x0  }
0xa6: {  	[sflag:s22] =	ssyncadd.s32 s4;
	_ =	sdelay $0x1  }
0xa7: {  	s23 =	simm.s32 $0x1B8B  }
0xa8: {  	_ =	swait.ge [sflag:s23], $0x1  }
0xa9: {  	[sflag:s23] =	ssyncset.done $0x0  }
0xaa: {  	s25 =	simm.s32 $0x1B8E;
	s24 =	sld [smem:$0x3FFE];
	[sflag:s23] =	ssyncadd.s32 $0xFFFFFFFF  }
0xab: {  	s26 =	simm.s32 $execute0_lowered;
	[smem:$0x3FD2] =	sst s25  }
0xac: {  	s5 =	sshll.u32 s26, $0x1;
	_ =	strace $0x80000049;
	[dreg:$0x1] =	wrdreg $0xFFFFFFFF  }
0xad: {  	s28 =	simm.s32 $_size_execute0_lowered;
	s3 =	sadd.s32 s3, s5;
	[dreg:$0x0] =	wrdreg $0x0  }
0xae: {  	s5 =	sshll.u32 s28, $0x1;
	[dreg:$0x2] =	wrdreg s3  }
0xaf: {  	[dreg:$0x3] =	wrdreg s5  }
0xb0: {  	[dreg:$0x4] =	wrdreg $0xC0  }
0xb1: {  	_ =	task [dreg:s7], $0x5FFFF  }
0xb2: {  	[dreg:$0x1] =	wrdreg $0xFFFFFFFF  }
0xb3: {  	[dreg:$0x0] =	wrdreg $0x60  }
0xb4: {  	[dreg:$0x2] =	wrdreg s16  }
0xb5: {  	[dreg:$0x3] =	wrdreg s24  }
0xb6: {  	[dreg:$0x4] =	wrdreg $0xC8000  }
0xb7: {  	[dreg:$0x5] =	wrdreg $0x9  }
0xb8: {  	_ =	task.clear_ibuf [dreg:s7], $0x6FFFF;
	_ =	strace $0x90000049  }
0xb9: {  	s29 =	simm.s32 $0x9;
	_ =	strace $0x8000004B  }
0xba: {  	_ =	swait.ge [sflag:s29], $0x1  }
0xbb: {  	[sflag:s29] =	ssyncadd.s32 $0xFFFFFFFF  }
0xbc: {  	_ =	strace $0x9000004B  }
0xbd: {  	_ =	sfence  }
0xbe: {  	s30 =	sld [smem:$0x0];
	_ =	sdelay $0x2  }
0xbf: {  	s31 =	sshll.u32 s1, $0xD;
	s1 =	sshrl.u32 s1, $0x2  }
0xc0: {  	s3 =	sand.u32 $0x4000, s31;
	s1 =	sadd.s32 s1, s30  }
0xc1: {  	s0 =	sor.u32 s3, s0;
	s1 =	sshll.u32 s1, $0x11  }
0xc2: {  	s0 =	sor.u32 s1, s0  }
0xc3: {  	s0 =	sadd.s32 $0x8F2B, s0  }
0xc4: {  	[sflag:s0] =	ssyncadd.remote.s32 $0x1  }
0xc5: {  	_ =	sfence.sel $0xFFFF  }
0xc6: {  	[dreg:$0x0] =	wrdreg $0xFFFFFFFF;
	(pc) =	sbr.abs _section_cstart, $3  }
0xc7: {  	[dreg:$0x1] =	wrdreg $0xFFFFFFFF  }
0xc8: {  	_ =	task.clear_ibuf [dreg:s7], $0x2FFFF;
	_ =	strace $0x9FFFFFFF  }
0xc9: {  	(tm) =	ssettm $0x7FFFFFFF  }
tec
execute0_lowered:
.L_overlay_start_1:
0x0: {  	(tag) =	ssettag $0x1  }
0x1: {  	s0 =	rddreg [dreg:$0x1];
	s2 =	srdreg.scid;
	s3 =	simm.s32 $0x0  }
0x2: {  	s1 =	stileid.u32;
	s2 =	sand.u32 $0x1, s2;
	[smem:$0x7FF] =	sst s3  }
0x3: {  	s10 =	sshll.u32 s1, $0x1;
	s8 =	sadd.s32 $0x2AC00, s0;
	s13 =	smul.u32 $0x140000, s2  }
0x4: {  	s3 =	sor.u32 s2, s10;
	s4 =	ssub.s32 $0x2, s2;
	s2 =	smul.u32 $0xA000, s1  }
0x5: {  	s5 =	smul.u32 $0x500, s3;
	s11 =	sshrl.u32 s4, $0x1;
	s10 =	sadd.s32 $0xA0000, s13  }
0x6: {  	s3 =	ssub.s32 s4, s11;
	s4 =	sor.u32 $0x1000, s2;
	s12 =	sadd.s32 s2, s10  }
0x7: {  	s7 =	sadd.s32 s13, s2;
	s15 =	sadd.s32 s13, s4;
	s6 =	sshrl.u32 s12, $0x3  }
0x8: {  	s14 =	sshrl.u32 s7, $0x3;
	s7 =	sshrl.u32 s15, $0x3;
	s6 =	sadd.s32 s8, s6  }
0x9: {  	s7 =	sadd.s32 s8, s7;
	[dreg:$0x4] =	wrdreg s6  }
0xa: {  	s6 =	sadd.s32 s8, s14;
	[dreg:$0x6] =	wrdreg s7;
	s7 =	sadd.s32 $0x3000, s2  }
0xb: {  	[dreg:$0x5] =	wrdreg s6;
	s6 =	sadd.s32 $0x2000, s2;
	s12 =	sadd.s32 s13, s7  }
0xc: {  	s25 =	sadd.s32 s7, s10;
	s9 =	sadd.s32 s13, s6;
	s16 =	sshrl.u32 s12, $0x3  }
0xd: {  	s24 =	sadd.s32 s6, s10;
	s11 =	sshrl.u32 s9, $0x3;
	s9 =	sadd.s32 $0x4000, s2  }
0xe: {  	s11 =	sadd.s32 s8, s11;
	s17 =	sadd.s32 s13, s9;
	s26 =	sadd.s32 s9, s10  }
0xf: {  	[dreg:$0x7] =	wrdreg s11;
	s11 =	sadd.s32 s8, s16;
	s12 =	sshrl.u32 s17, $0x3  }
0x10: {  	s16 =	sadd.s32 $0x7000, s2;
	s17 =	sadd.s32 $0x9000, s2;
	[dreg:$0x8] =	wrdreg s11  }
0x11: {  	s11 =	sadd.s32 $0x5000, s2;
	s12 =	sadd.s32 s8, s12;
	s19 =	sadd.s32 s13, s16  }
0x12: {  	[dreg:$0x9] =	wrdreg s12;
	s14 =	sadd.s32 s13, s11;
	s12 =	sadd.s32 $0x6000, s2  }
0x13: {  	s20 =	sshrl.u32 s19, $0x3;
	s14 =	sshrl.u32 s14, $0x3;
	s15 =	sadd.s32 s13, s12  }
0x14: {  	s19 =	sshrl.u32 s25, $0x3;
	s14 =	sadd.s32 s8, s14;
	s18 =	sshrl.u32 s15, $0x3  }
0x15: {  	s15 =	sadd.s32 $0x8000, s2;
	[dreg:$0xa] =	wrdreg s14;
	s14 =	sadd.s32 s8, s18  }
0x16: {  	s21 =	sadd.s32 s13, s15;
	s13 =	sadd.s32 s13, s17;
	s18 =	sadd.s32 s4, s10  }
0x17: {  	[dreg:$0xb] =	wrdreg s14;
	s14 =	sadd.s32 s8, s20;
	s13 =	sshrl.u32 s13, $0x3  }
0x18: {  	s22 =	sshrl.u32 s18, $0x3;
	[dreg:$0xc] =	wrdreg s14;
	s13 =	sadd.s32 s8, s13  }
0x19: {  	s20 =	sshrl.u32 s26, $0x3;
	s23 =	sadd.s32 s8, s22;
	[dreg:$0xe] =	wrdreg s13  }
0x1a: {  	s14 =	sshrl.u32 s21, $0x3;
	s21 =	sadd.s32 s8, s20;
	[dreg:$0xf] =	wrdreg s23  }
0x1b: {  	s22 =	sadd.s32 s11, s10;
	s14 =	sadd.s32 s8, s14;
	[dreg:$0x12] =	wrdreg s21  }
0x1c: {  	s13 =	sshrl.u32 s24, $0x3;
	s23 =	sadd.s32 s12, s10;
	s21 =	rddreg [dreg:$0x0]  }
0x1d: {  	s24 =	sadd.s32 s16, s10;
	[dreg:$0xd] =	wrdreg s14;
	s13 =	sadd.s32 s8, s13  }
0x1e: {  	s25 =	sshrl.u32 s23, $0x3;
	[dreg:$0x10] =	wrdreg s13;
	s13 =	sadd.s32 s8, s19  }
0x1f: {  	s26 =	sshrl.u32 s24, $0x3;
	[dreg:$0x11] =	wrdreg s13;
	s13 =	sshrl.u32 s22, $0x3  }
0x20: {  	s23 =	rddreg [dreg:$0x2];
	s18 =	sadd.s32 s8, s26;
	s13 =	sadd.s32 s8, s13  }
0x21: {  	s19 =	sadd.s32 s15, s10;
	[dreg:$0x13] =	wrdreg s13;
	s13 =	sadd.s32 s8, s25  }
0x22: {  	s10 =	sadd.s32 s17, s10;
	[dreg:$0x14] =	wrdreg s13;
	s13 =	sshrl.u32 s19, $0x3  }
0x23: {  	[dreg:$0x15] =	wrdreg s18;
	s10 =	sshrl.u32 s10, $0x3;
	s13 =	sadd.s32 s8, s13  }
0x24: {  	s8 =	sadd.s32 s8, s10;
	[dreg:$0x16] =	wrdreg s13  }
0x25: {  	s5 =	sadd.s32 s5, s0;
	s0 =	sadd.s32 $0x16600, s0;
	[dreg:$0x17] =	wrdreg s8  }
0x26: {  	s24 =	sadd.s32 $0x2600, s5;
	_ =	strace $0x8000004A;
	[dreg:$0x18] =	wrdreg s0  }
0x27: {  	s25 =	sadd.s32 $0x20C00, s5;
	[dreg:$0x19] =	wrdreg s24  }
0x28: {  	s26 =	sadd.s32 $0xC600, s5;
	[dreg:$0x1a] =	wrdreg s25  }
0x29: {  	s20 =	smul.u32 $0x28000, s1;
	s1 =	smax.u32 s3, $0x1;
	[dreg:$0x1b] =	wrdreg s26  }
0x2a: {  	s3 =	sadd.s32 s2, s23;
	[dreg:$0x1c] =	wrdreg s1  }
0x2b: {  	s5 =	sadd.s32 s4, s23;
	[dreg:$0x1d] =	wrdreg s3  }
0x2c: {  	s6 =	sadd.s32 s6, s23;
	[dreg:$0x1e] =	wrdreg s5  }
0x2d: {  	s8 =	sadd.s32 s7, s23;
	[dreg:$0x1f] =	wrdreg s6  }
0x2e: {  	s10 =	sadd.s32 s9, s23;
	[smem:$0x7F2] =	sst s8  }
0x2f: {  	s13 =	sadd.s32 s11, s23;
	[smem:$0x7F3] =	sst s10  }
0x30: {  	s28 =	simm.s32 $0x9800;
	s14 =	sadd.s32 s12, s23;
	[smem:$0x7F4] =	sst s13  }
0x31: {  	s29 =	simm.s32 $0x1;
	s16 =	sadd.s32 s16, s23;
	[smem:$0x7F5] =	sst s14  }
0x32: {  	s22 =	sshrl.u32 s20, $0x2;
	s18 =	sadd.s32 s15, s23;
	[smem:$0x7F6] =	sst s16  }
0x33: {  	s30 =	sadd.s32 s22, s23;
	s19 =	sadd.s32 s17, s23;
	[smem:$0x7F7] =	sst s18  }
0x34: {  	s31 =	simm.s32 $0x2;
	s20 =	sadd.s32 $0x5000, s30;
	[smem:$0x7F8] =	sst s19  }
0x35: {  	s2 =	simm.s32 $0x0;
	s22 =	sadd.s32 $0x6000, s30;
	[smem:$0x7F9] =	sst s20  }
0x36: {  	s12 =	sadd.s32 $0x2000, s30;
	[smem:$0x7FA] =	sst s22;
	s24 =	sadd.s32 $0x7000, s30  }
0x37: {  	s11 =	sadd.s32 $0x1000, s30;
	s25 =	sadd.s32 $0x8000, s30;
	[smem:$0x7FB] =	sst s24  }
0x38: {  	s13 =	sadd.s32 $0x3000, s30;
	s26 =	sadd.s32 $0x9000, s30;
	[smem:$0x7FC] =	sst s25  }
0x39: {  	s14 =	sadd.s32 $0x4000, s30;
	s19 =	simm.s32 $0x3;
	[smem:$0x7FD] =	sst s26  }
0x3a: {  	s24 =	simm.s32 $0xB800;
	s25 =	simm.s32 $0x80;
	s26 =	simm.s32 $0x7800  }
.LBB2_1:
0x3b: {  	s0 =	simm.s32 $0x0;
	s1 =	rddreg [dreg:$0x19]  }
0x3c: {  	[tilespmem:s0], [sflag:$0x3] =	stream.linear.gather [hbm4b:s1+s0], $0x2800, $0x38;
	[tilespmem:$0x16800] =	vst v63  }
0x3d: {  	_ =	swait.ge [sflag:s19], $0x2800  }
0x3e: {  	[sflag:s19] =	ssyncset.done $0x0  }
0x3f: {  	s3 =	simm.s32 $0x2800;
	s4 =	rddreg [dreg:$0x1a];
	[sflag:s19] =	ssyncadd.s32 $0xFFFFD800  }
0x40: {  	[tilespmem:s3], [sflag:$0x3] =	stream.linear.gather [hbm4b:s4+s0], $0x2800, $0x38;
	[tilespmem:$0x16800] =	vst v63  }
0x41: {  	_ =	swait.ge [sflag:s19], $0x2800  }
0x42: {  	[sflag:s19] =	ssyncset.done $0x0  }
0x43: {  	s6 =	simm.s32 $0x5000;
	s5 =	rddreg [dreg:$0x1b];
	[sflag:s19] =	ssyncadd.s32 $0xFFFFD800  }
0x44: {  	[tilespmem:s6], [sflag:$0x3] =	stream.linear.gather [hbm4b:s5+s0], $0x2800, $0x38;
	[tilespmem:$0x16800] =	vst v63  }
0x45: {  	_ =	swait.ge [sflag:s19], $0x2800  }
0x46: {  	[sflag:s19] =	ssyncset.done $0x0  }
0x47: {  	s7 =	rddreg [dreg:$0x18];
	[sflag:s19] =	ssyncadd.s32 $0xFFFFD800  }
0x48: {  	[tilespmem:s24], [sflag:$0x3] =	stream.linear.gather [hbm4b:s7+s0], $0x1000, $0x38;
	[tilespmem:$0x16800] =	vst v63  }
0x49: {  	_ =	swait.ge [sflag:s19], $0x1000  }
0x4a: {  	[sflag:s19] =	ssyncset.done $0x0  }
0x4b: {  	[sflag:s19] =	ssyncadd.s32 $0xFFFFF000  }
0x4c: {  	[spmem:s30] =	stream.linear.scatter [tilespmem:s24], [sflag:$0x3], $0x1000, $0x38;
	[tilespmem:$0x16800] =	vst v63  }
0x4d: {  	_ =	swait.ge [sflag:s19], $0x1000  }
0x4e: {  	[sflag:s19] =	ssyncset.done $0x0  }
0x4f: {  	[sflag:s19] =	ssyncadd.s32 $0xFFFFF000  }
0x50: {  	[spmem:s11] =	stream.linear.scatter [tilespmem:s24], [sflag:$0x3], $0x1000, $0x38;
	[tilespmem:$0x16800] =	vst v63  }
0x51: {  	_ =	swait.ge [sflag:s19], $0x1000  }
0x52: {  	[sflag:s19] =	ssyncset.done $0x0  }
0x53: {  	[sflag:s19] =	ssyncadd.s32 $0xFFFFF000  }
0x54: {  	[spmem:s12] =	stream.linear.scatter [tilespmem:s24], [sflag:$0x3], $0x1000, $0x38;
	[tilespmem:$0x16800] =	vst v63  }
0x55: {  	_ =	swait.ge [sflag:s19], $0x1000  }
0x56: {  	[sflag:s19] =	ssyncset.done $0x0  }
0x57: {  	[sflag:s19] =	ssyncadd.s32 $0xFFFFF000  }
0x58: {  	[spmem:s13] =	stream.linear.scatter [tilespmem:s24], [sflag:$0x3], $0x1000, $0x38;
	[tilespmem:$0x16800] =	vst v63  }
0x59: {  	_ =	swait.ge [sflag:s19], $0x1000  }
0x5a: {  	[sflag:s19] =	ssyncset.done $0x0  }
0x5b: {  	[sflag:s19] =	ssyncadd.s32 $0xFFFFF000  }
0x5c: {  	[spmem:s14] =	stream.linear.scatter [tilespmem:s24], [sflag:$0x3], $0x1000, $0x38;
	[tilespmem:$0x16800] =	vst v63  }
0x5d: {  	_ =	swait.ge [sflag:s19], $0x1000  }
0x5e: {  	s8 =	sld [smem:$0x7F9]  }
0x5f: {  	[sflag:s19] =	ssyncset.done $0x0  }
0x60: {  	[sflag:s19] =	ssyncadd.s32 $0xFFFFF000  }
0x61: {  	[spmem:s8] =	stream.linear.scatter [tilespmem:s24], [sflag:$0x3], $0x1000, $0x38;
	[tilespmem:$0x16800] =	vst v63  }
0x62: {  	_ =	swait.ge [sflag:s19], $0x1000  }
0x63: {  	s9 =	sld [smem:$0x7FA]  }
0x64: {  	[sflag:s19] =	ssyncset.done $0x0  }
0x65: {  	[sflag:s19] =	ssyncadd.s32 $0xFFFFF000  }
0x66: {  	[spmem:s9] =	stream.linear.scatter [tilespmem:s24], [sflag:$0x3], $0x1000, $0x38;
	[tilespmem:$0x16800] =	vst v63  }
0x67: {  	_ =	swait.ge [sflag:s19], $0x1000  }
0x68: {  	s10 =	sld [smem:$0x7FB]  }
0x69: {  	[sflag:s19] =	ssyncset.done $0x0  }
0x6a: {  	[sflag:s19] =	ssyncadd.s32 $0xFFFFF000  }
0x6b: {  	[spmem:s10] =	stream.linear.scatter [tilespmem:s24], [sflag:$0x3], $0x1000, $0x38;
	[tilespmem:$0x16800] =	vst v63  }
0x6c: {  	_ =	swait.ge [sflag:s19], $0x1000  }
0x6d: {  	s15 =	sld [smem:$0x7FC]  }
0x6e: {  	[sflag:s19] =	ssyncset.done $0x0  }
0x6f: {  	[sflag:s19] =	ssyncadd.s32 $0xFFFFF000  }
0x70: {  	[spmem:s15] =	stream.linear.scatter [tilespmem:s24], [sflag:$0x3], $0x1000, $0x38;
	[tilespmem:$0x16800] =	vst v63  }
0x71: {  	_ =	swait.ge [sflag:s19], $0x1000  }
0x72: {  	s16 =	sld [smem:$0x7FD]  }
0x73: {  	[sflag:s19] =	ssyncset.done $0x0  }
0x74: {  	[sflag:s19] =	ssyncadd.s32 $0xFFFFF000  }
0x75: {  	[spmem:s16] =	stream.linear.scatter [tilespmem:s24], [sflag:$0x3], $0x1000, $0x38;
	[tilespmem:$0x16800] =	vst v63  }
0x76: {  	_ =	swait.ge [sflag:s19], $0x1000  }
0x77: {  	[sflag:s19] =	ssyncset.done $0x0  }
0x78: {  	[sflag:s19] =	ssyncadd.s32 $0xFFFFF000  }
0x79: {  	[bflag:$0x0] =	sbarrier.arrive $0xFFFF  }
0x7a: {  	[tilespmem:s26], [sflag:$0x1] =	stream.indirect.gather [hbm4b:s21+s25], $0x40, s0, s25, $0xb8;
	[tilespmem:$0x16800] =	vst v63  }
0x7b: {  	s17 =	simm.s32 $0x80  }
0x7c: {  	[tilespmem:s28], [sflag:$0x2] =	stream.indirect.gather [hbm4b:s21+s25], $0x40, s17, s25, $0xb8;
	[tilespmem:$0x16800] =	vst v63  }
0x7d: {  	_ =	swait.ge [sflag:s29], $0x2000  }
0x7e: {  	[sflag:s29] =	ssyncset.done $0x0  }
0x7f: {  	s18 =	simm.s32 $0x5000;
	[sflag:s29] =	ssyncadd.s32 $0xFFFFE000  }
0x80: {  	[spmem:s23] =	stream.indirect.scatter.add.f32 [tilespmem:s26], [sflag:$0x3], $0x40, s18, s25, $0xb8;
	[tilespmem:$0x16800] =	vst v63  }
0x81: {  	_ =	swait.ge [sflag:s19], $0x2000  }
0x82: {  	[sflag:s19] =	ssyncset.done $0x0  }
0x83: {  	s20 =	simm.s32 $0x100;
	[sflag:s19] =	ssyncadd.s32 $0xFFFFE000  }
0x84: {  	[tilespmem:s26], [sflag:$0x1] =	stream.indirect.gather [hbm4b:s21+s25], $0x40, s20, s25, $0xb8;
	[tilespmem:$0x16800] =	vst v63  }
0x85: {  	_ =	swait.ge [sflag:s31], $0x2000  }
0x86: {  	[sflag:s31] =	ssyncset.done $0x0  }
0x87: {  	s22 =	simm.s32 $0x5080;
	[sflag:s31] =	ssyncadd.s32 $0xFFFFE000  }
0x88: {  	[spmem:s23] =	stream.indirect.scatter.add.f32 [tilespmem:s28], [sflag:$0x3], $0x40, s22, s25, $0xb8;
	[tilespmem:$0x16800] =	vst v63  }
0x89: {  	_ =	swait.ge [sflag:s19], $0x2000  }
0x8a: {  	s3 =	simm.s32 $0x800;
	s0 =	simm.s32 $0x100;
	[sflag:s19] =	ssyncset.done $0x0  }
.LBB2_2:
0x8b: {  	s4 =	sadd.s32 $0x80, s0  }
0x8c: {  	[sflag:s19] =	ssyncadd.s32 $0xFFFFE000;
	s5 =	smov.u32 s3;
	s6 =	sadd.s32 $0x400, s3  }
0x8d: {  	[tilespmem:s28], [sflag:$0x2] =	stream.indirect.gather [hbm4b:s21+s25], $0x40, s4, s25, $0xb8;
	[tilespmem:$0x16800] =	vst v63  }
0x8e: {  	p0 =	sne.s32 s3, $0x9800;
	_ =	swait.ge [sflag:s29], $0x2000  }
0x8f: {  	[sflag:s29] =	ssyncset.done $0x0  }
0x90: {  	s3 =	sadd.s32 $0x5000, s0;
	[sflag:s29] =	ssyncadd.s32 $0xFFFFE000  }
0x91: {  	[spmem:s23] =	stream.indirect.scatter.add.f32 [tilespmem:s26], [sflag:$0x3], $0x40, s3, s25, $0xb8;
	[tilespmem:$0x16800] =	vst v63  }
0x92: {  	_ =	swait.ge [sflag:s19], $0x2000  }
0x93: {  	[sflag:s19] =	ssyncset.done $0x0  }
0x94: {  	s3 =	sadd.s32 $0x100, s0;
	[sflag:s19] =	ssyncadd.s32 $0xFFFFE000  }
0x95: {  	[tilespmem:s26], [sflag:$0x1] =	stream.indirect.gather [hbm4b:s21+s25], $0x40, s3, s25, $0xb8;
	[tilespmem:$0x16800] =	vst v63  }
0x96: {  	_ =	swait.ge [sflag:s31], $0x2000  }
.Ltmp0:
0x97: {  	[sflag:s31] =	ssyncset.done $0x0;
	(pc) =	sbr.rel @p0 .LBB2_2-.Ltmp0, $4  }
0x98: {  	s0 =	sadd.s32 $0x5080, s0;
	[sflag:s31] =	ssyncadd.s32 $0xFFFFE000  }
0x99: {  	[spmem:s23] =	stream.indirect.scatter.add.f32 [tilespmem:s28], [sflag:$0x3], $0x40, s0, s25, $0xb8;
	[tilespmem:$0x16800] =	vst v63  }
0x9a: {  	_ =	swait.ge [sflag:s19], $0x2000  }
0x9b: {  	s3 =	smov.u32 s6;
	s0 =	sshra.s32 s5, $0x2;
	[sflag:s19] =	ssyncset.done $0x0  }
0x9c: {  	s3 =	sadd.s32 $0x80, s0;
	[sflag:s19] =	ssyncadd.s32 $0xFFFFE000  }
0x9d: {  	[tilespmem:s28], [sflag:$0x2] =	stream.indirect.gather [hbm4b:s21+s25], $0x40, s3, s25, $0xb8;
	[tilespmem:$0x16800] =	vst v63  }
0x9e: {  	_ =	swait.ge [sflag:s29], $0x2000  }
0x9f: {  	[sflag:s29] =	ssyncset.done $0x0  }
0xa0: {  	s16 =	sadd.s32 $0x5000, s0;
	[sflag:s29] =	ssyncadd.s32 $0xFFFFE000  }
0xa1: {  	[spmem:s23] =	stream.indirect.scatter.add.f32 [tilespmem:s26], [sflag:$0x3], $0x40, s16, s25, $0xb8;
	[tilespmem:$0x16800] =	vst v63  }
0xa2: {  	_ =	swait.ge [sflag:s19], $0x2000  }
0xa3: {  	[sflag:s19] =	ssyncset.done $0x0  }
0xa4: {  	s17 =	sadd.s32 $0x100, s0;
	[sflag:s19] =	ssyncadd.s32 $0xFFFFE000  }
0xa5: {  	[tilespmem:s26], [sflag:$0x1] =	stream.indirect.gather [hbm4b:s21+s25], $0x40, s17, s25, $0xb8;
	[tilespmem:$0x16800] =	vst v63  }
0xa6: {  	_ =	swait.ge [sflag:s31], $0x2000  }
0xa7: {  	[sflag:s31] =	ssyncset.done $0x0  }
0xa8: {  	s18 =	sadd.s32 $0x5080, s0;
	[sflag:s31] =	ssyncadd.s32 $0xFFFFE000  }
0xa9: {  	[spmem:s23] =	stream.indirect.scatter.add.f32 [tilespmem:s28], [sflag:$0x3], $0x40, s18, s25, $0xb8;
	[tilespmem:$0x16800] =	vst v63  }
0xaa: {  	_ =	swait.ge [sflag:s19], $0x2000  }
0xab: {  	[sflag:s19] =	ssyncset.done $0x0  }
0xac: {  	s20 =	simm.s32 $0x2780;
	[sflag:s19] =	ssyncadd.s32 $0xFFFFE000  }
0xad: {  	[tilespmem:s28], [sflag:$0x2] =	stream.indirect.gather [hbm4b:s21+s25], $0x40, s20, s25, $0xb8;
	[tilespmem:$0x16800] =	vst v63  }
0xae: {  	_ =	swait.ge [sflag:s29], $0x2000  }
0xaf: {  	[sflag:s29] =	ssyncset.done $0x0  }
0xb0: {  	s22 =	simm.s32 $0x7700;
	[sflag:s29] =	ssyncadd.s32 $0xFFFFE000  }
0xb1: {  	[spmem:s23] =	stream.indirect.scatter.add.f32 [tilespmem:s26], [sflag:$0x3], $0x40, s22, s25, $0xb8;
	[tilespmem:$0x16800] =	vst v63  }
0xb2: {  	_ =	swait.ge [sflag:s19], $0x2000  }
0xb3: {  	[sflag:s19] =	ssyncset.done $0x0  }
0xb4: {  	[sflag:s19] =	ssyncadd.s32 $0xFFFFE000  }
0xb5: {  	_ =	swait.ge [sflag:s31], $0x2000  }
0xb6: {  	[sflag:s31] =	ssyncset.done $0x0  }
0xb7: {  	s1 =	simm.s32 $0x7780;
	[sflag:s31] =	ssyncadd.s32 $0xFFFFE000  }
0xb8: {  	[spmem:s23] =	stream.indirect.scatter.add.f32 [tilespmem:s28], [sflag:$0x3], $0x40, s1, s25, $0xb8;
	[tilespmem:$0x16800] =	vst v63  }
0xb9: {  	_ =	swait.ge [sflag:s19], $0x2000  }
0xba: {  	[sflag:s19] =	ssyncset.done $0x0  }
0xbb: {  	[sflag:s19] =	ssyncadd.s32 $0xFFFFE000  }
0xbc: {  	s3 =	stileid.u32;
	[bflag:$0x0] =	sbarrier.arrive $0xFFFF  }
0xbd: {  	s0 =	sshll.u32 s3, $0x6;
	s4 =	rddreg [dreg:$0x1d]  }
0xbe: {  	s3 =	sor.u32 $0x1C03, s0;
	s5 =	rddreg [dreg:$0x5];
	s4 =	sshrl.u32 s4, $0x3  }
0xbf: {  	[hbm:s5], [sflag:s3] =	dma.local [spmem:s4], $0x200  }
0xc0: {  	_ =	swait.ge [sflag:s19], $0x200  }
0xc1: {  	[sflag:s19] =	ssyncset.done $0x0;
	s6 =	rddreg [dreg:$0x1e]  }
0xc2: {  	s7 =	rddreg [dreg:$0x6];
	[sflag:s19] =	ssyncadd.s32 $0xFFFFFE00;
	s5 =	sshrl.u32 s6, $0x3  }
0xc3: {  	[hbm:s7], [sflag:s3] =	dma.local [spmem:s5], $0x200  }
0xc4: {  	_ =	swait.ge [sflag:s19], $0x200  }
0xc5: {  	[sflag:s19] =	ssyncset.done $0x0;
	s8 =	rddreg [dreg:$0x1f]  }
0xc6: {  	s9 =	rddreg [dreg:$0x7];
	[sflag:s19] =	ssyncadd.s32 $0xFFFFFE00;
	s6 =	sshrl.u32 s8, $0x3  }
0xc7: {  	[hbm:s9], [sflag:s3] =	dma.local [spmem:s6], $0x200  }
0xc8: {  	_ =	swait.ge [sflag:s19], $0x200  }
0xc9: {  	s10 =	sld [smem:$0x7F2];
	_ =	sdelay $0x1  }
0xca: {  	[sflag:s19] =	ssyncset.done $0x0  }
0xcb: {  	s15 =	rddreg [dreg:$0x8];
	[sflag:s19] =	ssyncadd.s32 $0xFFFFFE00;
	s7 =	sshrl.u32 s10, $0x3  }
0xcc: {  	[hbm:s15], [sflag:s3] =	dma.local [spmem:s7], $0x200  }
0xcd: {  	_ =	swait.ge [sflag:s19], $0x200  }
0xce: {  	s16 =	sld [smem:$0x7F3];
	_ =	sdelay $0x1  }
0xcf: {  	[sflag:s19] =	ssyncset.done $0x0  }
0xd0: {  	s17 =	rddreg [dreg:$0x9];
	[sflag:s19] =	ssyncadd.s32 $0xFFFFFE00;
	s8 =	sshrl.u32 s16, $0x3  }
0xd1: {  	[hbm:s17], [sflag:s3] =	dma.local [spmem:s8], $0x200  }
0xd2: {  	_ =	swait.ge [sflag:s19], $0x200  }
0xd3: {  	s18 =	sld [smem:$0x7F4];
	_ =	sdelay $0x1  }
0xd4: {  	[sflag:s19] =	ssyncset.done $0x0  }
0xd5: {  	s20 =	rddreg [dreg:$0xa];
	[sflag:s19] =	ssyncadd.s32 $0xFFFFFE00;
	s9 =	sshrl.u32 s18, $0x3  }
0xd6: {  	[hbm:s20], [sflag:s3] =	dma.local [spmem:s9], $0x200  }
0xd7: {  	_ =	swait.ge [sflag:s19], $0x200  }
0xd8: {  	s22 =	sld [smem:$0x7F5];
	_ =	sdelay $0x1  }
0xd9: {  	[sflag:s19] =	ssyncset.done $0x0  }
0xda: {  	s1 =	rddreg [dreg:$0xb];
	[sflag:s19] =	ssyncadd.s32 $0xFFFFFE00;
	s22 =	sshrl.u32 s22, $0x3  }
0xdb: {  	[hbm:s1], [sflag:s3] =	dma.local [spmem:s22], $0x200  }
0xdc: {  	_ =	swait.ge [sflag:s19], $0x200  }
0xdd: {  	s10 =	sld [smem:$0x7F6];
	_ =	sdelay $0x1  }
0xde: {  	[sflag:s19] =	ssyncset.done $0x0  }
0xdf: {  	s15 =	rddreg [dreg:$0xc];
	[sflag:s19] =	ssyncadd.s32 $0xFFFFFE00;
	s20 =	sshrl.u32 s10, $0x3  }
0xe0: {  	[hbm:s15], [sflag:s3] =	dma.local [spmem:s20], $0x200  }
0xe1: {  	_ =	swait.ge [sflag:s19], $0x200  }
0xe2: {  	s16 =	sld [smem:$0x7F7];
	_ =	sdelay $0x1  }
0xe3: {  	[sflag:s19] =	ssyncset.done $0x0  }
0xe4: {  	s1 =	rddreg [dreg:$0xd];
	[sflag:s19] =	ssyncadd.s32 $0xFFFFFE00;
	s0 =	sshrl.u32 s16, $0x3  }
0xe5: {  	[hbm:s1], [sflag:s3] =	dma.local [spmem:s0], $0x200  }
0xe6: {  	_ =	swait.ge [sflag:s19], $0x200  }
0xe7: {  	s17 =	sld [smem:$0x7F8];
	_ =	sdelay $0x1  }
0xe8: {  	[sflag:s19] =	ssyncset.done $0x0  }
0xe9: {  	s18 =	rddreg [dreg:$0xe];
	[sflag:s19] =	ssyncadd.s32 $0xFFFFFE00;
	s10 =	sshrl.u32 s17, $0x3  }
0xea: {  	[hbm:s18], [sflag:s3] =	dma.local [spmem:s10], $0x200  }
0xeb: {  	_ =	swait.ge [sflag:s19], $0x200  }
0xec: {  	[sflag:s19] =	ssyncset.done $0x0  }
0xed: {  	[sflag:s19] =	ssyncadd.s32 $0xFFFFFE00  }
0xee: {  	[spmem:s30] =	stream.linear.scatter [tilespmem:s24], [sflag:$0x3], $0x1000, $0x38;
	[tilespmem:$0x16800] =	vst v63  }
0xef: {  	_ =	swait.ge [sflag:s19], $0x1000  }
0xf0: {  	[sflag:s19] =	ssyncset.done $0x0  }
0xf1: {  	[sflag:s19] =	ssyncadd.s32 $0xFFFFF000  }
0xf2: {  	[spmem:s11] =	stream.linear.scatter [tilespmem:s24], [sflag:$0x3], $0x1000, $0x38;
	[tilespmem:$0x16800] =	vst v63  }
0xf3: {  	_ =	swait.ge [sflag:s19], $0x1000  }
0xf4: {  	[sflag:s19] =	ssyncset.done $0x0  }
0xf5: {  	[sflag:s19] =	ssyncadd.s32 $0xFFFFF000  }
0xf6: {  	[spmem:s12] =	stream.linear.scatter [tilespmem:s24], [sflag:$0x3], $0x1000, $0x38;
	[tilespmem:$0x16800] =	vst v63  }
0xf7: {  	_ =	swait.ge [sflag:s19], $0x1000  }
0xf8: {  	[sflag:s19] =	ssyncset.done $0x0  }
0xf9: {  	[sflag:s19] =	ssyncadd.s32 $0xFFFFF000  }
0xfa: {  	[spmem:s13] =	stream.linear.scatter [tilespmem:s24], [sflag:$0x3], $0x1000, $0x38;
	[tilespmem:$0x16800] =	vst v63  }
0xfb: {  	_ =	swait.ge [sflag:s19], $0x1000  }
0xfc: {  	[sflag:s19] =	ssyncset.done $0x0  }
0xfd: {  	[sflag:s19] =	ssyncadd.s32 $0xFFFFF000  }
0xfe: {  	[spmem:s14] =	stream.linear.scatter [tilespmem:s24], [sflag:$0x3], $0x1000, $0x38;
	[tilespmem:$0x16800] =	vst v63  }
0xff: {  	_ =	swait.ge [sflag:s19], $0x1000  }
0x100: {  	s17 =	smov.u32 s13;
	s13 =	sld [smem:$0x7F9]  }
0x101: {  	[sflag:s19] =	ssyncset.done $0x0  }
0x102: {  	[sflag:s19] =	ssyncadd.s32 $0xFFFFF000  }
0x103: {  	[spmem:s13] =	stream.linear.scatter [tilespmem:s24], [sflag:$0x3], $0x1000, $0x38;
	[tilespmem:$0x16800] =	vst v63  }
0x104: {  	_ =	swait.ge [sflag:s19], $0x1000  }
0x105: {  	s18 =	smov.u32 s14;
	s14 =	sld [smem:$0x7FA]  }
0x106: {  	[sflag:s19] =	ssyncset.done $0x0  }
0x107: {  	[sflag:s19] =	ssyncadd.s32 $0xFFFFF000  }
0x108: {  	[spmem:s14] =	stream.linear.scatter [tilespmem:s24], [sflag:$0x3], $0x1000, $0x38;
	[tilespmem:$0x16800] =	vst v63  }
0x109: {  	_ =	swait.ge [sflag:s19], $0x1000  }
0x10a: {  	s15 =	smov.u32 s11;
	s11 =	sld [smem:$0x7FB]  }
0x10b: {  	[sflag:s19] =	ssyncset.done $0x0  }
0x10c: {  	[sflag:s19] =	ssyncadd.s32 $0xFFFFF000  }
0x10d: {  	[spmem:s11] =	stream.linear.scatter [tilespmem:s24], [sflag:$0x3], $0x1000, $0x38;
	[tilespmem:$0x16800] =	vst v63  }
0x10e: {  	_ =	swait.ge [sflag:s19], $0x1000  }
0x10f: {  	s16 =	smov.u32 s12;
	s12 =	sld [smem:$0x7FC]  }
0x110: {  	[sflag:s19] =	ssyncset.done $0x0  }
0x111: {  	[sflag:s19] =	ssyncadd.s32 $0xFFFFF000  }
0x112: {  	[spmem:s12] =	stream.linear.scatter [tilespmem:s24], [sflag:$0x3], $0x1000, $0x38;
	[tilespmem:$0x16800] =	vst v63  }
0x113: {  	_ =	swait.ge [sflag:s19], $0x1000  }
0x114: {  	s13 =	sld [smem:$0x7FD]  }
0x115: {  	[sflag:s19] =	ssyncset.done $0x0  }
0x116: {  	[sflag:s19] =	ssyncadd.s32 $0xFFFFF000  }
0x117: {  	[spmem:s13] =	stream.linear.scatter [tilespmem:s24], [sflag:$0x3], $0x1000, $0x38;
	[tilespmem:$0x16800] =	vst v63  }
0x118: {  	_ =	swait.ge [sflag:s19], $0x1000  }
0x119: {  	[sflag:s19] =	ssyncset.done $0x0  }
0x11a: {  	[sflag:s19] =	ssyncadd.s32 $0xFFFFF000  }
0x11b: {  	s14 =	simm.s32 $0x2800;
	[bflag:$0x0] =	sbarrier.arrive $0xFFFF  }
0x11c: {  	[tilespmem:s26], [sflag:$0x1] =	stream.indirect.gather [hbm4b:s21+s25], $0x40, s14, s25, $0xb8;
	[tilespmem:$0x16800] =	vst v63  }
0x11d: {  	s1 =	simm.s32 $0x2880  }
0x11e: {  	[tilespmem:s28], [sflag:$0x2] =	stream.indirect.gather [hbm4b:s21+s25], $0x40, s1, s25, $0xb8;
	[tilespmem:$0x16800] =	vst v63  }
0x11f: {  	_ =	swait.ge [sflag:s29], $0x2000  }
0x120: {  	[sflag:s29] =	ssyncset.done $0x0  }
0x121: {  	s12 =	simm.s32 $0x5000;
	[sflag:s29] =	ssyncadd.s32 $0xFFFFE000  }
0x122: {  	[spmem:s23] =	stream.indirect.scatter.add.f32 [tilespmem:s26], [sflag:$0x3], $0x40, s12, s25, $0xb8;
	[tilespmem:$0x16800] =	vst v63  }
0x123: {  	_ =	swait.ge [sflag:s19], $0x2000  }
0x124: {  	[sflag:s19] =	ssyncset.done $0x0  }
0x125: {  	s13 =	simm.s32 $0x2900;
	[sflag:s19] =	ssyncadd.s32 $0xFFFFE000  }
0x126: {  	[tilespmem:s26], [sflag:$0x1] =	stream.indirect.gather [hbm4b:s21+s25], $0x40, s13, s25, $0xb8;
	[tilespmem:$0x16800] =	vst v63  }
0x127: {  	_ =	swait.ge [sflag:s31], $0x2000  }
0x128: {  	[sflag:s31] =	ssyncset.done $0x0  }
0x129: {  	s14 =	simm.s32 $0x5080;
	[sflag:s31] =	ssyncadd.s32 $0xFFFFE000  }
0x12a: {  	[spmem:s23] =	stream.indirect.scatter.add.f32 [tilespmem:s28], [sflag:$0x3], $0x40, s14, s25, $0xb8;
	[tilespmem:$0x16800] =	vst v63  }
0x12b: {  	_ =	swait.ge [sflag:s19], $0x2000  }
0x12c: {  	s11 =	simm.s32 $0x100;
	s12 =	simm.s32 $0x800;
	[sflag:s19] =	ssyncset.done $0x0  }
.LBB2_4:
0x12d: {  	s13 =	sadd.s32 $0x2880, s11  }
0x12e: {  	[sflag:s19] =	ssyncadd.s32 $0xFFFFE000;
	s1 =	smov.u32 s12;
	s14 =	sadd.s32 $0x400, s12  }
0x12f: {  	[tilespmem:s28], [sflag:$0x2] =	stream.indirect.gather [hbm4b:s21+s25], $0x40, s13, s25, $0xb8;
	[tilespmem:$0x16800] =	vst v63  }
0x130: {  	p0 =	sne.s32 s12, $0x9800;
	_ =	swait.ge [sflag:s29], $0x2000  }
0x131: {  	[sflag:s29] =	ssyncset.done $0x0  }
0x132: {  	s12 =	sadd.s32 $0x5000, s11;
	[sflag:s29] =	ssyncadd.s32 $0xFFFFE000  }
0x133: {  	[spmem:s23] =	stream.indirect.scatter.add.f32 [tilespmem:s26], [sflag:$0x3], $0x40, s12, s25, $0xb8;
	[tilespmem:$0x16800] =	vst v63  }
0x134: {  	_ =	swait.ge [sflag:s19], $0x2000  }
0x135: {  	[sflag:s19] =	ssyncset.done $0x0  }
0x136: {  	s12 =	sadd.s32 $0x2900, s11;
	[sflag:s19] =	ssyncadd.s32 $0xFFFFE000  }
0x137: {  	[tilespmem:s26], [sflag:$0x1] =	stream.indirect.gather [hbm4b:s21+s25], $0x40, s12, s25, $0xb8;
	[tilespmem:$0x16800] =	vst v63  }
0x138: {  	_ =	swait.ge [sflag:s31], $0x2000  }
.Ltmp1:
0x139: {  	[sflag:s31] =	ssyncset.done $0x0;
	(pc) =	sbr.rel @p0 .LBB2_4-.Ltmp1, $4  }
0x13a: {  	s11 =	sadd.s32 $0x5080, s11;
	[sflag:s31] =	ssyncadd.s32 $0xFFFFE000  }
0x13b: {  	[spmem:s23] =	stream.indirect.scatter.add.f32 [tilespmem:s28], [sflag:$0x3], $0x40, s11, s25, $0xb8;
	[tilespmem:$0x16800] =	vst v63  }
0x13c: {  	_ =	swait.ge [sflag:s19], $0x2000  }
0x13d: {  	s12 =	smov.u32 s14;
	s11 =	sshra.s32 s1, $0x2;
	[sflag:s19] =	ssyncset.done $0x0  }
0x13e: {  	s1 =	sadd.s32 $0x2880, s11;
	[sflag:s19] =	ssyncadd.s32 $0xFFFFE000  }
0x13f: {  	[tilespmem:s28], [sflag:$0x2] =	stream.indirect.gather [hbm4b:s21+s25], $0x40, s1, s25, $0xb8;
	[tilespmem:$0x16800] =	vst v63  }
0x140: {  	_ =	swait.ge [sflag:s29], $0x2000  }
0x141: {  	[sflag:s29] =	ssyncset.done $0x0  }
0x142: {  	s12 =	sadd.s32 $0x5000, s11;
	[sflag:s29] =	ssyncadd.s32 $0xFFFFE000  }
0x143: {  	[spmem:s23] =	stream.indirect.scatter.add.f32 [tilespmem:s26], [sflag:$0x3], $0x40, s12, s25, $0xb8;
	[tilespmem:$0x16800] =	vst v63  }
0x144: {  	_ =	swait.ge [sflag:s19], $0x2000  }
0x145: {  	[sflag:s19] =	ssyncset.done $0x0  }
0x146: {  	s13 =	sadd.s32 $0x2900, s11;
	[sflag:s19] =	ssyncadd.s32 $0xFFFFE000  }
0x147: {  	[tilespmem:s26], [sflag:$0x1] =	stream.indirect.gather [hbm4b:s21+s25], $0x40, s13, s25, $0xb8;
	[tilespmem:$0x16800] =	vst v63  }
0x148: {  	_ =	swait.ge [sflag:s31], $0x2000  }
0x149: {  	[sflag:s31] =	ssyncset.done $0x0  }
0x14a: {  	s14 =	sadd.s32 $0x5080, s11;
	[sflag:s31] =	ssyncadd.s32 $0xFFFFE000  }
0x14b: {  	[spmem:s23] =	stream.indirect.scatter.add.f32 [tilespmem:s28], [sflag:$0x3], $0x40, s14, s25, $0xb8;
	[tilespmem:$0x16800] =	vst v63  }
0x14c: {  	_ =	swait.ge [sflag:s19], $0x2000  }
0x14d: {  	[sflag:s19] =	ssyncset.done $0x0  }
0x14e: {  	s11 =	simm.s32 $0x4F80;
	[sflag:s19] =	ssyncadd.s32 $0xFFFFE000  }
0x14f: {  	[tilespmem:s28], [sflag:$0x2] =	stream.indirect.gather [hbm4b:s21+s25], $0x40, s11, s25, $0xb8;
	[tilespmem:$0x16800] =	vst v63  }
0x150: {  	_ =	swait.ge [sflag:s29], $0x2000  }
0x151: {  	[sflag:s29] =	ssyncset.done $0x0  }
0x152: {  	s12 =	simm.s32 $0x7700;
	[sflag:s29] =	ssyncadd.s32 $0xFFFFE000  }
0x153: {  	[spmem:s23] =	stream.indirect.scatter.add.f32 [tilespmem:s26], [sflag:$0x3], $0x40, s12, s25, $0xb8;
	[tilespmem:$0x16800] =	vst v63  }
0x154: {  	_ =	swait.ge [sflag:s19], $0x2000  }
0x155: {  	[sflag:s19] =	ssyncset.done $0x0  }
0x156: {  	[sflag:s19] =	ssyncadd.s32 $0xFFFFE000  }
0x157: {  	_ =	swait.ge [sflag:s31], $0x2000  }
0x158: {  	[sflag:s31] =	ssyncset.done $0x0  }
0x159: {  	s13 =	simm.s32 $0x7780;
	[sflag:s31] =	ssyncadd.s32 $0xFFFFE000  }
0x15a: {  	[spmem:s23] =	stream.indirect.scatter.add.f32 [tilespmem:s28], [sflag:$0x3], $0x40, s13, s25, $0xb8;
	[tilespmem:$0x16800] =	vst v63  }
0x15b: {  	_ =	swait.ge [sflag:s19], $0x2000  }
0x15c: {  	[sflag:s19] =	ssyncset.done $0x0  }
0x15d: {  	[sflag:s19] =	ssyncadd.s32 $0xFFFFE000  }
0x15e: {  	[bflag:$0x0] =	sbarrier.arrive $0xFFFF  }
0x15f: {  	s14 =	rddreg [dreg:$0x4]  }
0x160: {  	[hbm:s14], [sflag:s3] =	dma.local [spmem:s4], $0x200  }
0x161: {  	_ =	swait.ge [sflag:s19], $0x200  }
0x162: {  	[sflag:s19] =	ssyncset.done $0x0  }
0x163: {  	s4 =	rddreg [dreg:$0xf];
	[sflag:s19] =	ssyncadd.s32 $0xFFFFFE00  }
0x164: {  	[hbm:s4], [sflag:s3] =	dma.local [spmem:s5], $0x200  }
0x165: {  	_ =	swait.ge [sflag:s19], $0x200  }
0x166: {  	[sflag:s19] =	ssyncset.done $0x0  }
0x167: {  	s5 =	rddreg [dreg:$0x10];
	[sflag:s19] =	ssyncadd.s32 $0xFFFFFE00  }
0x168: {  	[hbm:s5], [sflag:s3] =	dma.local [spmem:s6], $0x200  }
0x169: {  	_ =	swait.ge [sflag:s19], $0x200  }
0x16a: {  	[sflag:s19] =	ssyncset.done $0x0  }
0x16b: {  	s6 =	rddreg [dreg:$0x11];
	[sflag:s19] =	ssyncadd.s32 $0xFFFFFE00  }
0x16c: {  	[hbm:s6], [sflag:s3] =	dma.local [spmem:s7], $0x200  }
0x16d: {  	_ =	swait.ge [sflag:s19], $0x200  }
0x16e: {  	[sflag:s19] =	ssyncset.done $0x0  }
0x16f: {  	s7 =	rddreg [dreg:$0x12];
	[sflag:s19] =	ssyncadd.s32 $0xFFFFFE00  }
0x170: {  	[hbm:s7], [sflag:s3] =	dma.local [spmem:s8], $0x200  }
0x171: {  	_ =	swait.ge [sflag:s19], $0x200  }
0x172: {  	[sflag:s19] =	ssyncset.done $0x0  }
0x173: {  	s11 =	rddreg [dreg:$0x13];
	[sflag:s19] =	ssyncadd.s32 $0xFFFFFE00  }
0x174: {  	[hbm:s11], [sflag:s3] =	dma.local [spmem:s9], $0x200  }
0x175: {  	_ =	swait.ge [sflag:s19], $0x200  }
0x176: {  	[sflag:s19] =	ssyncset.done $0x0  }
0x177: {  	s12 =	rddreg [dreg:$0x14];
	[sflag:s19] =	ssyncadd.s32 $0xFFFFFE00  }
0x178: {  	[hbm:s12], [sflag:s3] =	dma.local [spmem:s22], $0x200  }
0x179: {  	_ =	swait.ge [sflag:s19], $0x200  }
0x17a: {  	[sflag:s19] =	ssyncset.done $0x0  }
0x17b: {  	s13 =	rddreg [dreg:$0x15];
	[sflag:s19] =	ssyncadd.s32 $0xFFFFFE00  }
0x17c: {  	[hbm:s13], [sflag:s3] =	dma.local [spmem:s20], $0x200  }
0x17d: {  	_ =	swait.ge [sflag:s19], $0x200  }
0x17e: {  	[sflag:s19] =	ssyncset.done $0x0  }
0x17f: {  	s14 =	rddreg [dreg:$0x16];
	[sflag:s19] =	ssyncadd.s32 $0xFFFFFE00  }
0x180: {  	[hbm:s14], [sflag:s3] =	dma.local [spmem:s0], $0x200  }
0x181: {  	_ =	swait.ge [sflag:s19], $0x200  }
0x182: {  	[sflag:s19] =	ssyncset.done $0x0  }
0x183: {  	s20 =	rddreg [dreg:$0x17];
	[sflag:s19] =	ssyncadd.s32 $0xFFFFFE00  }
0x184: {  	[hbm:s20], [sflag:s3] =	dma.local [spmem:s10], $0x200  }
0x185: {  	_ =	swait.ge [sflag:s19], $0x200  }
0x186: {  	s2 =	sadd.s32 $0x1, s2;
	s22 =	rddreg [dreg:$0x1c]  }
0x187: {  	p0 =	sne.s32 s2, s22  }
.Ltmp2:
0x188: {  	_ = 	snop;
	(pc) =	sbr.rel @p0 .LBB2_1-.Ltmp2, $3  }
0x189: {  	_ =	sdelay $0x1  }
0x18a: {  	s11 =	smov.u32 s15;
	s12 =	smov.u32 s16;
	[sflag:s19] =	ssyncset.done $0x0  }
0x18b: {  	s13 =	smov.u32 s17;
	s14 =	smov.u32 s18;
	[sflag:s19] =	ssyncadd.s32 $0xFFFFFE00  }
0x18c: {  	_ =	sfence.sel $0x180000  }
0x18d: {  	[bflag:$0x0] =	sbarrier.arrive $0xFFFF  }
0x18e: {  	_ =	strace $0x9000004A  }
0x18f: {  	s0 =	stileid.u32;
	[bflag:$0x2] =	sbarrier.arrive $0xFFFF  }
0x190: {  	p0 =	sne.s32 s0, $0x0;
	s0 =	rddreg [dreg:$0x3]  }
0x191: {  	s0 =	sadd.s32 @!p0 $0x100000, s0  }
0x192: {  	[sflag:s0] =	ssyncadd.tile.s32 @!p0 $0x1;
	_ =	shalt  }
.Lfunc_end2:
_tile_overlayer_lowered:
.L_overlay_start_2:
0x193: {  	(tag) =	ssettag $0x2  }
0x194: {  	s0 =	rddreg [dreg:$0x0];
	s2 =	stileid.u32  }
0x195: {  	s1 =	rddreg [dreg:$0x1];
	p0 =	sne.s32 s2, $0x0  }
0x196: {  	s3 =	rddreg [dreg:$0x2];
	[bflag:$0x3] =	sbarrier.arrive $0xFFFF;
	s2 =	simm.s32 @!p0 $0x1C03  }
0x197: {  	[timem:s3], [sflag:s2] =	dma.local @!p0 [hbm:s0], s1  }
0x198: {  	s0 =	simm.s32 @!p0 $0x3  }
0x199: {  	_ =	swait.ge @!p0 [sflag:s0], s1  }
0x19a: {  	s1 =	ssub.s32 @!p0 $0x0, s1;
	[sflag:s0] =	ssyncset.done @!p0 $0x0  }
0x19b: {  	[sflag:s0] =	ssyncadd.s32 @!p0 s1  }
0x19c: {  	[bflag:$0x3] =	sbarrier.arrive $0xFFFF  }
0x19d: {  	_ =	shalt  }

// kernel: kernel.14.cloned.1.call-start
scs
__scs_entry_jumppad:
0x0: {  	(pc) =	sbr.rel $0x88, $3  }
0x1: {  	(tag) =	ssettag $0x0;
	lr =	simm.s32 $0x1  }
0x2: {  	[smem:$0x3F9B] =	sst lr;
	_ =	strace $0xD0000000  }
0x3: {  	_ = 	snop  }
0x4: {  	_ = 	snop  }
0x5: {  	_ = 	snop  }
0x6: {  	_ = 	snop  }
0x7: {  	_ = 	snop  }
__scs_overlays_trampoline_lowered:
0x8: {  	[smem:$0x3FAA] =	sst s0  }
0x9: {  	[smem:$0x3FAB] =	sst s1  }
0xa: {  	[smem:$0x3FAC] =	sst s2  }
0xb: {  	[smem:$0x3FAD] =	sst s3  }
0xc: {  	[smem:$0x3FAE] =	sst s4  }
0xd: {  	[smem:$0x3FAF] =	sst s5  }
0xe: {  	[smem:$0x3FB0] =	sst s6  }
0xf: {  	[smem:$0x3FB1] =	sst s7  }
0x10: {  	[smem:$0x3FB2] =	sst s8  }
0x11: {  	[smem:$0x3FB3] =	sst s9;
	s0 =	simm.s32 @!p0 $0x0  }
0x12: {  	s1 =	sld [smem:$0x3F99];
	s0 =	simm.s32 @p0 $0x1  }
0x13: {  	[smem:$0x3FB4] =	sst s0;
	s0 =	simm.s32 @!p1 $0x0  }
0x14: {  	s2 =	sld [smem:$0x3F98];
	s0 =	simm.s32 @p1 $0x1  }
0x15: {  	[smem:$0x3FB5] =	sst s0;
	s0 =	simm.s32 @!p2 $0x0  }
0x16: {  	s3 =	sld [smem:$0x3FDB];
	s0 =	simm.s32 @p2 $0x1  }
0x17: {  	s4 =	simm.s32 $0x1BF5;
	[smem:$0x3FB7] =	sst s0  }
0x18: {  	s0 =	sld [smem:$0x3F9A];
	_ =	swait.ge [sflag:s4], $0x0  }
0x19: {  	s7 =	sld [smem:$0x3F9B]  }
0x1a: {  	s8 =	sadd.s32 $0xFFFFE003, lr  }
0x1b: {  	s9 =	sadd.s32 $0xFFFFFEF7, lr;
	s5 =	simm.s32 $0xFFFFFFFF;
	p2 =	slt.u32 s8, $0xFFFFF086  }
0x1c: {  	p1 =	slt.u32 s9, $0xF7A;
	s5 =	simm.s32 @!p2 $0x0  }
0x1d: {  	s5 =	simm.s32 @p1 $0x1;
	p0 =	seq.s32 s7, s2  }
0x1e: {  	s7 =	smul.u32 @!p0 $0xF7A, s2;
	p2 =	seq.s32 @!p0 s5, $0x0  }
0x1f: {  	s9 =	smul.u32 $0xF7A, s1;
	s8 =	simm.s32 @!p0 $0x1BF5;
	p2 =	por !p2, p0  }
0x20: {  	[sflag:s8] =	ssyncset.s32 @!p0 $0xFFFFF086;
	s6 =	sadd.s32 @!p0 s3, s7;
	s7 =	simm.s32 @!p0 $0x108  }
0x21: {  	s3 =	sadd.s32 s3, s9;
	s6 =	sadd.s32 @!p0 $0x88, s6;
	s7 =	simm.s32 @p2 $0x1082  }
0x22: {  	[simem:s7], [sflag:s8] =	dma.local @!p0 [hbm:s6], $0xF7A  }
0x23: {  	s9 =	sor.u32 $0xD0000000, s2;
	s6 =	simm.s32 $0x108;
	_ =	swait.ge @!p0 [sflag:s8], $0x0  }
0x24: {  	s3 =	sadd.s32 $0x88, s3;
	s6 =	simm.s32 @!p1 $0x1082;
	[sflag:s4] =	ssyncset.s32 $0xFFFFF086  }
0x25: {  	[simem:s6], [sflag:s4] =	dma.local [hbm:s3], $0xF7A  }
0x26: {  	[smem:$0x3F9B] =	sst s1;
	(tag) =	ssettag s2;
	_ =	strace s9  }
0x27: {  	s1 =	sld [smem:$0x3FAB]  }
0x28: {  	s2 =	sld [smem:$0x3FAC]  }
0x29: {  	s4 =	sld [smem:$0x3FAE]  }
0x2a: {  	p0 =	seq.s32 s5, $0x0;
	s5 =	sld [smem:$0x3FAF]  }
0x2b: {  	s6 =	sld [smem:$0x3FB0]  }
0x2c: {  	s7 =	sld [smem:$0x3FB1]  }
0x2d: {  	s3 =	simm.s32 $0x108;
	s8 =	sld [smem:$0x3FB2]  }
0x2e: {  	s3 =	simm.s32 @!p0 $0x1082;
	s9 =	sld [smem:$0x3FB3]  }
0x2f: {  	lr =	sadd.s32 s0, s3;
	s0 =	sld [smem:$0x3FAA]  }
0x30: {  	s3 =	sld [smem:$0x3FAD]  }
0x31: {  	[smem:$0x3FB6] =	sst s10  }
0x32: {  	s10 =	sld [smem:$0x3FB4];
	_ =	sdelay $0x3  }
0x33: {  	p0 =	seq.s32 s10, $0x1;
	s10 =	sld [smem:$0x3FB6];
	_ =	sdelay $0x3  }
0x34: {  	[smem:$0x3FB6] =	sst s10  }
0x35: {  	s10 =	sld [smem:$0x3FB5];
	_ =	sdelay $0x3  }
0x36: {  	p1 =	seq.s32 s10, $0x1;
	s10 =	sld [smem:$0x3FB6];
	_ =	sdelay $0x3  }
0x37: {  	[smem:$0x3FB6] =	sst s10  }
0x38: {  	s10 =	sld [smem:$0x3FB7]  }
0x39: {  	_ = 	snop;
	(pc) =	sbr.ind lr, $3  }
0x3a: {  	_ = 	snop  }
0x3b: {  	_ = 	snop  }
0x3c: {  	p2 =	seq.s32 s10, $0x1;
	s10 =	sld [smem:$0x3FB6]  }
0x3d: {  	_ =	shalt  }
0x3e: {  	_ =	shalt  }
0x3f: {  	_ =	shalt  }
0x40: {  	_ =	shalt  }
0x41: {  	_ =	shalt  }
0x42: {  	_ =	shalt  }
0x43: {  	_ =	shalt  }
0x44: {  	_ =	shalt  }
0x45: {  	_ =	shalt  }
0x46: {  	_ =	shalt  }
0x47: {  	_ =	shalt  }
0x48: {  	_ =	shalt  }
0x49: {  	_ =	shalt  }
0x4a: {  	_ =	shalt  }
0x4b: {  	_ =	shalt  }
0x4c: {  	_ =	shalt  }
0x4d: {  	_ =	shalt  }
0x4e: {  	_ =	shalt  }
0x4f: {  	_ =	shalt  }
0x50: {  	_ =	shalt  }
0x51: {  	_ =	shalt  }
0x52: {  	_ =	shalt  }
0x53: {  	_ =	shalt  }
0x54: {  	_ =	shalt  }
0x55: {  	_ =	shalt  }
0x56: {  	_ =	shalt  }
0x57: {  	_ =	shalt  }
0x58: {  	_ =	shalt  }
0x59: {  	_ =	shalt  }
0x5a: {  	_ =	shalt  }
0x5b: {  	_ =	shalt  }
0x5c: {  	_ =	shalt  }
0x5d: {  	_ =	shalt  }
0x5e: {  	_ =	shalt  }
0x5f: {  	_ =	shalt  }
0x60: {  	_ =	shalt  }
0x61: {  	_ =	shalt  }
0x62: {  	_ =	shalt  }
0x63: {  	_ =	shalt  }
0x64: {  	_ =	shalt  }
0x65: {  	_ =	shalt  }
0x66: {  	_ =	shalt  }
0x67: {  	_ =	shalt  }
0x68: {  	_ =	shalt  }
0x69: {  	_ =	shalt  }
0x6a: {  	_ =	shalt  }
0x6b: {  	_ =	shalt  }
0x6c: {  	_ =	shalt  }
0x6d: {  	_ =	shalt  }
0x6e: {  	_ =	shalt  }
0x6f: {  	_ =	shalt  }
0x70: {  	_ =	shalt  }
0x71: {  	_ =	shalt  }
0x72: {  	_ =	shalt  }
0x73: {  	_ =	shalt  }
0x74: {  	_ =	shalt  }
0x75: {  	_ =	shalt  }
0x76: {  	_ =	shalt  }
0x77: {  	_ =	shalt  }
0x78: {  	_ =	shalt  }
0x79: {  	_ =	shalt  }
0x7a: {  	_ =	shalt  }
0x7b: {  	_ =	shalt  }
0x7c: {  	_ =	shalt  }
0x7d: {  	_ =	shalt  }
0x7e: {  	_ =	shalt  }
0x7f: {  	_ =	shalt  }
0x80: {  	_ =	shalt  }
0x81: {  	_ =	shalt  }
0x82: {  	_ =	shalt  }
0x83: {  	_ =	shalt  }
0x84: {  	_ =	shalt  }
0x85: {  	_ =	shalt  }
0x86: {  	_ =	shalt  }
0x87: {  	_ =	shalt  }
.Lfunc_end0:
.L_simem_size_0:
called_computation.2_lowered:
.L_overlay_start_0:
0x88: {  	s2 =	sld [smem:$0x3FD9]  }
0x89: {  	s3 =	sld [smem:$0x3FFE];
	_ =	sdelay $0x1  }
0x8a: {  	s1 =	srdreg.scid  }
0x8b: {  	s0 =	sand.u32 $0x1, s1  }
0x8c: {  	s14 =	sshll.u32 s0, $0xA;
	s2 =	sadd.s32 s3, s2  }
0x8d: {  	s2 =	sadd.s32 s2, s14  }
0x8e: {  	[smem:$0x3FC2] =	sst s2  }
0x8f: {  	_ = 	snop  }
0x90: {  	s2 =	sld [smem:$0x3FD0];
	_ =	sdelay $0x2  }
0x91: {  	s15 =	simm.s32 $0xA;
	s4 =	simm.s32 $0x10  }
0x92: {  	[smem:s4], [sflag:s15] =	dma.local [hbm:s2], $0x1  }
0x93: {  	_ =	swait.eq [sflag:s15], $0x1  }
0x94: {  	[sflag:s15] =	ssyncset.done $0x0  }
0x95: {  	[sflag:s15] =	ssyncadd.s32 $0xFFFFFFFF  }
0x96: {  	s16 =	sld [smem:$0x10];
	(tm) =	ssettm $0x1  }
0x97: {  	s17 =	sld [smem:$0x3FFB];
	_ =	sdelay $0x3  }
0x98: {  	_ =	strace s17  }
0x99: {  	s3 =	sld [smem:$0x3FFC];
	_ =	sdelay $0x3  }
0x9a: {  	_ =	strace s3  }
0x9b: {  	s3 =	sld [smem:$0x3FFD];
	_ =	sdelay $0x3  }
0x9c: {  	_ =	strace s3  }
0x9d: {  	_ =	strace $0x8FFFFFFF  }
0x9e: {  	s18 =	sld [smem:$0x3FDB];
	_ =	sdelay $0x1  }
0x9f: {  	s19 =	simm.s32 $_scs_section_size  }
0xa0: {  	s5 =	simm.s32 $_size__tile_overlayer_lowered;
	s6 =	simm.s32 $_tile_overlayer_lowered  }
0xa1: {  	s22 =	simm.s32 $0x1BFF;
	s21 =	sshll.u32 s6, $0x1;
	s3 =	sadd.s32 s19, s18  }
0xa2: {  	s7 =	simm.s32 $0x0;
	s20 =	sshll.u32 s5, $0x1;
	s5 =	sadd.s32 s21, s3  }
0xa3: {  	[timem:s7], [sflag:s22] =	dma.local [hbm:s5], s20  }
0xa4: {  	_ =	swait.ge [sflag:s22], s20  }
0xa5: {  	s4 =	ssub.s32 $0x0, s20;
	[sflag:s22] =	ssyncset.done $0x0  }
0xa6: {  	[sflag:s22] =	ssyncadd.s32 s4;
	_ =	sdelay $0x1  }
0xa7: {  	s23 =	simm.s32 $0x1B8B  }
0xa8: {  	_ =	swait.ge [sflag:s23], $0x1  }
0xa9: {  	[sflag:s23] =	ssyncset.done $0x0  }
0xaa: {  	s25 =	simm.s32 $0x1B8E;
	s24 =	sld [smem:$0x3FFE];
	[sflag:s23] =	ssyncadd.s32 $0xFFFFFFFF  }
0xab: {  	s26 =	simm.s32 $execute0_lowered;
	[smem:$0x3FD2] =	sst s25  }
0xac: {  	s5 =	sshll.u32 s26, $0x1;
	_ =	strace $0x8000004C;
	[dreg:$0x1] =	wrdreg $0xFFFFFFFF  }
0xad: {  	s28 =	simm.s32 $_size_execute0_lowered;
	s3 =	sadd.s32 s3, s5;
	[dreg:$0x0] =	wrdreg $0x0  }
0xae: {  	s5 =	sshll.u32 s28, $0x1;
	[dreg:$0x2] =	wrdreg s3  }
0xaf: {  	[dreg:$0x3] =	wrdreg s5  }
0xb0: {  	[dreg:$0x4] =	wrdreg $0xC0  }
0xb1: {  	_ =	task [dreg:s7], $0x5FFFF  }
0xb2: {  	[dreg:$0x1] =	wrdreg $0xFFFFFFFF  }
0xb3: {  	[dreg:$0x0] =	wrdreg $0x60  }
0xb4: {  	[dreg:$0x2] =	wrdreg s16  }
0xb5: {  	[dreg:$0x3] =	wrdreg s24  }
0xb6: {  	[dreg:$0x4] =	wrdreg $0xC8000  }
0xb7: {  	[dreg:$0x5] =	wrdreg $0x9  }
0xb8: {  	_ =	task.clear_ibuf [dreg:s7], $0x6FFFF;
	_ =	strace $0x9000004C  }
0xb9: {  	s29 =	simm.s32 $0x9;
	_ =	strace $0x8000004E  }
0xba: {  	_ =	swait.ge [sflag:s29], $0x1  }
0xbb: {  	[sflag:s29] =	ssyncadd.s32 $0xFFFFFFFF  }
0xbc: {  	_ =	strace $0x9000004E  }
0xbd: {  	_ =	sfence  }
0xbe: {  	s30 =	sld [smem:$0x0];
	_ =	sdelay $0x2  }
0xbf: {  	s31 =	sshll.u32 s1, $0xD;
	s1 =	sshrl.u32 s1, $0x2  }
0xc0: {  	s3 =	sand.u32 $0x4000, s31;
	s1 =	sadd.s32 s1, s30  }
0xc1: {  	s0 =	sor.u32 s3, s0;
	s1 =	sshll.u32 s1, $0x11  }
0xc2: {  	s0 =	sor.u32 s1, s0  }
0xc3: {  	s0 =	sadd.s32 $0x8F2B, s0  }
0xc4: {  	[sflag:s0] =	ssyncadd.remote.s32 $0x1  }
0xc5: {  	_ =	sfence.sel $0xFFFF  }
0xc6: {  	[dreg:$0x0] =	wrdreg $0xFFFFFFFF;
	(pc) =	sbr.abs _section_cstart, $3  }
0xc7: {  	[dreg:$0x1] =	wrdreg $0xFFFFFFFF  }
0xc8: {  	_ =	task.clear_ibuf [dreg:s7], $0x2FFFF;
	_ =	strace $0x9FFFFFFF  }
0xc9: {  	(tm) =	ssettm $0x7FFFFFFF  }
tec
execute0_lowered:
.L_overlay_start_1:
0x0: {  	(tag) =	ssettag $0x1  }
0x1: {  	s0 =	rddreg [dreg:$0x1];
	s2 =	srdreg.scid;
	s3 =	simm.s32 $0x0  }
0x2: {  	s1 =	stileid.u32;
	s2 =	sand.u32 $0x1, s2;
	[smem:$0x7FF] =	sst s3  }
0x3: {  	s10 =	sshll.u32 s1, $0x1;
	s8 =	sadd.s32 $0x2AC00, s0;
	s13 =	smul.u32 $0x140000, s2  }
0x4: {  	s3 =	sor.u32 s2, s10;
	s4 =	ssub.s32 $0x2, s2;
	s2 =	smul.u32 $0xA000, s1  }
0x5: {  	s5 =	smul.u32 $0x500, s3;
	s11 =	sshrl.u32 s4, $0x1;
	s10 =	sadd.s32 $0xA0000, s13  }
0x6: {  	s3 =	ssub.s32 s4, s11;
	s4 =	sor.u32 $0x1000, s2;
	s12 =	sadd.s32 s2, s10  }
0x7: {  	s7 =	sadd.s32 s13, s2;
	s15 =	sadd.s32 s13, s4;
	s6 =	sshrl.u32 s12, $0x3  }
0x8: {  	s14 =	sshrl.u32 s7, $0x3;
	s7 =	sshrl.u32 s15, $0x3;
	s6 =	sadd.s32 s8, s6  }
0x9: {  	s7 =	sadd.s32 s8, s7;
	[dreg:$0x4] =	wrdreg s6  }
0xa: {  	s6 =	sadd.s32 s8, s14;
	[dreg:$0x6] =	wrdreg s7;
	s7 =	sadd.s32 $0x3000, s2  }
0xb: {  	[dreg:$0x5] =	wrdreg s6;
	s6 =	sadd.s32 $0x2000, s2;
	s12 =	sadd.s32 s13, s7  }
0xc: {  	s25 =	sadd.s32 s7, s10;
	s9 =	sadd.s32 s13, s6;
	s16 =	sshrl.u32 s12, $0x3  }
0xd: {  	s24 =	sadd.s32 s6, s10;
	s11 =	sshrl.u32 s9, $0x3;
	s9 =	sadd.s32 $0x4000, s2  }
0xe: {  	s11 =	sadd.s32 s8, s11;
	s17 =	sadd.s32 s13, s9;
	s26 =	sadd.s32 s9, s10  }
0xf: {  	[dreg:$0x7] =	wrdreg s11;
	s11 =	sadd.s32 s8, s16;
	s12 =	sshrl.u32 s17, $0x3  }
0x10: {  	s16 =	sadd.s32 $0x7000, s2;
	s17 =	sadd.s32 $0x9000, s2;
	[dreg:$0x8] =	wrdreg s11  }
0x11: {  	s11 =	sadd.s32 $0x5000, s2;
	s12 =	sadd.s32 s8, s12;
	s19 =	sadd.s32 s13, s16  }
0x12: {  	[dreg:$0x9] =	wrdreg s12;
	s14 =	sadd.s32 s13, s11;
	s12 =	sadd.s32 $0x6000, s2  }
0x13: {  	s20 =	sshrl.u32 s19, $0x3;
	s14 =	sshrl.u32 s14, $0x3;
	s15 =	sadd.s32 s13, s12  }
0x14: {  	s19 =	sshrl.u32 s25, $0x3;
	s14 =	sadd.s32 s8, s14;
	s18 =	sshrl.u32 s15, $0x3  }
0x15: {  	s15 =	sadd.s32 $0x8000, s2;
	[dreg:$0xa] =	wrdreg s14;
	s14 =	sadd.s32 s8, s18  }
0x16: {  	s21 =	sadd.s32 s13, s15;
	s13 =	sadd.s32 s13, s17;
	s18 =	sadd.s32 s4, s10  }
0x17: {  	[dreg:$0xb] =	wrdreg s14;
	s14 =	sadd.s32 s8, s20;
	s13 =	sshrl.u32 s13, $0x3  }
0x18: {  	s22 =	sshrl.u32 s18, $0x3;
	[dreg:$0xc] =	wrdreg s14;
	s13 =	sadd.s32 s8, s13  }
0x19: {  	s20 =	sshrl.u32 s26, $0x3;
	s23 =	sadd.s32 s8, s22;
	[dreg:$0xe] =	wrdreg s13  }
0x1a: {  	s14 =	sshrl.u32 s21, $0x3;
	s21 =	sadd.s32 s8, s20;
	[dreg:$0xf] =	wrdreg s23  }
0x1b: {  	s22 =	sadd.s32 s11, s10;
	s14 =	sadd.s32 s8, s14;
	[dreg:$0x12] =	wrdreg s21  }
0x1c: {  	s13 =	sshrl.u32 s24, $0x3;
	s23 =	sadd.s32 s12, s10;
	s21 =	rddreg [dreg:$0x0]  }
0x1d: {  	s24 =	sadd.s32 s16, s10;
	[dreg:$0xd] =	wrdreg s14;
	s13 =	sadd.s32 s8, s13  }
0x1e: {  	s25 =	sshrl.u32 s23, $0x3;
	[dreg:$0x10] =	wrdreg s13;
	s13 =	sadd.s32 s8, s19  }
0x1f: {  	s26 =	sshrl.u32 s24, $0x3;
	[dreg:$0x11] =	wrdreg s13;
	s13 =	sshrl.u32 s22, $0x3  }
0x20: {  	s23 =	rddreg [dreg:$0x2];
	s18 =	sadd.s32 s8, s26;
	s13 =	sadd.s32 s8, s13  }
0x21: {  	s19 =	sadd.s32 s15, s10;
	[dreg:$0x13] =	wrdreg s13;
	s13 =	sadd.s32 s8, s25  }
0x22: {  	s10 =	sadd.s32 s17, s10;
	[dreg:$0x14] =	wrdreg s13;
	s13 =	sshrl.u32 s19, $0x3  }
0x23: {  	[dreg:$0x15] =	wrdreg s18;
	s10 =	sshrl.u32 s10, $0x3;
	s13 =	sadd.s32 s8, s13  }
0x24: {  	s8 =	sadd.s32 s8, s10;
	[dreg:$0x16] =	wrdreg s13  }
0x25: {  	s5 =	sadd.s32 s5, s0;
	s0 =	sadd.s32 $0x16600, s0;
	[dreg:$0x17] =	wrdreg s8  }
0x26: {  	s24 =	sadd.s32 $0x2600, s5;
	_ =	strace $0x8000004D;
	[dreg:$0x18] =	wrdreg s0  }
0x27: {  	s25 =	sadd.s32 $0x20C00, s5;
	[dreg:$0x19] =	wrdreg s24  }
0x28: {  	s26 =	sadd.s32 $0xC600, s5;
	[dreg:$0x1a] =	wrdreg s25  }
0x29: {  	s20 =	smul.u32 $0x28000, s1;
	s1 =	smax.u32 s3, $0x1;
	[dreg:$0x1b] =	wrdreg s26  }
0x2a: {  	s3 =	sadd.s32 s2, s23;
	[dreg:$0x1c] =	wrdreg s1  }
0x2b: {  	s5 =	sadd.s32 s4, s23;
	[dreg:$0x1d] =	wrdreg s3  }
0x2c: {  	s6 =	sadd.s32 s6, s23;
	[dreg:$0x1e] =	wrdreg s5  }
0x2d: {  	s8 =	sadd.s32 s7, s23;
	[dreg:$0x1f] =	wrdreg s6  }
0x2e: {  	s10 =	sadd.s32 s9, s23;
	[smem:$0x7F2] =	sst s8  }
0x2f: {  	s13 =	sadd.s32 s11, s23;
	[smem:$0x7F3] =	sst s10  }
0x30: {  	s28 =	simm.s32 $0x9800;
	s14 =	sadd.s32 s12, s23;
	[smem:$0x7F4] =	sst s13  }
0x31: {  	s29 =	simm.s32 $0x1;
	s16 =	sadd.s32 s16, s23;
	[smem:$0x7F5] =	sst s14  }
0x32: {  	s22 =	sshrl.u32 s20, $0x2;
	s18 =	sadd.s32 s15, s23;
	[smem:$0x7F6] =	sst s16  }
0x33: {  	s30 =	sadd.s32 s22, s23;
	s19 =	sadd.s32 s17, s23;
	[smem:$0x7F7] =	sst s18  }
0x34: {  	s31 =	simm.s32 $0x2;
	s20 =	sadd.s32 $0x5000, s30;
	[smem:$0x7F8] =	sst s19  }
0x35: {  	s2 =	simm.s32 $0x0;
	s22 =	sadd.s32 $0x6000, s30;
	[smem:$0x7F9] =	sst s20  }
0x36: {  	s12 =	sadd.s32 $0x2000, s30;
	[smem:$0x7FA] =	sst s22;
	s24 =	sadd.s32 $0x7000, s30  }
0x37: {  	s11 =	sadd.s32 $0x1000, s30;
	s25 =	sadd.s32 $0x8000, s30;
	[smem:$0x7FB] =	sst s24  }
0x38: {  	s13 =	sadd.s32 $0x3000, s30;
	s26 =	sadd.s32 $0x9000, s30;
	[smem:$0x7FC] =	sst s25  }
0x39: {  	s14 =	sadd.s32 $0x4000, s30;
	s19 =	simm.s32 $0x3;
	[smem:$0x7FD] =	sst s26  }
0x3a: {  	s24 =	simm.s32 $0xB800;
	s25 =	simm.s32 $0x80;
	s26 =	simm.s32 $0x7800  }
.LBB2_1:
0x3b: {  	s0 =	simm.s32 $0x0;
	s1 =	rddreg [dreg:$0x19]  }
0x3c: {  	[tilespmem:s0], [sflag:$0x3] =	stream.linear.gather [hbm4b:s1+s0], $0x2800, $0x38;
	[tilespmem:$0x16800] =	vst v63  }
0x3d: {  	_ =	swait.ge [sflag:s19], $0x2800  }
0x3e: {  	[sflag:s19] =	ssyncset.done $0x0  }
0x3f: {  	s3 =	simm.s32 $0x2800;
	s4 =	rddreg [dreg:$0x1a];
	[sflag:s19] =	ssyncadd.s32 $0xFFFFD800  }
0x40: {  	[tilespmem:s3], [sflag:$0x3] =	stream.linear.gather [hbm4b:s4+s0], $0x2800, $0x38;
	[tilespmem:$0x16800] =	vst v63  }
0x41: {  	_ =	swait.ge [sflag:s19], $0x2800  }
0x42: {  	[sflag:s19] =	ssyncset.done $0x0  }
0x43: {  	s6 =	simm.s32 $0x5000;
	s5 =	rddreg [dreg:$0x1b];
	[sflag:s19] =	ssyncadd.s32 $0xFFFFD800  }
0x44: {  	[tilespmem:s6], [sflag:$0x3] =	stream.linear.gather [hbm4b:s5+s0], $0x2800, $0x38;
	[tilespmem:$0x16800] =	vst v63  }
0x45: {  	_ =	swait.ge [sflag:s19], $0x2800  }
0x46: {  	[sflag:s19] =	ssyncset.done $0x0  }
0x47: {  	s7 =	rddreg [dreg:$0x18];
	[sflag:s19] =	ssyncadd.s32 $0xFFFFD800  }
0x48: {  	[tilespmem:s24], [sflag:$0x3] =	stream.linear.gather [hbm4b:s7+s0], $0x1000, $0x38;
	[tilespmem:$0x16800] =	vst v63  }
0x49: {  	_ =	swait.ge [sflag:s19], $0x1000  }
0x4a: {  	[sflag:s19] =	ssyncset.done $0x0  }
0x4b: {  	[sflag:s19] =	ssyncadd.s32 $0xFFFFF000  }
0x4c: {  	[spmem:s30] =	stream.linear.scatter [tilespmem:s24], [sflag:$0x3], $0x1000, $0x38;
	[tilespmem:$0x16800] =	vst v63  }
0x4d: {  	_ =	swait.ge [sflag:s19], $0x1000  }
0x4e: {  	[sflag:s19] =	ssyncset.done $0x0  }
0x4f: {  	[sflag:s19] =	ssyncadd.s32 $0xFFFFF000  }
0x50: {  	[spmem:s11] =	stream.linear.scatter [tilespmem:s24], [sflag:$0x3], $0x1000, $0x38;
	[tilespmem:$0x16800] =	vst v63  }
0x51: {  	_ =	swait.ge [sflag:s19], $0x1000  }
0x52: {  	[sflag:s19] =	ssyncset.done $0x0  }
0x53: {  	[sflag:s19] =	ssyncadd.s32 $0xFFFFF000  }
0x54: {  	[spmem:s12] =	stream.linear.scatter [tilespmem:s24], [sflag:$0x3], $0x1000, $0x38;
	[tilespmem:$0x16800] =	vst v63  }
0x55: {  	_ =	swait.ge [sflag:s19], $0x1000  }
0x56: {  	[sflag:s19] =	ssyncset.done $0x0  }
0x57: {  	[sflag:s19] =	ssyncadd.s32 $0xFFFFF000  }
0x58: {  	[spmem:s13] =	stream.linear.scatter [tilespmem:s24], [sflag:$0x3], $0x1000, $0x38;
	[tilespmem:$0x16800] =	vst v63  }
0x59: {  	_ =	swait.ge [sflag:s19], $0x1000  }
0x5a: {  	[sflag:s19] =	ssyncset.done $0x0  }
0x5b: {  	[sflag:s19] =	ssyncadd.s32 $0xFFFFF000  }
0x5c: {  	[spmem:s14] =	stream.linear.scatter [tilespmem:s24], [sflag:$0x3], $0x1000, $0x38;
	[tilespmem:$0x16800] =	vst v63  }
0x5d: {  	_ =	swait.ge [sflag:s19], $0x1000  }
0x5e: {  	s8 =	sld [smem:$0x7F9]  }
0x5f: {  	[sflag:s19] =	ssyncset.done $0x0  }
0x60: {  	[sflag:s19] =	ssyncadd.s32 $0xFFFFF000  }
0x61: {  	[spmem:s8] =	stream.linear.scatter [tilespmem:s24], [sflag:$0x3], $0x1000, $0x38;
	[tilespmem:$0x16800] =	vst v63  }
0x62: {  	_ =	swait.ge [sflag:s19], $0x1000  }
0x63: {  	s9 =	sld [smem:$0x7FA]  }
0x64: {  	[sflag:s19] =	ssyncset.done $0x0  }
0x65: {  	[sflag:s19] =	ssyncadd.s32 $0xFFFFF000  }
0x66: {  	[spmem:s9] =	stream.linear.scatter [tilespmem:s24], [sflag:$0x3], $0x1000, $0x38;
	[tilespmem:$0x16800] =	vst v63  }
0x67: {  	_ =	swait.ge [sflag:s19], $0x1000  }
0x68: {  	s10 =	sld [smem:$0x7FB]  }
0x69: {  	[sflag:s19] =	ssyncset.done $0x0  }
0x6a: {  	[sflag:s19] =	ssyncadd.s32 $0xFFFFF000  }
0x6b: {  	[spmem:s10] =	stream.linear.scatter [tilespmem:s24], [sflag:$0x3], $0x1000, $0x38;
	[tilespmem:$0x16800] =	vst v63  }
0x6c: {  	_ =	swait.ge [sflag:s19], $0x1000  }
0x6d: {  	s15 =	sld [smem:$0x7FC]  }
0x6e: {  	[sflag:s19] =	ssyncset.done $0x0  }
0x6f: {  	[sflag:s19] =	ssyncadd.s32 $0xFFFFF000  }
0x70: {  	[spmem:s15] =	stream.linear.scatter [tilespmem:s24], [sflag:$0x3], $0x1000, $0x38;
	[tilespmem:$0x16800] =	vst v63  }
0x71: {  	_ =	swait.ge [sflag:s19], $0x1000  }
0x72: {  	s16 =	sld [smem:$0x7FD]  }
0x73: {  	[sflag:s19] =	ssyncset.done $0x0  }
0x74: {  	[sflag:s19] =	ssyncadd.s32 $0xFFFFF000  }
0x75: {  	[spmem:s16] =	stream.linear.scatter [tilespmem:s24], [sflag:$0x3], $0x1000, $0x38;
	[tilespmem:$0x16800] =	vst v63  }
0x76: {  	_ =	swait.ge [sflag:s19], $0x1000  }
0x77: {  	[sflag:s19] =	ssyncset.done $0x0  }
0x78: {  	[sflag:s19] =	ssyncadd.s32 $0xFFFFF000  }
0x79: {  	[bflag:$0x0] =	sbarrier.arrive $0xFFFF  }
0x7a: {  	[tilespmem:s26], [sflag:$0x1] =	stream.indirect.gather [hbm4b:s21+s25], $0x40, s0, s25, $0xb8;
	[tilespmem:$0x16800] =	vst v63  }
0x7b: {  	s17 =	simm.s32 $0x80  }
0x7c: {  	[tilespmem:s28], [sflag:$0x2] =	stream.indirect.gather [hbm4b:s21+s25], $0x40, s17, s25, $0xb8;
	[tilespmem:$0x16800] =	vst v63  }
0x7d: {  	_ =	swait.ge [sflag:s29], $0x2000  }
0x7e: {  	[sflag:s29] =	ssyncset.done $0x0  }
0x7f: {  	s18 =	simm.s32 $0x5000;
	[sflag:s29] =	ssyncadd.s32 $0xFFFFE000  }
0x80: {  	[spmem:s23] =	stream.indirect.scatter.add.f32 [tilespmem:s26], [sflag:$0x3], $0x40, s18, s25, $0xb8;
	[tilespmem:$0x16800] =	vst v63  }
0x81: {  	_ =	swait.ge [sflag:s19], $0x2000  }
0x82: {  	[sflag:s19] =	ssyncset.done $0x0  }
0x83: {  	s20 =	simm.s32 $0x100;
	[sflag:s19] =	ssyncadd.s32 $0xFFFFE000  }
0x84: {  	[tilespmem:s26], [sflag:$0x1] =	stream.indirect.gather [hbm4b:s21+s25], $0x40, s20, s25, $0xb8;
	[tilespmem:$0x16800] =	vst v63  }
0x85: {  	_ =	swait.ge [sflag:s31], $0x2000  }
0x86: {  	[sflag:s31] =	ssyncset.done $0x0  }
0x87: {  	s22 =	simm.s32 $0x5080;
	[sflag:s31] =	ssyncadd.s32 $0xFFFFE000  }
0x88: {  	[spmem:s23] =	stream.indirect.scatter.add.f32 [tilespmem:s28], [sflag:$0x3], $0x40, s22, s25, $0xb8;
	[tilespmem:$0x16800] =	vst v63  }
0x89: {  	_ =	swait.ge [sflag:s19], $0x2000  }
0x8a: {  	s3 =	simm.s32 $0x800;
	s0 =	simm.s32 $0x100;
	[sflag:s19] =	ssyncset.done $0x0  }
.LBB2_2:
0x8b: {  	s4 =	sadd.s32 $0x80, s0  }
0x8c: {  	[sflag:s19] =	ssyncadd.s32 $0xFFFFE000;
	s5 =	smov.u32 s3;
	s6 =	sadd.s32 $0x400, s3  }
0x8d: {  	[tilespmem:s28], [sflag:$0x2] =	stream.indirect.gather [hbm4b:s21+s25], $0x40, s4, s25, $0xb8;
	[tilespmem:$0x16800] =	vst v63  }
0x8e: {  	p0 =	sne.s32 s3, $0x9800;
	_ =	swait.ge [sflag:s29], $0x2000  }
0x8f: {  	[sflag:s29] =	ssyncset.done $0x0  }
0x90: {  	s3 =	sadd.s32 $0x5000, s0;
	[sflag:s29] =	ssyncadd.s32 $0xFFFFE000  }
0x91: {  	[spmem:s23] =	stream.indirect.scatter.add.f32 [tilespmem:s26], [sflag:$0x3], $0x40, s3, s25, $0xb8;
	[tilespmem:$0x16800] =	vst v63  }
0x92: {  	_ =	swait.ge [sflag:s19], $0x2000  }
0x93: {  	[sflag:s19] =	ssyncset.done $0x0  }
0x94: {  	s3 =	sadd.s32 $0x100, s0;
	[sflag:s19] =	ssyncadd.s32 $0xFFFFE000  }
0x95: {  	[tilespmem:s26], [sflag:$0x1] =	stream.indirect.gather [hbm4b:s21+s25], $0x40, s3, s25, $0xb8;
	[tilespmem:$0x16800] =	vst v63  }
0x96: {  	_ =	swait.ge [sflag:s31], $0x2000  }
.Ltmp0:
0x97: {  	[sflag:s31] =	ssyncset.done $0x0;
	(pc) =	sbr.rel @p0 .LBB2_2-.Ltmp0, $4  }
0x98: {  	s0 =	sadd.s32 $0x5080, s0;
	[sflag:s31] =	ssyncadd.s32 $0xFFFFE000  }
0x99: {  	[spmem:s23] =	stream.indirect.scatter.add.f32 [tilespmem:s28], [sflag:$0x3], $0x40, s0, s25, $0xb8;
	[tilespmem:$0x16800] =	vst v63  }
0x9a: {  	_ =	swait.ge [sflag:s19], $0x2000  }
0x9b: {  	s3 =	smov.u32 s6;
	s0 =	sshra.s32 s5, $0x2;
	[sflag:s19] =	ssyncset.done $0x0  }
0x9c: {  	s3 =	sadd.s32 $0x80, s0;
	[sflag:s19] =	ssyncadd.s32 $0xFFFFE000  }
0x9d: {  	[tilespmem:s28], [sflag:$0x2] =	stream.indirect.gather [hbm4b:s21+s25], $0x40, s3, s25, $0xb8;
	[tilespmem:$0x16800] =	vst v63  }
0x9e: {  	_ =	swait.ge [sflag:s29], $0x2000  }
0x9f: {  	[sflag:s29] =	ssyncset.done $0x0  }
0xa0: {  	s16 =	sadd.s32 $0x5000, s0;
	[sflag:s29] =	ssyncadd.s32 $0xFFFFE000  }
0xa1: {  	[spmem:s23] =	stream.indirect.scatter.add.f32 [tilespmem:s26], [sflag:$0x3], $0x40, s16, s25, $0xb8;
	[tilespmem:$0x16800] =	vst v63  }
0xa2: {  	_ =	swait.ge [sflag:s19], $0x2000  }
0xa3: {  	[sflag:s19] =	ssyncset.done $0x0  }
0xa4: {  	s17 =	sadd.s32 $0x100, s0;
	[sflag:s19] =	ssyncadd.s32 $0xFFFFE000  }
0xa5: {  	[tilespmem:s26], [sflag:$0x1] =	stream.indirect.gather [hbm4b:s21+s25], $0x40, s17, s25, $0xb8;
	[tilespmem:$0x16800] =	vst v63  }
0xa6: {  	_ =	swait.ge [sflag:s31], $0x2000  }
0xa7: {  	[sflag:s31] =	ssyncset.done $0x0  }
0xa8: {  	s18 =	sadd.s32 $0x5080, s0;
	[sflag:s31] =	ssyncadd.s32 $0xFFFFE000  }
0xa9: {  	[spmem:s23] =	stream.indirect.scatter.add.f32 [tilespmem:s28], [sflag:$0x3], $0x40, s18, s25, $0xb8;
	[tilespmem:$0x16800] =	vst v63  }
0xaa: {  	_ =	swait.ge [sflag:s19], $0x2000  }
0xab: {  	[sflag:s19] =	ssyncset.done $0x0  }
0xac: {  	s20 =	simm.s32 $0x2780;
	[sflag:s19] =	ssyncadd.s32 $0xFFFFE000  }
0xad: {  	[tilespmem:s28], [sflag:$0x2] =	stream.indirect.gather [hbm4b:s21+s25], $0x40, s20, s25, $0xb8;
	[tilespmem:$0x16800] =	vst v63  }
0xae: {  	_ =	swait.ge [sflag:s29], $0x2000  }
0xaf: {  	[sflag:s29] =	ssyncset.done $0x0  }
0xb0: {  	s22 =	simm.s32 $0x7700;
	[sflag:s29] =	ssyncadd.s32 $0xFFFFE000  }
0xb1: {  	[spmem:s23] =	stream.indirect.scatter.add.f32 [tilespmem:s26], [sflag:$0x3], $0x40, s22, s25, $0xb8;
	[tilespmem:$0x16800] =	vst v63  }
0xb2: {  	_ =	swait.ge [sflag:s19], $0x2000  }
0xb3: {  	[sflag:s19] =	ssyncset.done $0x0  }
0xb4: {  	[sflag:s19] =	ssyncadd.s32 $0xFFFFE000  }
0xb5: {  	_ =	swait.ge [sflag:s31], $0x2000  }
0xb6: {  	[sflag:s31] =	ssyncset.done $0x0  }
0xb7: {  	s1 =	simm.s32 $0x7780;
	[sflag:s31] =	ssyncadd.s32 $0xFFFFE000  }
0xb8: {  	[spmem:s23] =	stream.indirect.scatter.add.f32 [tilespmem:s28], [sflag:$0x3], $0x40, s1, s25, $0xb8;
	[tilespmem:$0x16800] =	vst v63  }
0xb9: {  	_ =	swait.ge [sflag:s19], $0x2000  }
0xba: {  	[sflag:s19] =	ssyncset.done $0x0  }
0xbb: {  	[sflag:s19] =	ssyncadd.s32 $0xFFFFE000  }
0xbc: {  	s3 =	stileid.u32;
	[bflag:$0x0] =	sbarrier.arrive $0xFFFF  }
0xbd: {  	s0 =	sshll.u32 s3, $0x6;
	s4 =	rddreg [dreg:$0x1d]  }
0xbe: {  	s3 =	sor.u32 $0x1C03, s0;
	s5 =	rddreg [dreg:$0x5];
	s4 =	sshrl.u32 s4, $0x3  }
0xbf: {  	[hbm:s5], [sflag:s3] =	dma.local [spmem:s4], $0x200  }
0xc0: {  	_ =	swait.ge [sflag:s19], $0x200  }
0xc1: {  	[sflag:s19] =	ssyncset.done $0x0;
	s6 =	rddreg [dreg:$0x1e]  }
0xc2: {  	s7 =	rddreg [dreg:$0x6];
	[sflag:s19] =	ssyncadd.s32 $0xFFFFFE00;
	s5 =	sshrl.u32 s6, $0x3  }
0xc3: {  	[hbm:s7], [sflag:s3] =	dma.local [spmem:s5], $0x200  }
0xc4: {  	_ =	swait.ge [sflag:s19], $0x200  }
0xc5: {  	[sflag:s19] =	ssyncset.done $0x0;
	s8 =	rddreg [dreg:$0x1f]  }
0xc6: {  	s9 =	rddreg [dreg:$0x7];
	[sflag:s19] =	ssyncadd.s32 $0xFFFFFE00;
	s6 =	sshrl.u32 s8, $0x3  }
0xc7: {  	[hbm:s9], [sflag:s3] =	dma.local [spmem:s6], $0x200  }
0xc8: {  	_ =	swait.ge [sflag:s19], $0x200  }
0xc9: {  	s10 =	sld [smem:$0x7F2];
	_ =	sdelay $0x1  }
0xca: {  	[sflag:s19] =	ssyncset.done $0x0  }
0xcb: {  	s15 =	rddreg [dreg:$0x8];
	[sflag:s19] =	ssyncadd.s32 $0xFFFFFE00;
	s7 =	sshrl.u32 s10, $0x3  }
0xcc: {  	[hbm:s15], [sflag:s3] =	dma.local [spmem:s7], $0x200  }
0xcd: {  	_ =	swait.ge [sflag:s19], $0x200  }
0xce: {  	s16 =	sld [smem:$0x7F3];
	_ =	sdelay $0x1  }
0xcf: {  	[sflag:s19] =	ssyncset.done $0x0  }
0xd0: {  	s17 =	rddreg [dreg:$0x9];
	[sflag:s19] =	ssyncadd.s32 $0xFFFFFE00;
	s8 =	sshrl.u32 s16, $0x3  }
0xd1: {  	[hbm:s17], [sflag:s3] =	dma.local [spmem:s8], $0x200  }
0xd2: {  	_ =	swait.ge [sflag:s19], $0x200  }
0xd3: {  	s18 =	sld [smem:$0x7F4];
	_ =	sdelay $0x1  }
0xd4: {  	[sflag:s19] =	ssyncset.done $0x0  }
0xd5: {  	s20 =	rddreg [dreg:$0xa];
	[sflag:s19] =	ssyncadd.s32 $0xFFFFFE00;
	s9 =	sshrl.u32 s18, $0x3  }
0xd6: {  	[hbm:s20], [sflag:s3] =	dma.local [spmem:s9], $0x200  }
0xd7: {  	_ =	swait.ge [sflag:s19], $0x200  }
0xd8: {  	s22 =	sld [smem:$0x7F5];
	_ =	sdelay $0x1  }
0xd9: {  	[sflag:s19] =	ssyncset.done $0x0  }
0xda: {  	s1 =	rddreg [dreg:$0xb];
	[sflag:s19] =	ssyncadd.s32 $0xFFFFFE00;
	s22 =	sshrl.u32 s22, $0x3  }
0xdb: {  	[hbm:s1], [sflag:s3] =	dma.local [spmem:s22], $0x200  }
0xdc: {  	_ =	swait.ge [sflag:s19], $0x200  }
0xdd: {  	s10 =	sld [smem:$0x7F6];
	_ =	sdelay $0x1  }
0xde: {  	[sflag:s19] =	ssyncset.done $0x0  }
0xdf: {  	s15 =	rddreg [dreg:$0xc];
	[sflag:s19] =	ssyncadd.s32 $0xFFFFFE00;
	s20 =	sshrl.u32 s10, $0x3  }
0xe0: {  	[hbm:s15], [sflag:s3] =	dma.local [spmem:s20], $0x200  }
0xe1: {  	_ =	swait.ge [sflag:s19], $0x200  }
0xe2: {  	s16 =	sld [smem:$0x7F7];
	_ =	sdelay $0x1  }
0xe3: {  	[sflag:s19] =	ssyncset.done $0x0  }
0xe4: {  	s1 =	rddreg [dreg:$0xd];
	[sflag:s19] =	ssyncadd.s32 $0xFFFFFE00;
	s0 =	sshrl.u32 s16, $0x3  }
0xe5: {  	[hbm:s1], [sflag:s3] =	dma.local [spmem:s0], $0x200  }
0xe6: {  	_ =	swait.ge [sflag:s19], $0x200  }
0xe7: {  	s17 =	sld [smem:$0x7F8];
	_ =	sdelay $0x1  }
0xe8: {  	[sflag:s19] =	ssyncset.done $0x0  }
0xe9: {  	s18 =	rddreg [dreg:$0xe];
	[sflag:s19] =	ssyncadd.s32 $0xFFFFFE00;
	s10 =	sshrl.u32 s17, $0x3  }
0xea: {  	[hbm:s18], [sflag:s3] =	dma.local [spmem:s10], $0x200  }
0xeb: {  	_ =	swait.ge [sflag:s19], $0x200  }
0xec: {  	[sflag:s19] =	ssyncset.done $0x0  }
0xed: {  	[sflag:s19] =	ssyncadd.s32 $0xFFFFFE00  }
0xee: {  	[spmem:s30] =	stream.linear.scatter [tilespmem:s24], [sflag:$0x3], $0x1000, $0x38;
	[tilespmem:$0x16800] =	vst v63  }
0xef: {  	_ =	swait.ge [sflag:s19], $0x1000  }
0xf0: {  	[sflag:s19] =	ssyncset.done $0x0  }
0xf1: {  	[sflag:s19] =	ssyncadd.s32 $0xFFFFF000  }
0xf2: {  	[spmem:s11] =	stream.linear.scatter [tilespmem:s24], [sflag:$0x3], $0x1000, $0x38;
	[tilespmem:$0x16800] =	vst v63  }
0xf3: {  	_ =	swait.ge [sflag:s19], $0x1000  }
0xf4: {  	[sflag:s19] =	ssyncset.done $0x0  }
0xf5: {  	[sflag:s19] =	ssyncadd.s32 $0xFFFFF000  }
0xf6: {  	[spmem:s12] =	stream.linear.scatter [tilespmem:s24], [sflag:$0x3], $0x1000, $0x38;
	[tilespmem:$0x16800] =	vst v63  }
0xf7: {  	_ =	swait.ge [sflag:s19], $0x1000  }
0xf8: {  	[sflag:s19] =	ssyncset.done $0x0  }
0xf9: {  	[sflag:s19] =	ssyncadd.s32 $0xFFFFF000  }
0xfa: {  	[spmem:s13] =	stream.linear.scatter [tilespmem:s24], [sflag:$0x3], $0x1000, $0x38;
	[tilespmem:$0x16800] =	vst v63  }
0xfb: {  	_ =	swait.ge [sflag:s19], $0x1000  }
0xfc: {  	[sflag:s19] =	ssyncset.done $0x0  }
0xfd: {  	[sflag:s19] =	ssyncadd.s32 $0xFFFFF000  }
0xfe: {  	[spmem:s14] =	stream.linear.scatter [tilespmem:s24], [sflag:$0x3], $0x1000, $0x38;
	[tilespmem:$0x16800] =	vst v63  }
0xff: {  	_ =	swait.ge [sflag:s19], $0x1000  }
0x100: {  	s17 =	smov.u32 s13;
	s13 =	sld [smem:$0x7F9]  }
0x101: {  	[sflag:s19] =	ssyncset.done $0x0  }
0x102: {  	[sflag:s19] =	ssyncadd.s32 $0xFFFFF000  }
0x103: {  	[spmem:s13] =	stream.linear.scatter [tilespmem:s24], [sflag:$0x3], $0x1000, $0x38;
	[tilespmem:$0x16800] =	vst v63  }
0x104: {  	_ =	swait.ge [sflag:s19], $0x1000  }
0x105: {  	s18 =	smov.u32 s14;
	s14 =	sld [smem:$0x7FA]  }
0x106: {  	[sflag:s19] =	ssyncset.done $0x0  }
0x107: {  	[sflag:s19] =	ssyncadd.s32 $0xFFFFF000  }
0x108: {  	[spmem:s14] =	stream.linear.scatter [tilespmem:s24], [sflag:$0x3], $0x1000, $0x38;
	[tilespmem:$0x16800] =	vst v63  }
0x109: {  	_ =	swait.ge [sflag:s19], $0x1000  }
0x10a: {  	s15 =	smov.u32 s11;
	s11 =	sld [smem:$0x7FB]  }
0x10b: {  	[sflag:s19] =	ssyncset.done $0x0  }
0x10c: {  	[sflag:s19] =	ssyncadd.s32 $0xFFFFF000  }
0x10d: {  	[spmem:s11] =	stream.linear.scatter [tilespmem:s24], [sflag:$0x3], $0x1000, $0x38;
	[tilespmem:$0x16800] =	vst v63  }
0x10e: {  	_ =	swait.ge [sflag:s19], $0x1000  }
0x10f: {  	s16 =	smov.u32 s12;
	s12 =	sld [smem:$0x7FC]  }
0x110: {  	[sflag:s19] =	ssyncset.done $0x0  }
0x111: {  	[sflag:s19] =	ssyncadd.s32 $0xFFFFF000  }
0x112: {  	[spmem:s12] =	stream.linear.scatter [tilespmem:s24], [sflag:$0x3], $0x1000, $0x38;
	[tilespmem:$0x16800] =	vst v63  }
0x113: {  	_ =	swait.ge [sflag:s19], $0x1000  }
0x114: {  	s13 =	sld [smem:$0x7FD]  }
0x115: {  	[sflag:s19] =	ssyncset.done $0x0  }
0x116: {  	[sflag:s19] =	ssyncadd.s32 $0xFFFFF000  }
0x117: {  	[spmem:s13] =	stream.linear.scatter [tilespmem:s24], [sflag:$0x3], $0x1000, $0x38;
	[tilespmem:$0x16800] =	vst v63  }
0x118: {  	_ =	swait.ge [sflag:s19], $0x1000  }
0x119: {  	[sflag:s19] =	ssyncset.done $0x0  }
0x11a: {  	[sflag:s19] =	ssyncadd.s32 $0xFFFFF000  }
0x11b: {  	s14 =	simm.s32 $0x2800;
	[bflag:$0x0] =	sbarrier.arrive $0xFFFF  }
0x11c: {  	[tilespmem:s26], [sflag:$0x1] =	stream.indirect.gather [hbm4b:s21+s25], $0x40, s14, s25, $0xb8;
	[tilespmem:$0x16800] =	vst v63  }
0x11d: {  	s1 =	simm.s32 $0x2880  }
0x11e: {  	[tilespmem:s28], [sflag:$0x2] =	stream.indirect.gather [hbm4b:s21+s25], $0x40, s1, s25, $0xb8;
	[tilespmem:$0x16800] =	vst v63  }
0x11f: {  	_ =	swait.ge [sflag:s29], $0x2000  }
0x120: {  	[sflag:s29] =	ssyncset.done $0x0  }
0x121: {  	s12 =	simm.s32 $0x5000;
	[sflag:s29] =	ssyncadd.s32 $0xFFFFE000  }
0x122: {  	[spmem:s23] =	stream.indirect.scatter.add.f32 [tilespmem:s26], [sflag:$0x3], $0x40, s12, s25, $0xb8;
	[tilespmem:$0x16800] =	vst v63  }
0x123: {  	_ =	swait.ge [sflag:s19], $0x2000  }
0x124: {  	[sflag:s19] =	ssyncset.done $0x0  }
0x125: {  	s13 =	simm.s32 $0x2900;
	[sflag:s19] =	ssyncadd.s32 $0xFFFFE000  }
0x126: {  	[tilespmem:s26], [sflag:$0x1] =	stream.indirect.gather [hbm4b:s21+s25], $0x40, s13, s25, $0xb8;
	[tilespmem:$0x16800] =	vst v63  }
0x127: {  	_ =	swait.ge [sflag:s31], $0x2000  }
0x128: {  	[sflag:s31] =	ssyncset.done $0x0  }
0x129: {  	s14 =	simm.s32 $0x5080;
	[sflag:s31] =	ssyncadd.s32 $0xFFFFE000  }
0x12a: {  	[spmem:s23] =	stream.indirect.scatter.add.f32 [tilespmem:s28], [sflag:$0x3], $0x40, s14, s25, $0xb8;
	[tilespmem:$0x16800] =	vst v63  }
0x12b: {  	_ =	swait.ge [sflag:s19], $0x2000  }
0x12c: {  	s11 =	simm.s32 $0x100;
	s12 =	simm.s32 $0x800;
	[sflag:s19] =	ssyncset.done $0x0  }
.LBB2_4:
0x12d: {  	s13 =	sadd.s32 $0x2880, s11  }
0x12e: {  	[sflag:s19] =	ssyncadd.s32 $0xFFFFE000;
	s1 =	smov.u32 s12;
	s14 =	sadd.s32 $0x400, s12  }
0x12f: {  	[tilespmem:s28], [sflag:$0x2] =	stream.indirect.gather [hbm4b:s21+s25], $0x40, s13, s25, $0xb8;
	[tilespmem:$0x16800] =	vst v63  }
0x130: {  	p0 =	sne.s32 s12, $0x9800;
	_ =	swait.ge [sflag:s29], $0x2000  }
0x131: {  	[sflag:s29] =	ssyncset.done $0x0  }
0x132: {  	s12 =	sadd.s32 $0x5000, s11;
	[sflag:s29] =	ssyncadd.s32 $0xFFFFE000  }
0x133: {  	[spmem:s23] =	stream.indirect.scatter.add.f32 [tilespmem:s26], [sflag:$0x3], $0x40, s12, s25, $0xb8;
	[tilespmem:$0x16800] =	vst v63  }
0x134: {  	_ =	swait.ge [sflag:s19], $0x2000  }
0x135: {  	[sflag:s19] =	ssyncset.done $0x0  }
0x136: {  	s12 =	sadd.s32 $0x2900, s11;
	[sflag:s19] =	ssyncadd.s32 $0xFFFFE000  }
0x137: {  	[tilespmem:s26], [sflag:$0x1] =	stream.indirect.gather [hbm4b:s21+s25], $0x40, s12, s25, $0xb8;
	[tilespmem:$0x16800] =	vst v63  }
0x138: {  	_ =	swait.ge [sflag:s31], $0x2000  }
.Ltmp1:
0x139: {  	[sflag:s31] =	ssyncset.done $0x0;
	(pc) =	sbr.rel @p0 .LBB2_4-.Ltmp1, $4  }
0x13a: {  	s11 =	sadd.s32 $0x5080, s11;
	[sflag:s31] =	ssyncadd.s32 $0xFFFFE000  }
0x13b: {  	[spmem:s23] =	stream.indirect.scatter.add.f32 [tilespmem:s28], [sflag:$0x3], $0x40, s11, s25, $0xb8;
	[tilespmem:$0x16800] =	vst v63  }
0x13c: {  	_ =	swait.ge [sflag:s19], $0x2000  }
0x13d: {  	s12 =	smov.u32 s14;
	s11 =	sshra.s32 s1, $0x2;
	[sflag:s19] =	ssyncset.done $0x0  }
0x13e: {  	s1 =	sadd.s32 $0x2880, s11;
	[sflag:s19] =	ssyncadd.s32 $0xFFFFE000  }
0x13f: {  	[tilespmem:s28], [sflag:$0x2] =	stream.indirect.gather [hbm4b:s21+s25], $0x40, s1, s25, $0xb8;
	[tilespmem:$0x16800] =	vst v63  }
0x140: {  	_ =	swait.ge [sflag:s29], $0x2000  }
0x141: {  	[sflag:s29] =	ssyncset.done $0x0  }
0x142: {  	s12 =	sadd.s32 $0x5000, s11;
	[sflag:s29] =	ssyncadd.s32 $0xFFFFE000  }
0x143: {  	[spmem:s23] =	stream.indirect.scatter.add.f32 [tilespmem:s26], [sflag:$0x3], $0x40, s12, s25, $0xb8;
	[tilespmem:$0x16800] =	vst v63  }
0x144: {  	_ =	swait.ge [sflag:s19], $0x2000  }
0x145: {  	[sflag:s19] =	ssyncset.done $0x0  }
0x146: {  	s13 =	sadd.s32 $0x2900, s11;
	[sflag:s19] =	ssyncadd.s32 $0xFFFFE000  }
0x147: {  	[tilespmem:s26], [sflag:$0x1] =	stream.indirect.gather [hbm4b:s21+s25], $0x40, s13, s25, $0xb8;
	[tilespmem:$0x16800] =	vst v63  }
0x148: {  	_ =	swait.ge [sflag:s31], $0x2000  }
0x149: {  	[sflag:s31] =	ssyncset.done $0x0  }
0x14a: {  	s14 =	sadd.s32 $0x5080, s11;
	[sflag:s31] =	ssyncadd.s32 $0xFFFFE000  }
0x14b: {  	[spmem:s23] =	stream.indirect.scatter.add.f32 [tilespmem:s28], [sflag:$0x3], $0x40, s14, s25, $0xb8;
	[tilespmem:$0x16800] =	vst v63  }
0x14c: {  	_ =	swait.ge [sflag:s19], $0x2000  }
0x14d: {  	[sflag:s19] =	ssyncset.done $0x0  }
0x14e: {  	s11 =	simm.s32 $0x4F80;
	[sflag:s19] =	ssyncadd.s32 $0xFFFFE000  }
0x14f: {  	[tilespmem:s28], [sflag:$0x2] =	stream.indirect.gather [hbm4b:s21+s25], $0x40, s11, s25, $0xb8;
	[tilespmem:$0x16800] =	vst v63  }
0x150: {  	_ =	swait.ge [sflag:s29], $0x2000  }
0x151: {  	[sflag:s29] =	ssyncset.done $0x0  }
0x152: {  	s12 =	simm.s32 $0x7700;
	[sflag:s29] =	ssyncadd.s32 $0xFFFFE000  }
0x153: {  	[spmem:s23] =	stream.indirect.scatter.add.f32 [tilespmem:s26], [sflag:$0x3], $0x40, s12, s25, $0xb8;
	[tilespmem:$0x16800] =	vst v63  }
0x154: {  	_ =	swait.ge [sflag:s19], $0x2000  }
0x155: {  	[sflag:s19] =	ssyncset.done $0x0  }
0x156: {  	[sflag:s19] =	ssyncadd.s32 $0xFFFFE000  }
0x157: {  	_ =	swait.ge [sflag:s31], $0x2000  }
0x158: {  	[sflag:s31] =	ssyncset.done $0x0  }
0x159: {  	s13 =	simm.s32 $0x7780;
	[sflag:s31] =	ssyncadd.s32 $0xFFFFE000  }
0x15a: {  	[spmem:s23] =	stream.indirect.scatter.add.f32 [tilespmem:s28], [sflag:$0x3], $0x40, s13, s25, $0xb8;
	[tilespmem:$0x16800] =	vst v63  }
0x15b: {  	_ =	swait.ge [sflag:s19], $0x2000  }
0x15c: {  	[sflag:s19] =	ssyncset.done $0x0  }
0x15d: {  	[sflag:s19] =	ssyncadd.s32 $0xFFFFE000  }
0x15e: {  	[bflag:$0x0] =	sbarrier.arrive $0xFFFF  }
0x15f: {  	s14 =	rddreg [dreg:$0x4]  }
0x160: {  	[hbm:s14], [sflag:s3] =	dma.local [spmem:s4], $0x200  }
0x161: {  	_ =	swait.ge [sflag:s19], $0x200  }
0x162: {  	[sflag:s19] =	ssyncset.done $0x0  }
0x163: {  	s4 =	rddreg [dreg:$0xf];
	[sflag:s19] =	ssyncadd.s32 $0xFFFFFE00  }
0x164: {  	[hbm:s4], [sflag:s3] =	dma.local [spmem:s5], $0x200  }
0x165: {  	_ =	swait.ge [sflag:s19], $0x200  }
0x166: {  	[sflag:s19] =	ssyncset.done $0x0  }
0x167: {  	s5 =	rddreg [dreg:$0x10];
	[sflag:s19] =	ssyncadd.s32 $0xFFFFFE00  }
0x168: {  	[hbm:s5], [sflag:s3] =	dma.local [spmem:s6], $0x200  }
0x169: {  	_ =	swait.ge [sflag:s19], $0x200  }
0x16a: {  	[sflag:s19] =	ssyncset.done $0x0  }
0x16b: {  	s6 =	rddreg [dreg:$0x11];
	[sflag:s19] =	ssyncadd.s32 $0xFFFFFE00  }
0x16c: {  	[hbm:s6], [sflag:s3] =	dma.local [spmem:s7], $0x200  }
0x16d: {  	_ =	swait.ge [sflag:s19], $0x200  }
0x16e: {  	[sflag:s19] =	ssyncset.done $0x0  }
0x16f: {  	s7 =	rddreg [dreg:$0x12];
	[sflag:s19] =	ssyncadd.s32 $0xFFFFFE00  }
0x170: {  	[hbm:s7], [sflag:s3] =	dma.local [spmem:s8], $0x200  }
0x171: {  	_ =	swait.ge [sflag:s19], $0x200  }
0x172: {  	[sflag:s19] =	ssyncset.done $0x0  }
0x173: {  	s11 =	rddreg [dreg:$0x13];
	[sflag:s19] =	ssyncadd.s32 $0xFFFFFE00  }
0x174: {  	[hbm:s11], [sflag:s3] =	dma.local [spmem:s9], $0x200  }
0x175: {  	_ =	swait.ge [sflag:s19], $0x200  }
0x176: {  	[sflag:s19] =	ssyncset.done $0x0  }
0x177: {  	s12 =	rddreg [dreg:$0x14];
	[sflag:s19] =	ssyncadd.s32 $0xFFFFFE00  }
0x178: {  	[hbm:s12], [sflag:s3] =	dma.local [spmem:s22], $0x200  }
0x179: {  	_ =	swait.ge [sflag:s19], $0x200  }
0x17a: {  	[sflag:s19] =	ssyncset.done $0x0  }
0x17b: {  	s13 =	rddreg [dreg:$0x15];
	[sflag:s19] =	ssyncadd.s32 $0xFFFFFE00  }
0x17c: {  	[hbm:s13], [sflag:s3] =	dma.local [spmem:s20], $0x200  }
0x17d: {  	_ =	swait.ge [sflag:s19], $0x200  }
0x17e: {  	[sflag:s19] =	ssyncset.done $0x0  }
0x17f: {  	s14 =	rddreg [dreg:$0x16];
	[sflag:s19] =	ssyncadd.s32 $0xFFFFFE00  }
0x180: {  	[hbm:s14], [sflag:s3] =	dma.local [spmem:s0], $0x200  }
0x181: {  	_ =	swait.ge [sflag:s19], $0x200  }
0x182: {  	[sflag:s19] =	ssyncset.done $0x0  }
0x183: {  	s20 =	rddreg [dreg:$0x17];
	[sflag:s19] =	ssyncadd.s32 $0xFFFFFE00  }
0x184: {  	[hbm:s20], [sflag:s3] =	dma.local [spmem:s10], $0x200  }
0x185: {  	_ =	swait.ge [sflag:s19], $0x200  }
0x186: {  	s2 =	sadd.s32 $0x1, s2;
	s22 =	rddreg [dreg:$0x1c]  }
0x187: {  	p0 =	sne.s32 s2, s22  }
.Ltmp2:
0x188: {  	_ = 	snop;
	(pc) =	sbr.rel @p0 .LBB2_1-.Ltmp2, $3  }
0x189: {  	_ =	sdelay $0x1  }
0x18a: {  	s11 =	smov.u32 s15;
	s12 =	smov.u32 s16;
	[sflag:s19] =	ssyncset.done $0x0  }
0x18b: {  	s13 =	smov.u32 s17;
	s14 =	smov.u32 s18;
	[sflag:s19] =	ssyncadd.s32 $0xFFFFFE00  }
0x18c: {  	_ =	sfence.sel $0x180000  }
0x18d: {  	[bflag:$0x0] =	sbarrier.arrive $0xFFFF  }
0x18e: {  	_ =	strace $0x9000004D  }
0x18f: {  	s0 =	stileid.u32;
	[bflag:$0x2] =	sbarrier.arrive $0xFFFF  }
0x190: {  	p0 =	sne.s32 s0, $0x0;
	s0 =	rddreg [dreg:$0x3]  }
0x191: {  	s0 =	sadd.s32 @!p0 $0x100000, s0  }
0x192: {  	[sflag:s0] =	ssyncadd.tile.s32 @!p0 $0x1;
	_ =	shalt  }
.Lfunc_end2:
_tile_overlayer_lowered:
.L_overlay_start_2:
0x193: {  	(tag) =	ssettag $0x2  }
0x194: {  	s0 =	rddreg [dreg:$0x0];
	s2 =	stileid.u32  }
0x195: {  	s1 =	rddreg [dreg:$0x1];
	p0 =	sne.s32 s2, $0x0  }
0x196: {  	s3 =	rddreg [dreg:$0x2];
	[bflag:$0x3] =	sbarrier.arrive $0xFFFF;
	s2 =	simm.s32 @!p0 $0x1C03  }
0x197: {  	[timem:s3], [sflag:s2] =	dma.local @!p0 [hbm:s0], s1  }
0x198: {  	s0 =	simm.s32 @!p0 $0x3  }
0x199: {  	_ =	swait.ge @!p0 [sflag:s0], s1  }
0x19a: {  	s1 =	ssub.s32 @!p0 $0x0, s1;
	[sflag:s0] =	ssyncset.done @!p0 $0x0  }
0x19b: {  	[sflag:s0] =	ssyncadd.s32 @!p0 s1  }
0x19c: {  	[bflag:$0x3] =	sbarrier.arrive $0xFFFF  }
0x19d: {  	_ =	shalt  }

// kernel: kernel.8.cloned.1.call-start
scs
__scs_entry_jumppad:
0x0: {  	(pc) =	sbr.rel $0x88, $3  }
0x1: {  	(tag) =	ssettag $0x0;
	lr =	simm.s32 $0x1  }
0x2: {  	[smem:$0x3F9B] =	sst lr;
	_ =	strace $0xD0000000  }
0x3: {  	_ = 	snop  }
0x4: {  	_ = 	snop  }
0x5: {  	_ = 	snop  }
0x6: {  	_ = 	snop  }
0x7: {  	_ = 	snop  }
__scs_overlays_trampoline_lowered:
0x8: {  	[smem:$0x3FAA] =	sst s0  }
0x9: {  	[smem:$0x3FAB] =	sst s1  }
0xa: {  	[smem:$0x3FAC] =	sst s2  }
0xb: {  	[smem:$0x3FAD] =	sst s3  }
0xc: {  	[smem:$0x3FAE] =	sst s4  }
0xd: {  	[smem:$0x3FAF] =	sst s5  }
0xe: {  	[smem:$0x3FB0] =	sst s6  }
0xf: {  	[smem:$0x3FB1] =	sst s7  }
0x10: {  	[smem:$0x3FB2] =	sst s8  }
0x11: {  	[smem:$0x3FB3] =	sst s9;
	s0 =	simm.s32 @!p0 $0x0  }
0x12: {  	s1 =	sld [smem:$0x3F99];
	s0 =	simm.s32 @p0 $0x1  }
0x13: {  	[smem:$0x3FB4] =	sst s0;
	s0 =	simm.s32 @!p1 $0x0  }
0x14: {  	s2 =	sld [smem:$0x3F98];
	s0 =	simm.s32 @p1 $0x1  }
0x15: {  	[smem:$0x3FB5] =	sst s0;
	s0 =	simm.s32 @!p2 $0x0  }
0x16: {  	s3 =	sld [smem:$0x3FDB];
	s0 =	simm.s32 @p2 $0x1  }
0x17: {  	s4 =	simm.s32 $0x1BF5;
	[smem:$0x3FB7] =	sst s0  }
0x18: {  	s0 =	sld [smem:$0x3F9A];
	_ =	swait.ge [sflag:s4], $0x0  }
0x19: {  	s7 =	sld [smem:$0x3F9B]  }
0x1a: {  	s8 =	sadd.s32 $0xFFFFE003, lr  }
0x1b: {  	s9 =	sadd.s32 $0xFFFFFEF7, lr;
	s5 =	simm.s32 $0xFFFFFFFF;
	p2 =	slt.u32 s8, $0xFFFFF086  }
0x1c: {  	p1 =	slt.u32 s9, $0xF7A;
	s5 =	simm.s32 @!p2 $0x0  }
0x1d: {  	s5 =	simm.s32 @p1 $0x1;
	p0 =	seq.s32 s7, s2  }
0x1e: {  	s7 =	smul.u32 @!p0 $0xF7A, s2;
	p2 =	seq.s32 @!p0 s5, $0x0  }
0x1f: {  	s9 =	smul.u32 $0xF7A, s1;
	s8 =	simm.s32 @!p0 $0x1BF5;
	p2 =	por !p2, p0  }
0x20: {  	[sflag:s8] =	ssyncset.s32 @!p0 $0xFFFFF086;
	s6 =	sadd.s32 @!p0 s3, s7;
	s7 =	simm.s32 @!p0 $0x108  }
0x21: {  	s3 =	sadd.s32 s3, s9;
	s6 =	sadd.s32 @!p0 $0x88, s6;
	s7 =	simm.s32 @p2 $0x1082  }
0x22: {  	[simem:s7], [sflag:s8] =	dma.local @!p0 [hbm:s6], $0xF7A  }
0x23: {  	s9 =	sor.u32 $0xD0000000, s2;
	s6 =	simm.s32 $0x108;
	_ =	swait.ge @!p0 [sflag:s8], $0x0  }
0x24: {  	s3 =	sadd.s32 $0x88, s3;
	s6 =	simm.s32 @!p1 $0x1082;
	[sflag:s4] =	ssyncset.s32 $0xFFFFF086  }
0x25: {  	[simem:s6], [sflag:s4] =	dma.local [hbm:s3], $0xF7A  }
0x26: {  	[smem:$0x3F9B] =	sst s1;
	(tag) =	ssettag s2;
	_ =	strace s9  }
0x27: {  	s1 =	sld [smem:$0x3FAB]  }
0x28: {  	s2 =	sld [smem:$0x3FAC]  }
0x29: {  	s4 =	sld [smem:$0x3FAE]  }
0x2a: {  	p0 =	seq.s32 s5, $0x0;
	s5 =	sld [smem:$0x3FAF]  }
0x2b: {  	s6 =	sld [smem:$0x3FB0]  }
0x2c: {  	s7 =	sld [smem:$0x3FB1]  }
0x2d: {  	s3 =	simm.s32 $0x108;
	s8 =	sld [smem:$0x3FB2]  }
0x2e: {  	s3 =	simm.s32 @!p0 $0x1082;
	s9 =	sld [smem:$0x3FB3]  }
0x2f: {  	lr =	sadd.s32 s0, s3;
	s0 =	sld [smem:$0x3FAA]  }
0x30: {  	s3 =	sld [smem:$0x3FAD]  }
0x31: {  	[smem:$0x3FB6] =	sst s10  }
0x32: {  	s10 =	sld [smem:$0x3FB4];
	_ =	sdelay $0x3  }
0x33: {  	p0 =	seq.s32 s10, $0x1;
	s10 =	sld [smem:$0x3FB6];
	_ =	sdelay $0x3  }
0x34: {  	[smem:$0x3FB6] =	sst s10  }
0x35: {  	s10 =	sld [smem:$0x3FB5];
	_ =	sdelay $0x3  }
0x36: {  	p1 =	seq.s32 s10, $0x1;
	s10 =	sld [smem:$0x3FB6];
	_ =	sdelay $0x3  }
0x37: {  	[smem:$0x3FB6] =	sst s10  }
0x38: {  	s10 =	sld [smem:$0x3FB7]  }
0x39: {  	_ = 	snop;
	(pc) =	sbr.ind lr, $3  }
0x3a: {  	_ = 	snop  }
0x3b: {  	_ = 	snop  }
0x3c: {  	p2 =	seq.s32 s10, $0x1;
	s10 =	sld [smem:$0x3FB6]  }
0x3d: {  	_ =	shalt  }
0x3e: {  	_ =	shalt  }
0x3f: {  	_ =	shalt  }
0x40: {  	_ =	shalt  }
0x41: {  	_ =	shalt  }
0x42: {  	_ =	shalt  }
0x43: {  	_ =	shalt  }
0x44: {  	_ =	shalt  }
0x45: {  	_ =	shalt  }
0x46: {  	_ =	shalt  }
0x47: {  	_ =	shalt  }
0x48: {  	_ =	shalt  }
0x49: {  	_ =	shalt  }
0x4a: {  	_ =	shalt  }
0x4b: {  	_ =	shalt  }
0x4c: {  	_ =	shalt  }
0x4d: {  	_ =	shalt  }
0x4e: {  	_ =	shalt  }
0x4f: {  	_ =	shalt  }
0x50: {  	_ =	shalt  }
0x51: {  	_ =	shalt  }
0x52: {  	_ =	shalt  }
0x53: {  	_ =	shalt  }
0x54: {  	_ =	shalt  }
0x55: {  	_ =	shalt  }
0x56: {  	_ =	shalt  }
0x57: {  	_ =	shalt  }
0x58: {  	_ =	shalt  }
0x59: {  	_ =	shalt  }
0x5a: {  	_ =	shalt  }
0x5b: {  	_ =	shalt  }
0x5c: {  	_ =	shalt  }
0x5d: {  	_ =	shalt  }
0x5e: {  	_ =	shalt  }
0x5f: {  	_ =	shalt  }
0x60: {  	_ =	shalt  }
0x61: {  	_ =	shalt  }
0x62: {  	_ =	shalt  }
0x63: {  	_ =	shalt  }
0x64: {  	_ =	shalt  }
0x65: {  	_ =	shalt  }
0x66: {  	_ =	shalt  }
0x67: {  	_ =	shalt  }
0x68: {  	_ =	shalt  }
0x69: {  	_ =	shalt  }
0x6a: {  	_ =	shalt  }
0x6b: {  	_ =	shalt  }
0x6c: {  	_ =	shalt  }
0x6d: {  	_ =	shalt  }
0x6e: {  	_ =	shalt  }
0x6f: {  	_ =	shalt  }
0x70: {  	_ =	shalt  }
0x71: {  	_ =	shalt  }
0x72: {  	_ =	shalt  }
0x73: {  	_ =	shalt  }
0x74: {  	_ =	shalt  }
0x75: {  	_ =	shalt  }
0x76: {  	_ =	shalt  }
0x77: {  	_ =	shalt  }
0x78: {  	_ =	shalt  }
0x79: {  	_ =	shalt  }
0x7a: {  	_ =	shalt  }
0x7b: {  	_ =	shalt  }
0x7c: {  	_ =	shalt  }
0x7d: {  	_ =	shalt  }
0x7e: {  	_ =	shalt  }
0x7f: {  	_ =	shalt  }
0x80: {  	_ =	shalt  }
0x81: {  	_ =	shalt  }
0x82: {  	_ =	shalt  }
0x83: {  	_ =	shalt  }
0x84: {  	_ =	shalt  }
0x85: {  	_ =	shalt  }
0x86: {  	_ =	shalt  }
0x87: {  	_ =	shalt  }
.Lfunc_end0:
.L_simem_size_0:
called_computation_lowered:
.L_overlay_start_0:
0x88: {  	s2 =	sld [smem:$0x3FD9]  }
0x89: {  	s3 =	sld [smem:$0x3FFE];
	_ =	sdelay $0x1  }
0x8a: {  	s1 =	srdreg.scid  }
0x8b: {  	s0 =	sand.u32 $0x1, s1  }
0x8c: {  	s14 =	sshll.u32 s0, $0xA;
	s2 =	sadd.s32 s3, s2  }
0x8d: {  	s2 =	sadd.s32 s2, s14  }
0x8e: {  	[smem:$0x3FC2] =	sst s2  }
0x8f: {  	_ = 	snop  }
0x90: {  	s2 =	sld [smem:$0x3FD0];
	_ =	sdelay $0x2  }
0x91: {  	s15 =	simm.s32 $0xA;
	s4 =	simm.s32 $0x10  }
0x92: {  	[smem:s4], [sflag:s15] =	dma.local [hbm:s2], $0x1  }
0x93: {  	_ =	swait.eq [sflag:s15], $0x1  }
0x94: {  	[sflag:s15] =	ssyncset.done $0x0  }
0x95: {  	s16 =	sld [smem:$0x10];
	[sflag:s15] =	ssyncadd.s32 $0xFFFFFFFF  }
0x96: {  	s17 =	sld [smem:$0x11];
	(tm) =	ssettm $0x1  }
0x97: {  	s18 =	sld [smem:$0x3FFB];
	_ =	sdelay $0x3  }
0x98: {  	_ =	strace s18  }
0x99: {  	s4 =	sld [smem:$0x3FFC];
	_ =	sdelay $0x3  }
0x9a: {  	_ =	strace s4  }
0x9b: {  	s4 =	sld [smem:$0x3FFD];
	_ =	sdelay $0x3  }
0x9c: {  	_ =	strace s4  }
0x9d: {  	_ =	strace $0x8FFFFFFF  }
0x9e: {  	s19 =	sld [smem:$0x3FDB];
	_ =	sdelay $0x1  }
0x9f: {  	s5 =	simm.s32 $_scs_section_size  }
0xa0: {  	s6 =	simm.s32 $_size__tile_overlayer_lowered;
	s7 =	simm.s32 $_tile_overlayer_lowered  }
0xa1: {  	s22 =	simm.s32 $0x1BFF;
	s21 =	sshll.u32 s7, $0x1;
	s4 =	sadd.s32 s5, s19  }
0xa2: {  	s8 =	simm.s32 $0x0;
	s20 =	sshll.u32 s6, $0x1;
	s6 =	sadd.s32 s21, s4  }
0xa3: {  	[timem:s8], [sflag:s22] =	dma.local [hbm:s6], s20  }
0xa4: {  	_ =	swait.ge [sflag:s22], s20  }
0xa5: {  	s5 =	ssub.s32 $0x0, s20;
	[sflag:s22] =	ssyncset.done $0x0  }
0xa6: {  	[sflag:s22] =	ssyncadd.s32 s5;
	_ =	sdelay $0x1  }
0xa7: {  	s23 =	simm.s32 $0x1B8B  }
0xa8: {  	_ =	swait.ge [sflag:s23], $0x1  }
0xa9: {  	[sflag:s23] =	ssyncset.done $0x0  }
0xaa: {  	s25 =	simm.s32 $0x1B8E;
	s24 =	sld [smem:$0x3FFE];
	[sflag:s23] =	ssyncadd.s32 $0xFFFFFFFF  }
0xab: {  	s26 =	simm.s32 $execute0_lowered;
	[smem:$0x3FD2] =	sst s25  }
0xac: {  	s6 =	sshll.u32 s26, $0x1;
	_ =	strace $0x80000046;
	[dreg:$0x1] =	wrdreg $0xFFFFFFFF  }
0xad: {  	s28 =	simm.s32 $_size_execute0_lowered;
	s4 =	sadd.s32 s4, s6;
	[dreg:$0x0] =	wrdreg $0x0  }
0xae: {  	s6 =	sshll.u32 s28, $0x1;
	[dreg:$0x2] =	wrdreg s4  }
0xaf: {  	[dreg:$0x3] =	wrdreg s6  }
0xb0: {  	[dreg:$0x4] =	wrdreg $0xC0  }
0xb1: {  	_ =	task [dreg:s8], $0x5FFFF  }
0xb2: {  	[dreg:$0x1] =	wrdreg $0xFFFFFFFF  }
0xb3: {  	[dreg:$0x0] =	wrdreg $0x60  }
0xb4: {  	[dreg:$0x2] =	wrdreg s16  }
0xb5: {  	[dreg:$0x3] =	wrdreg s24  }
0xb6: {  	[dreg:$0x4] =	wrdreg s17  }
0xb7: {  	[dreg:$0x5] =	wrdreg $0x9  }
0xb8: {  	_ =	task.clear_ibuf [dreg:s8], $0x6FFFF;
	_ =	strace $0x90000046  }
0xb9: {  	s29 =	simm.s32 $0x9;
	_ =	strace $0x80000048  }
0xba: {  	_ =	swait.ge [sflag:s29], $0x1  }
0xbb: {  	[sflag:s29] =	ssyncadd.s32 $0xFFFFFFFF  }
0xbc: {  	_ =	strace $0x90000048  }
0xbd: {  	_ =	sfence  }
0xbe: {  	s30 =	sld [smem:$0x0];
	_ =	sdelay $0x2  }
0xbf: {  	s31 =	sshll.u32 s1, $0xD;
	s1 =	sshrl.u32 s1, $0x2  }
0xc0: {  	s3 =	sand.u32 $0x4000, s31;
	s1 =	sadd.s32 s1, s30  }
0xc1: {  	s0 =	sor.u32 s3, s0;
	s1 =	sshll.u32 s1, $0x11  }
0xc2: {  	s0 =	sor.u32 s1, s0  }
0xc3: {  	s0 =	sadd.s32 $0x8F2B, s0  }
0xc4: {  	[sflag:s0] =	ssyncadd.remote.s32 $0x1  }
0xc5: {  	_ =	sfence.sel $0xFFFF  }
0xc6: {  	[dreg:$0x0] =	wrdreg $0xFFFFFFFF;
	(pc) =	sbr.abs _section_cstart, $3  }
0xc7: {  	[dreg:$0x1] =	wrdreg $0xFFFFFFFF  }
0xc8: {  	_ =	task.clear_ibuf [dreg:s8], $0x2FFFF;
	_ =	strace $0x9FFFFFFF  }
0xc9: {  	(tm) =	ssettm $0x7FFFFFFF  }
tec
execute0_lowered:
.L_overlay_start_1:
0x0: {  	(tag) =	ssettag $0x1  }
0x1: {  	s4 =	rddreg [dreg:$0x0]  }
0x2: {  	s5 =	rddreg [dreg:$0x1]  }
0x3: {  	s1 =	srdreg.scid;
	s0 =	stileid.u32  }
0x4: {  	s6 =	rddreg [dreg:$0x2];
	s2 =	simm.s32 $0x0;
	s11 =	simm.s32 $0x5000  }
0x5: {  	s12 =	simm.s32 $0x7800;
	s3 =	sand.u32 $0x1, s1;
	s7 =	sshll.u32 s0, $0x1  }
0x6: {  	s13 =	simm.s32 $0x0;
	s1 =	rddreg [dreg:$0x3];
	s7 =	sor.u32 s3, s7  }
0x7: {  	[smem:$0x7FF] =	sst s2;
	s8 =	ssub.s32 $0x2, s3;
	s7 =	smul.u32 $0x500, s7  }
0x8: {  	_ =	strace $0x80000047;
	s3 =	sadd.s32 $0x16600, s5;
	s9 =	sshrl.u32 s8, $0x1  }
0x9: {  	s8 =	ssub.s32 s8, s9;
	s9 =	simm.s32 $0x1;
	s10 =	sadd.s32 s7, s5  }
0xa: {  	s4 =	sadd.s32 s4, s7;
	s6 =	sadd.s32 s6, s7;
	s8 =	smax.u32 s8, $0x1  }
0xb: {  	v0 =	vimm.f32 $1.000000000e+00;
	s5 =	sadd.s32 $0xC600, s10;
	s7 =	sadd.s32 $0x16C00, s10;
	s10 =	simm.s32 $0x2800  }
.LBB2_1:
0xc: {  	[tilespmem:s2], [sflag:$0x1] =	stream.linear.gather [hbm4b:s4+s2], $0x2800, $0x38;
	[tilespmem:$0xA000] =	vst v63  }
0xd: {  	_ =	swait.ge [sflag:s9], $0x2800  }
0xe: {  	[sflag:s9] =	ssyncset.done $0x0  }
0xf: {  	[sflag:s9] =	ssyncadd.s32 $0xFFFFD800  }
0x10: {  	[tilespmem:s10], [sflag:$0x1] =	stream.linear.gather [hbm4b:s5+s2], $0x2800, $0x38;
	[tilespmem:$0xA000] =	vst v63  }
0x11: {  	_ =	swait.ge [sflag:s9], $0x2800  }
0x12: {  	[sflag:s9] =	ssyncset.done $0x0  }
0x13: {  	[sflag:s9] =	ssyncadd.s32 $0xFFFFD800  }
0x14: {  	[tilespmem:s11], [sflag:$0x1] =	stream.linear.gather [hbm4b:s3+s2], $0x2800, $0x38;
	[tilespmem:$0xA000] =	vst v63  }
0x15: {  	_ =	swait.ge [sflag:s9], $0x2800  }
0x16: {  	[sflag:s9] =	ssyncset.done $0x0  }
0x17: {  	[sflag:s9] =	ssyncadd.s32 $0xFFFFD800  }
0x18: {  	[tilespmem:s12], [sflag:$0x1] =	stream.linear.gather [hbm4b:s3+s2], $0x2800, $0x38;
	[tilespmem:$0xA000] =	vst v63  }
0x19: {  	_ =	swait.ge [sflag:s9], $0x2800  }
0x1a: {  	[sflag:s9] =	ssyncset.done $0x0  }
0x1b: {  	s14 =	simm.s32 $0x0;
	[sflag:s9] =	ssyncadd.s32 $0xFFFFD800  }
.LBB2_2:
0x1c: {  	s15 =	sshra.s32 s14, $0x2  }
0x1d: {  	v1 =	vld [tilespmem:s15+$0x0];
	_ =	sdelay $0x7  }
0x1e: {  	[tilespmem:v1+s11+$0x0] =	vst.idx.add.f32.msk $0xffff, v0  }
0x1f: {  	v1 =	vld [tilespmem:s15+$0x2800];
	_ =	sdelay $0x7  }
0x20: {  	[tilespmem:v1+s12+$0x0] =	vst.idx.add.f32.msk $0xffff, v0  }
0x21: {  	v1 =	vld [tilespmem:s15+$0x10];
	_ =	sdelay $0x7  }
0x22: {  	[tilespmem:v1+s11+$0x0] =	vst.idx.add.f32.msk $0xffff, v0  }
0x23: {  	v1 =	vld [tilespmem:s15+$0x2810];
	_ =	sdelay $0x7  }
0x24: {  	[tilespmem:v1+s12+$0x0] =	vst.idx.add.f32.msk $0xffff, v0  }
0x25: {  	v1 =	vld [tilespmem:s15+$0x20];
	_ =	sdelay $0x7  }
0x26: {  	[tilespmem:v1+s11+$0x0] =	vst.idx.add.f32.msk $0xffff, v0  }
0x27: {  	v1 =	vld [tilespmem:s15+$0x2820];
	_ =	sdelay $0x7  }
0x28: {  	[tilespmem:v1+s12+$0x0] =	vst.idx.add.f32.msk $0xffff, v0  }
0x29: {  	v1 =	vld [tilespmem:s15+$0x30];
	_ =	sdelay $0x7  }
0x2a: {  	[tilespmem:v1+s11+$0x0] =	vst.idx.add.f32.msk $0xffff, v0  }
0x2b: {  	v1 =	vld [tilespmem:s15+$0x2830];
	_ =	sdelay $0x7  }
0x2c: {  	[tilespmem:v1+s12+$0x0] =	vst.idx.add.f32.msk $0xffff, v0  }
0x2d: {  	v1 =	vld [tilespmem:s15+$0x40];
	_ =	sdelay $0x7  }
0x2e: {  	[tilespmem:v1+s11+$0x0] =	vst.idx.add.f32.msk $0xffff, v0  }
0x2f: {  	v1 =	vld [tilespmem:s15+$0x2840];
	_ =	sdelay $0x7  }
0x30: {  	[tilespmem:v1+s12+$0x0] =	vst.idx.add.f32.msk $0xffff, v0  }
0x31: {  	v1 =	vld [tilespmem:s15+$0x50];
	_ =	sdelay $0x7  }
0x32: {  	[tilespmem:v1+s11+$0x0] =	vst.idx.add.f32.msk $0xffff, v0  }
0x33: {  	v1 =	vld [tilespmem:s15+$0x2850];
	_ =	sdelay $0x7  }
0x34: {  	[tilespmem:v1+s12+$0x0] =	vst.idx.add.f32.msk $0xffff, v0  }
0x35: {  	v1 =	vld [tilespmem:s15+$0x60];
	_ =	sdelay $0x7  }
0x36: {  	[tilespmem:v1+s11+$0x0] =	vst.idx.add.f32.msk $0xffff, v0  }
0x37: {  	v1 =	vld [tilespmem:s15+$0x2860];
	_ =	sdelay $0x7  }
0x38: {  	[tilespmem:v1+s12+$0x0] =	vst.idx.add.f32.msk $0xffff, v0  }
0x39: {  	v1 =	vld [tilespmem:s15+$0x70];
	_ =	sdelay $0x7  }
0x3a: {  	[tilespmem:v1+s11+$0x0] =	vst.idx.add.f32.msk $0xffff, v0  }
0x3b: {  	v1 =	vld [tilespmem:s15+$0x2870];
	_ =	sdelay $0x2  }
0x3c: {  	p0 =	sne.s32 s14, $0x9E00  }
.Ltmp0:
0x3d: {  	_ = 	snop;
	(pc) =	sbr.rel @p0 .LBB2_2-.Ltmp0, $2  }
0x3e: {  	_ =	sdelay $0x2  }
0x3f: {  	s14 =	sadd.s32 $0x200, s14;
	[tilespmem:v1+s12+$0x0] =	vst.idx.add.f32.msk $0xffff, v0  }
0x40: {  	[hbm4b:s6+s2] =	stream.linear.scatter [tilespmem:s11], [sflag:$0x1], $0x2800, $0x38;
	[tilespmem:$0xA000] =	vst v63  }
0x41: {  	s13 =	sadd.s32 $0x1, s13;
	_ =	swait.ge [sflag:s9], $0x2800  }
0x42: {  	p0 =	sne.s32 s13, s8;
	[sflag:s9] =	ssyncset.done $0x0  }
.Ltmp1:
0x43: {  	[sflag:s9] =	ssyncadd.s32 $0xFFFFD800;
	(pc) =	sbr.rel @p0 .LBB2_1-.Ltmp1, $4  }
0x44: {  	[hbm4b:s7+s2] =	stream.linear.scatter [tilespmem:s12], [sflag:$0x1], $0x2800, $0x38;
	[tilespmem:$0xA000] =	vst v63  }
0x45: {  	_ =	swait.ge [sflag:s9], $0x2800  }
0x46: {  	[sflag:s9] =	ssyncset.done $0x0  }
0x47: {  	[sflag:s9] =	ssyncadd.s32 $0xFFFFD800  }
0x48: {  	_ =	sfence.sel $0x180000  }
0x49: {  	[bflag:$0x0] =	sbarrier.arrive $0xFFFF  }
0x4a: {  	p0 =	sne.s32 s0, $0x0;
	_ =	strace $0x90000047  }
0x4b: {  	s0 =	sadd.s32 @!p0 $0x100000, s1;
	[bflag:$0x2] =	sbarrier.arrive $0xFFFF  }
0x4c: {  	[sflag:s0] =	ssyncadd.tile.s32 @!p0 $0x1;
	_ =	shalt  }
.Lfunc_end2:
_tile_overlayer_lowered:
.L_overlay_start_2:
0x4d: {  	(tag) =	ssettag $0x2  }
0x4e: {  	s0 =	rddreg [dreg:$0x0];
	s2 =	stileid.u32  }
0x4f: {  	s1 =	rddreg [dreg:$0x1];
	p0 =	sne.s32 s2, $0x0  }
0x50: {  	s3 =	rddreg [dreg:$0x2];
	[bflag:$0x3] =	sbarrier.arrive $0xFFFF;
	s2 =	simm.s32 @!p0 $0x1C01  }
0x51: {  	[timem:s3], [sflag:s2] =	dma.local @!p0 [hbm:s0], s1  }
0x52: {  	s0 =	simm.s32 @!p0 $0x1  }
0x53: {  	_ =	swait.ge @!p0 [sflag:s0], s1  }
0x54: {  	s1 =	ssub.s32 @!p0 $0x0, s1;
	[sflag:s0] =	ssyncset.done @!p0 $0x0  }
0x55: {  	[sflag:s0] =	ssyncadd.s32 @!p0 s1  }
0x56: {  	[bflag:$0x3] =	sbarrier.arrive $0xFFFF  }
0x57: {  	_ =	shalt  }

</sc_bundles>
